<compile_context>
chip_gen: v7x
topology: tpu7x:2x2x1
jax: 0.10.2.dev20260603
libtpu: 0.0.44.dev20260713+nightly
codegen_flags: <defaults>
</compile_context>

<pallas_src>
import functools

import jax
import jax.numpy as jnp
from jax import lax
from jax.experimental import pallas as pl
from jax.experimental.pallas import tpu as pltpu
from jax.experimental.pallas import tpu_sc as plsc

L = 16
ROWS = 24576
W = 2048
NC = 2
NS = 16
NW = NC * NS
RPW = ROWS // NW
CO = 32
NSL = RPW // CO
CV = W // L
HL = 128


def _scalar_max(v):
    m = v[0]
    for l in range(1, L):
        m = jnp.maximum(m, v[l])
    return m


def _row_lane_max(buf):

    def scan(j, bv):
        return jnp.maximum(bv, buf[0, pl.ds(j * L, L)])

    return lax.fori_loop(1, CV, scan, buf[0, pl.ds(0, L)])


def _slow_row(full_buf, patch_buf, state, csum_ref, thr, iota):
    state[1] = 0
    state[2] = 0
    csum_ref[0] = jnp.float32(0.0)

    def find_body(_, carry):
        @pl.when(state[2] == 0)
        def _():
            p = state[1]
            csum = csum_ref[0]

            bv = full_buf[0, pl.ds(0, L)]
            bi = iota

            def scan(j, bvbi):
                bv, bi = bvbi
                v = full_buf[0, pl.ds(j * L, L)]
                upd = v > bv
                return (jnp.where(upd, v, bv),
                        jnp.where(upd, iota + j * L, bi))

            bv, bi = lax.fori_loop(1, CV, scan, (bv, bi))

            m, idx = bv[0], bi[0]
            for l in range(1, L):
                v, i = bv[l], bi[l]
                better = jnp.logical_or(
                    v > m, jnp.logical_and(v == m, i < idx))
                m = jnp.where(better, v, m)
                idx = jnp.where(better, i, idx)

            csum2 = csum + m
            sel = csum2 <= thr

            @pl.when(sel)
            def _():
                pbase = (p // L) * L
                oc = patch_buf[0, pl.ds(pbase, L)]
                patch_buf[0, pl.ds(pbase, L)] = jnp.where(
                    iota == p - pbase, idx, oc)
                ibase = (idx // L) * L
                vc = full_buf[0, pl.ds(ibase, L)]
                full_buf[0, pl.ds(ibase, L)] = jnp.where(
                    iota == idx - ibase, jnp.float32(-1.0), vc)
                state[1] = p + 1
                csum_ref[0] = csum2

            @pl.when(jnp.logical_or(jnp.logical_not(sel), p + 1 >= W))
            def _():
                state[2] = 1

        return carry

    lax.fori_loop(0, W, find_body, 0)


@functools.partial(
    pl.kernel,
    out_type=jax.ShapeDtypeStruct((ROWS, W), jnp.int32),
    mesh=plsc.VectorSubcoreMesh(core_axis_name="c", subcore_axis_name="s"),
    scratch_types=[
        pltpu.VMEM((CO, HL), jnp.float32),
        pltpu.VMEM((CO, HL), jnp.float32),
        pltpu.VMEM((CO, W), jnp.int32),
        pltpu.VMEM_SHARED((CO, W), jnp.int32),
        pltpu.VMEM((1, W), jnp.int32),
        pltpu.VMEM((1, W), jnp.float32),
        pltpu.VMEM((L,), jnp.float32),
        pltpu.SMEM((8,), jnp.int32),
        pltpu.SMEM((1,), jnp.float32),
        pltpu.SemaphoreType.DMA,
        pltpu.SemaphoreType.DMA,
        pltpu.SemaphoreType.DMA,
        pltpu.SemaphoreType.DMA,
    ],
)
def _topp_kernel(atn_hbm, sig_hbm, out_hbm,
                 hdr0, hdr1, neg1_buf, shared_neg1, patch_buf, full_buf,
                 sig_buf, state, csum_ref, in_sem0, in_sem1, out_sem,
                 out_sem2):
    c = lax.axis_index("c")
    s = lax.axis_index("s")
    wid = s * NC + c
    base_row = wid * RPW

    iota = lax.iota(jnp.int32, L)
    neg1v = jnp.full((L,), -1, jnp.int32)

    def rows_of(g):
        return pl.ds(pl.multiple_of(base_row + g * CO, CO), CO)

    def hdr_src(g):
        return atn_hbm.at[rows_of(g), pl.ds(0, HL)]

    pltpu.sync_copy(sig_hbm, sig_buf)
    sigv = sig_buf[...]
    sig_scalars = [sigv[h] for h in range(12)]

    for r in range(CO):
        def fill(j, _, r=r):
            neg1_buf[r, pl.ds(j * L, L)] = neg1v
            return 0

        lax.fori_loop(0, CV, fill, 0)

    pltpu.sync_copy(neg1_buf, shared_neg1)
    plsc.subcore_barrier()

    def pfill(j, _):
        patch_buf[0, pl.ds(j * L, L)] = neg1v
        return 0

    lax.fori_loop(0, CV, pfill, 0)

    def drain_one_out(_, carry):
        pltpu.make_async_copy(
            neg1_buf, out_hbm.at[rows_of(0)], out_sem).wait()
        return carry

    def drain_one_out2(_, carry):
        pltpu.make_async_copy(
            shared_neg1, out_hbm.at[rows_of(0)], out_sem2).wait()
        return carry

    def drain_all(_unused=None):
        lax.fori_loop(0, state[3], drain_one_out, 0)
        state[3] = 0
        lax.fori_loop(0, state[5], drain_one_out2, 0)
        state[5] = 0

    def handle_suspect(row, thr):
        pltpu.sync_copy(atn_hbm.at[pl.ds(row, 1)], full_buf)
        m = _scalar_max(_row_lane_max(full_buf))

        @pl.when(m <= thr)
        def _():
            drain_all()
            _slow_row(full_buf, patch_buf, state, csum_ref, thr, iota)
            pltpu.sync_copy(patch_buf, out_hbm.at[pl.ds(row, 1)])

            def refill(j, _):
                patch_buf[0, pl.ds(j * L, L)] = neg1v
                return 0

            lax.fori_loop(0, CV, refill, 0)

    def process(g, hdr_buf):
        row0 = base_row + g * CO

        head = row0 >> 11
        thr = sig_scalars[11]
        for h in range(10, -1, -1):
            thr = jnp.where(head == h, sig_scalars[h], thr)
        use_local = (g % 8) < 5

        @pl.when(use_local)
        def _():
            pltpu.async_copy(neg1_buf, out_hbm.at[rows_of(g)], out_sem)
            state[3] = state[3] + 1

            @pl.when(state[3] > 3)
            def _():
                lax.fori_loop(0, 1, drain_one_out, 0)
                state[3] = state[3] - 1

        @pl.when(jnp.logical_not(use_local))
        def _():
            pltpu.async_copy(shared_neg1, out_hbm.at[rows_of(g)], out_sem2)
            state[5] = state[5] + 1

            @pl.when(state[5] > 3)
            def _():
                lax.fori_loop(0, 1, drain_one_out2, 0)
                state[5] = state[5] - 1

        def classify(r, ns):
            hv = hdr_buf[r, pl.ds(0, L)]
            for j in range(1, HL // L):
                hv = jnp.maximum(hv, hdr_buf[r, pl.ds(j * L, L)])
            return ns + jnp.where(_scalar_max(hv) <= thr, 1, 0)

        nsus = lax.fori_loop(0, CO, classify, 0)

        @pl.when(nsus > 0)
        def _():
            def handle(r, carry):
                hv = hdr_buf[r, pl.ds(0, L)]
                for j in range(1, HL // L):
                    hv = jnp.maximum(hv, hdr_buf[r, pl.ds(j * L, L)])

                @pl.when(_scalar_max(hv) <= thr)
                def _():
                    handle_suspect(row0 + r, thr)

                return carry

            lax.fori_loop(0, CO, handle, 0)

    state[3] = 0
    state[5] = 0

    pltpu.async_copy(hdr_src(0), hdr0, in_sem0)

    def outer(gg, carry):
        g0 = gg * 2
        g1 = g0 + 1
        pltpu.async_copy(hdr_src(g1), hdr1, in_sem1)
        pltpu.make_async_copy(hdr_src(g0), hdr0, in_sem0).wait()
        process(g0, hdr0)
        @pl.when(g0 + 2 < NSL)
        def _():
            pltpu.async_copy(hdr_src(g0 + 2), hdr0, in_sem0)

        pltpu.make_async_copy(hdr_src(g1), hdr1, in_sem1).wait()
        process(g1, hdr1)
        return carry

    lax.fori_loop(0, NSL // 2, outer, 0)

    lax.fori_loop(0, state[3], drain_one_out, 0)
    lax.fori_loop(0, state[5], drain_one_out2, 0)


def kernel(atn, threshold):
    batch, num_heads, seq, seq2 = atn.shape
    atn2 = atn.reshape(num_heads * seq, seq2)
    sig = jax.nn.sigmoid(threshold.astype(jnp.float32))
    sig16 = jnp.pad(sig, (0, L - sig.shape[0]))
    out = _topp_kernel(atn2, sig16)
    return out.reshape(batch, num_heads * seq, seq2)

# --- scband reference (transcript-rebuilt; emitter-appended) ---
"""Pipeline reference for scband-learnable-top-p-84516366451096 (READ-ONLY COPY).

The authoritative reference and input builder live on the scoring server;
editing this copy changes nothing except your own understanding.
"""

import jax, jax.numpy as jnp
import numpy as np


def setup_inputs(seed: int = 0) -> dict:
    key = jax.random.key(seed)
    k1, k2 = jax.random.split(key)
    atn = jax.random.uniform(k1, (1, 12, 2048, 2048), dtype=jnp.float32)
    # learnable parameter from __init__: threshold repeated per head
    threshold = jnp.full((12,), 0.5, dtype=jnp.float32)
    return {"atn": atn, "threshold": threshold}


def reference(atn, threshold):
    batch, num_heads, seq, _ = atn.shape
    atn_c = atn.reshape(batch, num_heads * seq, seq)
    # torch.sort(descending=True) along last dim -> values and indices
    order = jnp.argsort(-atn_c, axis=-1)
    vals = jnp.take_along_axis(atn_c, order, axis=-1)
    cumsum = jnp.cumsum(vals, axis=-1)
    # sigmoid(threshold).view(1, H, 1).repeat(1, S, 1) -> (1, H*S, 1)
    thr = jax.nn.sigmoid(threshold).reshape(1, num_heads, 1)
    thr = jnp.tile(thr, (1, seq, 1))
    mask = cumsum <= thr
    # Dense encoding of the ragged masked_select list: selected indices kept,
    # non-selected positions filled with -1. Row (b, j) corresponds to the
    # j-th element of the original python list for batch b.
    masked_idx = jnp.where(mask, order, -1)
    return masked_idx

if __name__ == "__main__":
    import jax
    _d = setup_inputs()
    print(jax.jit(kernel)(*tuple(_d.values())))

</pallas_src>

<mosaic_0001>
#map = affine_map<(d0, d1) -> (0, 0)>
#map1 = affine_map<(d0, d1) -> (0)>
module attributes {stable_mosaic.version = 14 : i64} {
  func.func @_topp_kernel(%arg0: i32, %arg1: i32, %arg2: memref<24576x2048xf32, #tpu.memory_space<hbm>>, %arg3: memref<16xf32, #tpu.memory_space<hbm>>, %arg4: memref<24576x2048xi32, #tpu.memory_space<hbm>>, %arg5: memref<32x128xf32, #tpu.memory_space<vmem>>, %arg6: memref<32x128xf32, #tpu.memory_space<vmem>>, %arg7: memref<32x2048xi32, #tpu.memory_space<vmem>>, %arg8: memref<32x2048xi32, #tpu.memory_space<vmem_shared>>, %arg9: memref<1x2048xi32, #tpu.memory_space<vmem>>, %arg10: memref<1x2048xf32, #tpu.memory_space<vmem>>, %arg11: memref<16xf32, #tpu.memory_space<vmem>>, %arg12: memref<8xi32, #tpu.memory_space<smem>>, %arg13: memref<1xf32, #tpu.memory_space<smem>>, %arg14: memref<!tpu.dma_semaphore, #tpu.memory_space<semaphore_mem>>, %arg15: memref<!tpu.dma_semaphore, #tpu.memory_space<semaphore_mem>>, %arg16: memref<!tpu.dma_semaphore, #tpu.memory_space<semaphore_mem>>, %arg17: memref<!tpu.dma_semaphore, #tpu.memory_space<semaphore_mem>>) attributes {dimension_semantics = [#tpu.dimension_semantics<core_parallel>, #tpu.dimension_semantics<subcore_parallel>], iteration_bounds = array<i64: 2, 16>, scalar_prefetch = 0 : i64, scratch_operands = 13 : i64, tpu.core_type = #tpu.core_type<sc_vector_subcore>, window_params = [{transform_indices = #map}, {transform_indices = #map1}, {transform_indices = #map}]} {
    %mul3A = arith.constant 2 : i32
    %mul3A_0 = arith.muli %arg1, %mul3A : i32
    %add3A = arith.addi %mul3A_0, %arg0 : i32
    %mul3A_1 = arith.constant 768 : i32
    %mul3A_2 = arith.muli %add3A, %mul3A_1 : i32
    %iota3A = tpu.iota {dimensions = array<i32: 0>} : vector<16xi32>
    %broadcast_in_dim3A = arith.constant -1 : i32
    %broadcast_in_dim3A_3 = vector.broadcast %broadcast_in_dim3A : i32 to vector<16xi32>
    "tpu.region"() ({
      %run_scoped3A = tpu.sem_alloc : memref<!tpu.dma_semaphore, #tpu.memory_space<semaphore_mem>>
      tpu.enqueue_dma source(%arg3 : memref<16xf32, #tpu.memory_space<hbm>>) target(%arg11 : memref<16xf32, #tpu.memory_space<vmem>>) target_semaphore(%run_scoped3A : memref<!tpu.dma_semaphore, #tpu.memory_space<semaphore_mem>>)
      tpu.wait_dma2 semaphore(%run_scoped3A : memref<!tpu.dma_semaphore, #tpu.memory_space<semaphore_mem>>) src(%arg3 : memref<16xf32, #tpu.memory_space<hbm>>) dst(%arg11 : memref<16xf32, #tpu.memory_space<vmem>>)
      tpu.yield
    }) : () -> ()
    %get3A = arith.constant 0 : index
    %get3A_4 = tpu.vector_load %arg11[%get3A] {strides = array<i32>} : memref<16xf32, #tpu.memory_space<vmem>>, vector<16xf32>,
    %get3A_5 = vector.shape_cast %get3A_4 : vector<16xf32> to vector<16xf32>
    %slice3A = vector.extract_strided_slice %get3A_5 {offsets = [0], sizes = [1], strides = [1]} : vector<16xf32> to vector<1xf32>
    %squeeze3A = vector.extract %slice3A[0] : f32 from vector<1xf32>
    %slice3A_6 = vector.extract_strided_slice %get3A_5 {offsets = [1], sizes = [1], strides = [1]} : vector<16xf32> to vector<1xf32>
    %squeeze3A_7 = vector.extract %slice3A_6[0] : f32 from vector<1xf32>
    %slice3A_8 = vector.extract_strided_slice %get3A_5 {offsets = [2], sizes = [1], strides = [1]} : vector<16xf32> to vector<1xf32>
    %squeeze3A_9 = vector.extract %slice3A_8[0] : f32 from vector<1xf32>
    %slice3A_10 = vector.extract_strided_slice %get3A_5 {offsets = [3], sizes = [1], strides = [1]} : vector<16xf32> to vector<1xf32>
    %squeeze3A_11 = vector.extract %slice3A_10[0] : f32 from vector<1xf32>
    %slice3A_12 = vector.extract_strided_slice %get3A_5 {offsets = [4], sizes = [1], strides = [1]} : vector<16xf32> to vector<1xf32>
    %squeeze3A_13 = vector.extract %slice3A_12[0] : f32 from vector<1xf32>
    %slice3A_14 = vector.extract_strided_slice %get3A_5 {offsets = [5], sizes = [1], strides = [1]} : vector<16xf32> to vector<1xf32>
    %squeeze3A_15 = vector.extract %slice3A_14[0] : f32 from vector<1xf32>
    %slice3A_16 = vector.extract_strided_slice %get3A_5 {offsets = [6], sizes = [1], strides = [1]} : vector<16xf32> to vector<1xf32>
    %squeeze3A_17 = vector.extract %slice3A_16[0] : f32 from vector<1xf32>
    %slice3A_18 = vector.extract_strided_slice %get3A_5 {offsets = [7], sizes = [1], strides = [1]} : vector<16xf32> to vector<1xf32>
    %squeeze3A_19 = vector.extract %slice3A_18[0] : f32 from vector<1xf32>
    %slice3A_20 = vector.extract_strided_slice %get3A_5 {offsets = [8], sizes = [1], strides = [1]} : vector<16xf32> to vector<1xf32>
    %squeeze3A_21 = vector.extract %slice3A_20[0] : f32 from vector<1xf32>
    %slice3A_22 = vector.extract_strided_slice %get3A_5 {offsets = [9], sizes = [1], strides = [1]} : vector<16xf32> to vector<1xf32>
    %squeeze3A_23 = vector.extract %slice3A_22[0] : f32 from vector<1xf32>
    %slice3A_24 = vector.extract_strided_slice %get3A_5 {offsets = [10], sizes = [1], strides = [1]} : vector<16xf32> to vector<1xf32>
    %squeeze3A_25 = vector.extract %slice3A_24[0] : f32 from vector<1xf32>
    %slice3A_26 = vector.extract_strided_slice %get3A_5 {offsets = [11], sizes = [1], strides = [1]} : vector<16xf32> to vector<1xf32>
    %squeeze3A_27 = vector.extract %slice3A_26[0] : f32 from vector<1xf32>
    %scan3A = arith.constant 0 : i32
    %scan3A_28 = arith.constant 0 : i32
    %scan3A_29 = arith.constant 128 : i32
    %scan3A_30 = arith.addi %scan3A_28, %scan3A_29 : i32
    %scan3A_31 = arith.constant 1 : i32
    %scan3A_32 = scf.for %scan3A_301 = %scan3A_28 to %scan3A_30 step %scan3A_31 iter_args(%scan3A_302 = %scan3A) -> (i32)  : i32 {
      %mul3A_303 = arith.constant 16 : i32
      %mul3A_304 = arith.muli %scan3A_301, %mul3A_303 : i32
      %swap3A_305 = arith.constant 0 : i32
      %swap3A_306 = arith.index_cast %swap3A_305 : i32 to index
      %swap3A_307 = arith.index_cast %mul3A_304 : i32 to index
      %swap3A_308 = tpu.vector_load %arg7[%swap3A_306, %swap3A_307] {strides = array<i32>} : memref<32x2048xi32, #tpu.memory_space<vmem>>, vector<1x16xi32>,
      %swap3A_309 = vector.shape_cast %swap3A_308 : vector<1x16xi32> to vector<16xi32>
      %swap3A_310 = vector.shape_cast %broadcast_in_dim3A_3 : vector<16xi32> to vector<1x16xi32>
      tpu.vector_store %arg7[%swap3A_306, %swap3A_307], %swap3A_310 {strides = array<i32>} : memref<32x2048xi32, #tpu.memory_space<vmem>>, vector<1x16xi32>,
      %scan3A_311 = arith.constant 0 : i32
      scf.yield %scan3A_311 : i32
    }
    %scan3A_33 = arith.constant 128 : i32
    %scan3A_34 = arith.constant 0 : i32
    %scan3A_35 = arith.constant 0 : i32
    %scan3A_36 = arith.constant 128 : i32
    %scan3A_37 = arith.addi %scan3A_35, %scan3A_36 : i32
    %scan3A_38 = arith.constant 1 : i32
    %scan3A_39 = scf.for %scan3A_301 = %scan3A_35 to %scan3A_37 step %scan3A_38 iter_args(%scan3A_302 = %scan3A_34) -> (i32)  : i32 {
      %mul3A_303 = arith.constant 16 : i32
      %mul3A_304 = arith.muli %scan3A_301, %mul3A_303 : i32
      %swap3A_305 = arith.constant 1 : i32
      %swap3A_306 = arith.index_cast %swap3A_305 : i32 to index
      %swap3A_307 = arith.index_cast %mul3A_304 : i32 to index
      %swap3A_308 = tpu.vector_load %arg7[%swap3A_306, %swap3A_307] {strides = array<i32>} : memref<32x2048xi32, #tpu.memory_space<vmem>>, vector<1x16xi32>,
      %swap3A_309 = vector.shape_cast %swap3A_308 : vector<1x16xi32> to vector<16xi32>
      %swap3A_310 = vector.shape_cast %broadcast_in_dim3A_3 : vector<16xi32> to vector<1x16xi32>
      tpu.vector_store %arg7[%swap3A_306, %swap3A_307], %swap3A_310 {strides = array<i32>} : memref<32x2048xi32, #tpu.memory_space<vmem>>, vector<1x16xi32>,
      %scan3A_311 = arith.constant 0 : i32
      scf.yield %scan3A_311 : i32
    }
    %scan3A_40 = arith.constant 128 : i32
    %scan3A_41 = arith.constant 0 : i32
    %scan3A_42 = arith.constant 0 : i32
    %scan3A_43 = arith.constant 128 : i32
    %scan3A_44 = arith.addi %scan3A_42, %scan3A_43 : i32
    %scan3A_45 = arith.constant 1 : i32
    %scan3A_46 = scf.for %scan3A_301 = %scan3A_42 to %scan3A_44 step %scan3A_45 iter_args(%scan3A_302 = %scan3A_41) -> (i32)  : i32 {
      %mul3A_303 = arith.constant 16 : i32
      %mul3A_304 = arith.muli %scan3A_301, %mul3A_303 : i32
      %swap3A_305 = arith.constant 2 : i32
      %swap3A_306 = arith.index_cast %swap3A_305 : i32 to index
      %swap3A_307 = arith.index_cast %mul3A_304 : i32 to index
      %swap3A_308 = tpu.vector_load %arg7[%swap3A_306, %swap3A_307] {strides = array<i32>} : memref<32x2048xi32, #tpu.memory_space<vmem>>, vector<1x16xi32>,
      %swap3A_309 = vector.shape_cast %swap3A_308 : vector<1x16xi32> to vector<16xi32>
      %swap3A_310 = vector.shape_cast %broadcast_in_dim3A_3 : vector<16xi32> to vector<1x16xi32>
      tpu.vector_store %arg7[%swap3A_306, %swap3A_307], %swap3A_310 {strides = array<i32>} : memref<32x2048xi32, #tpu.memory_space<vmem>>, vector<1x16xi32>,
      %scan3A_311 = arith.constant 0 : i32
      scf.yield %scan3A_311 : i32
    }
    %scan3A_47 = arith.constant 128 : i32
    %scan3A_48 = arith.constant 0 : i32
    %scan3A_49 = arith.constant 0 : i32
    %scan3A_50 = arith.constant 128 : i32
    %scan3A_51 = arith.addi %scan3A_49, %scan3A_50 : i32
    %scan3A_52 = arith.constant 1 : i32
    %scan3A_53 = scf.for %scan3A_301 = %scan3A_49 to %scan3A_51 step %scan3A_52 iter_args(%scan3A_302 = %scan3A_48) -> (i32)  : i32 {
      %mul3A_303 = arith.constant 16 : i32
      %mul3A_304 = arith.muli %scan3A_301, %mul3A_303 : i32
      %swap3A_305 = arith.constant 3 : i32
      %swap3A_306 = arith.index_cast %swap3A_305 : i32 to index
      %swap3A_307 = arith.index_cast %mul3A_304 : i32 to index
      %swap3A_308 = tpu.vector_load %arg7[%swap3A_306, %swap3A_307] {strides = array<i32>} : memref<32x2048xi32, #tpu.memory_space<vmem>>, vector<1x16xi32>,
      %swap3A_309 = vector.shape_cast %swap3A_308 : vector<1x16xi32> to vector<16xi32>
      %swap3A_310 = vector.shape_cast %broadcast_in_dim3A_3 : vector<16xi32> to vector<1x16xi32>
      tpu.vector_store %arg7[%swap3A_306, %swap3A_307], %swap3A_310 {strides = array<i32>} : memref<32x2048xi32, #tpu.memory_space<vmem>>, vector<1x16xi32>,
      %scan3A_311 = arith.constant 0 : i32
      scf.yield %scan3A_311 : i32
    }
    %scan3A_54 = arith.constant 128 : i32
    %scan3A_55 = arith.constant 0 : i32
    %scan3A_56 = arith.constant 0 : i32
    %scan3A_57 = arith.constant 128 : i32
    %scan3A_58 = arith.addi %scan3A_56, %scan3A_57 : i32
    %scan3A_59 = arith.constant 1 : i32
    %scan3A_60 = scf.for %scan3A_301 = %scan3A_56 to %scan3A_58 step %scan3A_59 iter_args(%scan3A_302 = %scan3A_55) -> (i32)  : i32 {
      %mul3A_303 = arith.constant 16 : i32
      %mul3A_304 = arith.muli %scan3A_301, %mul3A_303 : i32
      %swap3A_305 = arith.constant 4 : i32
      %swap3A_306 = arith.index_cast %swap3A_305 : i32 to index
      %swap3A_307 = arith.index_cast %mul3A_304 : i32 to index
      %swap3A_308 = tpu.vector_load %arg7[%swap3A_306, %swap3A_307] {strides = array<i32>} : memref<32x2048xi32, #tpu.memory_space<vmem>>, vector<1x16xi32>,
      %swap3A_309 = vector.shape_cast %swap3A_308 : vector<1x16xi32> to vector<16xi32>
      %swap3A_310 = vector.shape_cast %broadcast_in_dim3A_3 : vector<16xi32> to vector<1x16xi32>
      tpu.vector_store %arg7[%swap3A_306, %swap3A_307], %swap3A_310 {strides = array<i32>} : memref<32x2048xi32, #tpu.memory_space<vmem>>, vector<1x16xi32>,
      %scan3A_311 = arith.constant 0 : i32
      scf.yield %scan3A_311 : i32
    }
    %scan3A_61 = arith.constant 128 : i32
    %scan3A_62 = arith.constant 0 : i32
    %scan3A_63 = arith.constant 0 : i32
    %scan3A_64 = arith.constant 128 : i32
    %scan3A_65 = arith.addi %scan3A_63, %scan3A_64 : i32
    %scan3A_66 = arith.constant 1 : i32
    %scan3A_67 = scf.for %scan3A_301 = %scan3A_63 to %scan3A_65 step %scan3A_66 iter_args(%scan3A_302 = %scan3A_62) -> (i32)  : i32 {
      %mul3A_303 = arith.constant 16 : i32
      %mul3A_304 = arith.muli %scan3A_301, %mul3A_303 : i32
      %swap3A_305 = arith.constant 5 : i32
      %swap3A_306 = arith.index_cast %swap3A_305 : i32 to index
      %swap3A_307 = arith.index_cast %mul3A_304 : i32 to index
      %swap3A_308 = tpu.vector_load %arg7[%swap3A_306, %swap3A_307] {strides = array<i32>} : memref<32x2048xi32, #tpu.memory_space<vmem>>, vector<1x16xi32>,
      %swap3A_309 = vector.shape_cast %swap3A_308 : vector<1x16xi32> to vector<16xi32>
      %swap3A_310 = vector.shape_cast %broadcast_in_dim3A_3 : vector<16xi32> to vector<1x16xi32>
      tpu.vector_store %arg7[%swap3A_306, %swap3A_307], %swap3A_310 {strides = array<i32>} : memref<32x2048xi32, #tpu.memory_space<vmem>>, vector<1x16xi32>,
      %scan3A_311 = arith.constant 0 : i32
      scf.yield %scan3A_311 : i32
    }
    %scan3A_68 = arith.constant 128 : i32
    %scan3A_69 = arith.constant 0 : i32
    %scan3A_70 = arith.constant 0 : i32
    %scan3A_71 = arith.constant 128 : i32
    %scan3A_72 = arith.addi %scan3A_70, %scan3A_71 : i32
    %scan3A_73 = arith.constant 1 : i32
    %scan3A_74 = scf.for %scan3A_301 = %scan3A_70 to %scan3A_72 step %scan3A_73 iter_args(%scan3A_302 = %scan3A_69) -> (i32)  : i32 {
      %mul3A_303 = arith.constant 16 : i32
      %mul3A_304 = arith.muli %scan3A_301, %mul3A_303 : i32
      %swap3A_305 = arith.constant 6 : i32
      %swap3A_306 = arith.index_cast %swap3A_305 : i32 to index
      %swap3A_307 = arith.index_cast %mul3A_304 : i32 to index
      %swap3A_308 = tpu.vector_load %arg7[%swap3A_306, %swap3A_307] {strides = array<i32>} : memref<32x2048xi32, #tpu.memory_space<vmem>>, vector<1x16xi32>,
      %swap3A_309 = vector.shape_cast %swap3A_308 : vector<1x16xi32> to vector<16xi32>
      %swap3A_310 = vector.shape_cast %broadcast_in_dim3A_3 : vector<16xi32> to vector<1x16xi32>
      tpu.vector_store %arg7[%swap3A_306, %swap3A_307], %swap3A_310 {strides = array<i32>} : memref<32x2048xi32, #tpu.memory_space<vmem>>, vector<1x16xi32>,
      %scan3A_311 = arith.constant 0 : i32
      scf.yield %scan3A_311 : i32
    }
    %scan3A_75 = arith.constant 128 : i32
    %scan3A_76 = arith.constant 0 : i32
    %scan3A_77 = arith.constant 0 : i32
    %scan3A_78 = arith.constant 128 : i32
    %scan3A_79 = arith.addi %scan3A_77, %scan3A_78 : i32
    %scan3A_80 = arith.constant 1 : i32
    %scan3A_81 = scf.for %scan3A_301 = %scan3A_77 to %scan3A_79 step %scan3A_80 iter_args(%scan3A_302 = %scan3A_76) -> (i32)  : i32 {
      %mul3A_303 = arith.constant 16 : i32
      %mul3A_304 = arith.muli %scan3A_301, %mul3A_303 : i32
      %swap3A_305 = arith.constant 7 : i32
      %swap3A_306 = arith.index_cast %swap3A_305 : i32 to index
      %swap3A_307 = arith.index_cast %mul3A_304 : i32 to index
      %swap3A_308 = tpu.vector_load %arg7[%swap3A_306, %swap3A_307] {strides = array<i32>} : memref<32x2048xi32, #tpu.memory_space<vmem>>, vector<1x16xi32>,
      %swap3A_309 = vector.shape_cast %swap3A_308 : vector<1x16xi32> to vector<16xi32>
      %swap3A_310 = vector.shape_cast %broadcast_in_dim3A_3 : vector<16xi32> to vector<1x16xi32>
      tpu.vector_store %arg7[%swap3A_306, %swap3A_307], %swap3A_310 {strides = array<i32>} : memref<32x2048xi32, #tpu.memory_space<vmem>>, vector<1x16xi32>,
      %scan3A_311 = arith.constant 0 : i32
      scf.yield %scan3A_311 : i32
    }
    %scan3A_82 = arith.constant 128 : i32
    %scan3A_83 = arith.constant 0 : i32
    %scan3A_84 = arith.constant 0 : i32
    %scan3A_85 = arith.constant 128 : i32
    %scan3A_86 = arith.addi %scan3A_84, %scan3A_85 : i32
    %scan3A_87 = arith.constant 1 : i32
    %scan3A_88 = scf.for %scan3A_301 = %scan3A_84 to %scan3A_86 step %scan3A_87 iter_args(%scan3A_302 = %scan3A_83) -> (i32)  : i32 {
      %mul3A_303 = arith.constant 16 : i32
      %mul3A_304 = arith.muli %scan3A_301, %mul3A_303 : i32
      %swap3A_305 = arith.constant 8 : i32
      %swap3A_306 = arith.index_cast %swap3A_305 : i32 to index
      %swap3A_307 = arith.index_cast %mul3A_304 : i32 to index
      %swap3A_308 = tpu.vector_load %arg7[%swap3A_306, %swap3A_307] {strides = array<i32>} : memref<32x2048xi32, #tpu.memory_space<vmem>>, vector<1x16xi32>,
      %swap3A_309 = vector.shape_cast %swap3A_308 : vector<1x16xi32> to vector<16xi32>
      %swap3A_310 = vector.shape_cast %broadcast_in_dim3A_3 : vector<16xi32> to vector<1x16xi32>
      tpu.vector_store %arg7[%swap3A_306, %swap3A_307], %swap3A_310 {strides = array<i32>} : memref<32x2048xi32, #tpu.memory_space<vmem>>, vector<1x16xi32>,
      %scan3A_311 = arith.constant 0 : i32
      scf.yield %scan3A_311 : i32
    }
    %scan3A_89 = arith.constant 128 : i32
    %scan3A_90 = arith.constant 0 : i32
    %scan3A_91 = arith.constant 0 : i32
    %scan3A_92 = arith.constant 128 : i32
    %scan3A_93 = arith.addi %scan3A_91, %scan3A_92 : i32
    %scan3A_94 = arith.constant 1 : i32
    %scan3A_95 = scf.for %scan3A_301 = %scan3A_91 to %scan3A_93 step %scan3A_94 iter_args(%scan3A_302 = %scan3A_90) -> (i32)  : i32 {
      %mul3A_303 = arith.constant 16 : i32
      %mul3A_304 = arith.muli %scan3A_301, %mul3A_303 : i32
      %swap3A_305 = arith.constant 9 : i32
      %swap3A_306 = arith.index_cast %swap3A_305 : i32 to index
      %swap3A_307 = arith.index_cast %mul3A_304 : i32 to index
      %swap3A_308 = tpu.vector_load %arg7[%swap3A_306, %swap3A_307] {strides = array<i32>} : memref<32x2048xi32, #tpu.memory_space<vmem>>, vector<1x16xi32>,
      %swap3A_309 = vector.shape_cast %swap3A_308 : vector<1x16xi32> to vector<16xi32>
      %swap3A_310 = vector.shape_cast %broadcast_in_dim3A_3 : vector<16xi32> to vector<1x16xi32>
      tpu.vector_store %arg7[%swap3A_306, %swap3A_307], %swap3A_310 {strides = array<i32>} : memref<32x2048xi32, #tpu.memory_space<vmem>>, vector<1x16xi32>,
      %scan3A_311 = arith.constant 0 : i32
      scf.yield %scan3A_311 : i32
    }
    %scan3A_96 = arith.constant 128 : i32
    %scan3A_97 = arith.constant 0 : i32
    %scan3A_98 = arith.constant 0 : i32
    %scan3A_99 = arith.constant 128 : i32
    %scan3A_100 = arith.addi %scan3A_98, %scan3A_99 : i32
    %scan3A_101 = arith.constant 1 : i32
    %scan3A_102 = scf.for %scan3A_301 = %scan3A_98 to %scan3A_100 step %scan3A_101 iter_args(%scan3A_302 = %scan3A_97) -> (i32)  : i32 {
      %mul3A_303 = arith.constant 16 : i32
      %mul3A_304 = arith.muli %scan3A_301, %mul3A_303 : i32
      %swap3A_305 = arith.constant 10 : i32
      %swap3A_306 = arith.index_cast %swap3A_305 : i32 to index
      %swap3A_307 = arith.index_cast %mul3A_304 : i32 to index
      %swap3A_308 = tpu.vector_load %arg7[%swap3A_306, %swap3A_307] {strides = array<i32>} : memref<32x2048xi32, #tpu.memory_space<vmem>>, vector<1x16xi32>,
      %swap3A_309 = vector.shape_cast %swap3A_308 : vector<1x16xi32> to vector<16xi32>
      %swap3A_310 = vector.shape_cast %broadcast_in_dim3A_3 : vector<16xi32> to vector<1x16xi32>
      tpu.vector_store %arg7[%swap3A_306, %swap3A_307], %swap3A_310 {strides = array<i32>} : memref<32x2048xi32, #tpu.memory_space<vmem>>, vector<1x16xi32>,
      %scan3A_311 = arith.constant 0 : i32
      scf.yield %scan3A_311 : i32
    }
    %scan3A_103 = arith.constant 128 : i32
    %scan3A_104 = arith.constant 0 : i32
    %scan3A_105 = arith.constant 0 : i32
    %scan3A_106 = arith.constant 128 : i32
    %scan3A_107 = arith.addi %scan3A_105, %scan3A_106 : i32
    %scan3A_108 = arith.constant 1 : i32
    %scan3A_109 = scf.for %scan3A_301 = %scan3A_105 to %scan3A_107 step %scan3A_108 iter_args(%scan3A_302 = %scan3A_104) -> (i32)  : i32 {
      %mul3A_303 = arith.constant 16 : i32
      %mul3A_304 = arith.muli %scan3A_301, %mul3A_303 : i32
      %swap3A_305 = arith.constant 11 : i32
      %swap3A_306 = arith.index_cast %swap3A_305 : i32 to index
      %swap3A_307 = arith.index_cast %mul3A_304 : i32 to index
      %swap3A_308 = tpu.vector_load %arg7[%swap3A_306, %swap3A_307] {strides = array<i32>} : memref<32x2048xi32, #tpu.memory_space<vmem>>, vector<1x16xi32>,
      %swap3A_309 = vector.shape_cast %swap3A_308 : vector<1x16xi32> to vector<16xi32>
      %swap3A_310 = vector.shape_cast %broadcast_in_dim3A_3 : vector<16xi32> to vector<1x16xi32>
      tpu.vector_store %arg7[%swap3A_306, %swap3A_307], %swap3A_310 {strides = array<i32>} : memref<32x2048xi32, #tpu.memory_space<vmem>>, vector<1x16xi32>,
      %scan3A_311 = arith.constant 0 : i32
      scf.yield %scan3A_311 : i32
    }
    %scan3A_110 = arith.constant 128 : i32
    %scan3A_111 = arith.constant 0 : i32
    %scan3A_112 = arith.constant 0 : i32
    %scan3A_113 = arith.constant 128 : i32
    %scan3A_114 = arith.addi %scan3A_112, %scan3A_113 : i32
    %scan3A_115 = arith.constant 1 : i32
    %scan3A_116 = scf.for %scan3A_301 = %scan3A_112 to %scan3A_114 step %scan3A_115 iter_args(%scan3A_302 = %scan3A_111) -> (i32)  : i32 {
      %mul3A_303 = arith.constant 16 : i32
      %mul3A_304 = arith.muli %scan3A_301, %mul3A_303 : i32
      %swap3A_305 = arith.constant 12 : i32
      %swap3A_306 = arith.index_cast %swap3A_305 : i32 to index
      %swap3A_307 = arith.index_cast %mul3A_304 : i32 to index
      %swap3A_308 = tpu.vector_load %arg7[%swap3A_306, %swap3A_307] {strides = array<i32>} : memref<32x2048xi32, #tpu.memory_space<vmem>>, vector<1x16xi32>,
      %swap3A_309 = vector.shape_cast %swap3A_308 : vector<1x16xi32> to vector<16xi32>
      %swap3A_310 = vector.shape_cast %broadcast_in_dim3A_3 : vector<16xi32> to vector<1x16xi32>
      tpu.vector_store %arg7[%swap3A_306, %swap3A_307], %swap3A_310 {strides = array<i32>} : memref<32x2048xi32, #tpu.memory_space<vmem>>, vector<1x16xi32>,
      %scan3A_311 = arith.constant 0 : i32
      scf.yield %scan3A_311 : i32
    }
    %scan3A_117 = arith.constant 128 : i32
    %scan3A_118 = arith.constant 0 : i32
    %scan3A_119 = arith.constant 0 : i32
    %scan3A_120 = arith.constant 128 : i32
    %scan3A_121 = arith.addi %scan3A_119, %scan3A_120 : i32
    %scan3A_122 = arith.constant 1 : i32
    %scan3A_123 = scf.for %scan3A_301 = %scan3A_119 to %scan3A_121 step %scan3A_122 iter_args(%scan3A_302 = %scan3A_118) -> (i32)  : i32 {
      %mul3A_303 = arith.constant 16 : i32
      %mul3A_304 = arith.muli %scan3A_301, %mul3A_303 : i32
      %swap3A_305 = arith.constant 13 : i32
      %swap3A_306 = arith.index_cast %swap3A_305 : i32 to index
      %swap3A_307 = arith.index_cast %mul3A_304 : i32 to index
      %swap3A_308 = tpu.vector_load %arg7[%swap3A_306, %swap3A_307] {strides = array<i32>} : memref<32x2048xi32, #tpu.memory_space<vmem>>, vector<1x16xi32>,
      %swap3A_309 = vector.shape_cast %swap3A_308 : vector<1x16xi32> to vector<16xi32>
      %swap3A_310 = vector.shape_cast %broadcast_in_dim3A_3 : vector<16xi32> to vector<1x16xi32>
      tpu.vector_store %arg7[%swap3A_306, %swap3A_307], %swap3A_310 {strides = array<i32>} : memref<32x2048xi32, #tpu.memory_space<vmem>>, vector<1x16xi32>,
      %scan3A_311 = arith.constant 0 : i32
      scf.yield %scan3A_311 : i32
    }
    %scan3A_124 = arith.constant 128 : i32
    %scan3A_125 = arith.constant 0 : i32
    %scan3A_126 = arith.constant 0 : i32
    %scan3A_127 = arith.constant 128 : i32
    %scan3A_128 = arith.addi %scan3A_126, %scan3A_127 : i32
    %scan3A_129 = arith.constant 1 : i32
    %scan3A_130 = scf.for %scan3A_301 = %scan3A_126 to %scan3A_128 step %scan3A_129 iter_args(%scan3A_302 = %scan3A_125) -> (i32)  : i32 {
      %mul3A_303 = arith.constant 16 : i32
      %mul3A_304 = arith.muli %scan3A_301, %mul3A_303 : i32
      %swap3A_305 = arith.constant 14 : i32
      %swap3A_306 = arith.index_cast %swap3A_305 : i32 to index
      %swap3A_307 = arith.index_cast %mul3A_304 : i32 to index
      %swap3A_308 = tpu.vector_load %arg7[%swap3A_306, %swap3A_307] {strides = array<i32>} : memref<32x2048xi32, #tpu.memory_space<vmem>>, vector<1x16xi32>,
      %swap3A_309 = vector.shape_cast %swap3A_308 : vector<1x16xi32> to vector<16xi32>
      %swap3A_310 = vector.shape_cast %broadcast_in_dim3A_3 : vector<16xi32> to vector<1x16xi32>
      tpu.vector_store %arg7[%swap3A_306, %swap3A_307], %swap3A_310 {strides = array<i32>} : memref<32x2048xi32, #tpu.memory_space<vmem>>, vector<1x16xi32>,
      %scan3A_311 = arith.constant 0 : i32
      scf.yield %scan3A_311 : i32
    }
    %scan3A_131 = arith.constant 128 : i32
    %scan3A_132 = arith.constant 0 : i32
    %scan3A_133 = arith.constant 0 : i32
    %scan3A_134 = arith.constant 128 : i32
    %scan3A_135 = arith.addi %scan3A_133, %scan3A_134 : i32
    %scan3A_136 = arith.constant 1 : i32
    %scan3A_137 = scf.for %scan3A_301 = %scan3A_133 to %scan3A_135 step %scan3A_136 iter_args(%scan3A_302 = %scan3A_132) -> (i32)  : i32 {
      %mul3A_303 = arith.constant 16 : i32
      %mul3A_304 = arith.muli %scan3A_301, %mul3A_303 : i32
      %swap3A_305 = arith.constant 15 : i32
      %swap3A_306 = arith.index_cast %swap3A_305 : i32 to index
      %swap3A_307 = arith.index_cast %mul3A_304 : i32 to index
      %swap3A_308 = tpu.vector_load %arg7[%swap3A_306, %swap3A_307] {strides = array<i32>} : memref<32x2048xi32, #tpu.memory_space<vmem>>, vector<1x16xi32>,
      %swap3A_309 = vector.shape_cast %swap3A_308 : vector<1x16xi32> to vector<16xi32>
      %swap3A_310 = vector.shape_cast %broadcast_in_dim3A_3 : vector<16xi32> to vector<1x16xi32>
      tpu.vector_store %arg7[%swap3A_306, %swap3A_307], %swap3A_310 {strides = array<i32>} : memref<32x2048xi32, #tpu.memory_space<vmem>>, vector<1x16xi32>,
      %scan3A_311 = arith.constant 0 : i32
      scf.yield %scan3A_311 : i32
    }
    %scan3A_138 = arith.constant 128 : i32
    %scan3A_139 = arith.constant 0 : i32
    %scan3A_140 = arith.constant 0 : i32
    %scan3A_141 = arith.constant 128 : i32
    %scan3A_142 = arith.addi %scan3A_140, %scan3A_141 : i32
    %scan3A_143 = arith.constant 1 : i32
    %scan3A_144 = scf.for %scan3A_301 = %scan3A_140 to %scan3A_142 step %scan3A_143 iter_args(%scan3A_302 = %scan3A_139) -> (i32)  : i32 {
      %mul3A_303 = arith.constant 16 : i32
      %mul3A_304 = arith.muli %scan3A_301, %mul3A_303 : i32
      %swap3A_305 = arith.constant 16 : i32
      %swap3A_306 = arith.index_cast %swap3A_305 : i32 to index
      %swap3A_307 = arith.index_cast %mul3A_304 : i32 to index
      %swap3A_308 = tpu.vector_load %arg7[%swap3A_306, %swap3A_307] {strides = array<i32>} : memref<32x2048xi32, #tpu.memory_space<vmem>>, vector<1x16xi32>,
      %swap3A_309 = vector.shape_cast %swap3A_308 : vector<1x16xi32> to vector<16xi32>
      %swap3A_310 = vector.shape_cast %broadcast_in_dim3A_3 : vector<16xi32> to vector<1x16xi32>
      tpu.vector_store %arg7[%swap3A_306, %swap3A_307], %swap3A_310 {strides = array<i32>} : memref<32x2048xi32, #tpu.memory_space<vmem>>, vector<1x16xi32>,
      %scan3A_311 = arith.constant 0 : i32
      scf.yield %scan3A_311 : i32
    }
    %scan3A_145 = arith.constant 128 : i32
    %scan3A_146 = arith.constant 0 : i32
    %scan3A_147 = arith.constant 0 : i32
    %scan3A_148 = arith.constant 128 : i32
    %scan3A_149 = arith.addi %scan3A_147, %scan3A_148 : i32
    %scan3A_150 = arith.constant 1 : i32
    %scan3A_151 = scf.for %scan3A_301 = %scan3A_147 to %scan3A_149 step %scan3A_150 iter_args(%scan3A_302 = %scan3A_146) -> (i32)  : i32 {
      %mul3A_303 = arith.constant 16 : i32
      %mul3A_304 = arith.muli %scan3A_301, %mul3A_303 : i32
      %swap3A_305 = arith.constant 17 : i32
      %swap3A_306 = arith.index_cast %swap3A_305 : i32 to index
      %swap3A_307 = arith.index_cast %mul3A_304 : i32 to index
      %swap3A_308 = tpu.vector_load %arg7[%swap3A_306, %swap3A_307] {strides = array<i32>} : memref<32x2048xi32, #tpu.memory_space<vmem>>, vector<1x16xi32>,
      %swap3A_309 = vector.shape_cast %swap3A_308 : vector<1x16xi32> to vector<16xi32>
      %swap3A_310 = vector.shape_cast %broadcast_in_dim3A_3 : vector<16xi32> to vector<1x16xi32>
      tpu.vector_store %arg7[%swap3A_306, %swap3A_307], %swap3A_310 {strides = array<i32>} : memref<32x2048xi32, #tpu.memory_space<vmem>>, vector<1x16xi32>,
      %scan3A_311 = arith.constant 0 : i32
      scf.yield %scan3A_311 : i32
    }
    %scan3A_152 = arith.constant 128 : i32
    %scan3A_153 = arith.constant 0 : i32
    %scan3A_154 = arith.constant 0 : i32
    %scan3A_155 = arith.constant 128 : i32
    %scan3A_156 = arith.addi %scan3A_154, %scan3A_155 : i32
    %scan3A_157 = arith.constant 1 : i32
    %scan3A_158 = scf.for %scan3A_301 = %scan3A_154 to %scan3A_156 step %scan3A_157 iter_args(%scan3A_302 = %scan3A_153) -> (i32)  : i32 {
      %mul3A_303 = arith.constant 16 : i32
      %mul3A_304 = arith.muli %scan3A_301, %mul3A_303 : i32
      %swap3A_305 = arith.constant 18 : i32
      %swap3A_306 = arith.index_cast %swap3A_305 : i32 to index
      %swap3A_307 = arith.index_cast %mul3A_304 : i32 to index
      %swap3A_308 = tpu.vector_load %arg7[%swap3A_306, %swap3A_307] {strides = array<i32>} : memref<32x2048xi32, #tpu.memory_space<vmem>>, vector<1x16xi32>,
      %swap3A_309 = vector.shape_cast %swap3A_308 : vector<1x16xi32> to vector<16xi32>
      %swap3A_310 = vector.shape_cast %broadcast_in_dim3A_3 : vector<16xi32> to vector<1x16xi32>
      tpu.vector_store %arg7[%swap3A_306, %swap3A_307], %swap3A_310 {strides = array<i32>} : memref<32x2048xi32, #tpu.memory_space<vmem>>, vector<1x16xi32>,
      %scan3A_311 = arith.constant 0 : i32
      scf.yield %scan3A_311 : i32
    }
    %scan3A_159 = arith.constant 128 : i32
    %scan3A_160 = arith.constant 0 : i32
    %scan3A_161 = arith.constant 0 : i32
    %scan3A_162 = arith.constant 128 : i32
    %scan3A_163 = arith.addi %scan3A_161, %scan3A_162 : i32
    %scan3A_164 = arith.constant 1 : i32
    %scan3A_165 = scf.for %scan3A_301 = %scan3A_161 to %scan3A_163 step %scan3A_164 iter_args(%scan3A_302 = %scan3A_160) -> (i32)  : i32 {
      %mul3A_303 = arith.constant 16 : i32
      %mul3A_304 = arith.muli %scan3A_301, %mul3A_303 : i32
      %swap3A_305 = arith.constant 19 : i32
      %swap3A_306 = arith.index_cast %swap3A_305 : i32 to index
      %swap3A_307 = arith.index_cast %mul3A_304 : i32 to index
      %swap3A_308 = tpu.vector_load %arg7[%swap3A_306, %swap3A_307] {strides = array<i32>} : memref<32x2048xi32, #tpu.memory_space<vmem>>, vector<1x16xi32>,
      %swap3A_309 = vector.shape_cast %swap3A_308 : vector<1x16xi32> to vector<16xi32>
      %swap3A_310 = vector.shape_cast %broadcast_in_dim3A_3 : vector<16xi32> to vector<1x16xi32>
      tpu.vector_store %arg7[%swap3A_306, %swap3A_307], %swap3A_310 {strides = array<i32>} : memref<32x2048xi32, #tpu.memory_space<vmem>>, vector<1x16xi32>,
      %scan3A_311 = arith.constant 0 : i32
      scf.yield %scan3A_311 : i32
    }
    %scan3A_166 = arith.constant 128 : i32
    %scan3A_167 = arith.constant 0 : i32
    %scan3A_168 = arith.constant 0 : i32
    %scan3A_169 = arith.constant 128 : i32
    %scan3A_170 = arith.addi %scan3A_168, %scan3A_169 : i32
    %scan3A_171 = arith.constant 1 : i32
    %scan3A_172 = scf.for %scan3A_301 = %scan3A_168 to %scan3A_170 step %scan3A_171 iter_args(%scan3A_302 = %scan3A_167) -> (i32)  : i32 {
      %mul3A_303 = arith.constant 16 : i32
      %mul3A_304 = arith.muli %scan3A_301, %mul3A_303 : i32
      %swap3A_305 = arith.constant 20 : i32
      %swap3A_306 = arith.index_cast %swap3A_305 : i32 to index
      %swap3A_307 = arith.index_cast %mul3A_304 : i32 to index
      %swap3A_308 = tpu.vector_load %arg7[%swap3A_306, %swap3A_307] {strides = array<i32>} : memref<32x2048xi32, #tpu.memory_space<vmem>>, vector<1x16xi32>,
      %swap3A_309 = vector.shape_cast %swap3A_308 : vector<1x16xi32> to vector<16xi32>
      %swap3A_310 = vector.shape_cast %broadcast_in_dim3A_3 : vector<16xi32> to vector<1x16xi32>
      tpu.vector_store %arg7[%swap3A_306, %swap3A_307], %swap3A_310 {strides = array<i32>} : memref<32x2048xi32, #tpu.memory_space<vmem>>, vector<1x16xi32>,
      %scan3A_311 = arith.constant 0 : i32
      scf.yield %scan3A_311 : i32
    }
    %scan3A_173 = arith.constant 128 : i32
    %scan3A_174 = arith.constant 0 : i32
    %scan3A_175 = arith.constant 0 : i32
    %scan3A_176 = arith.constant 128 : i32
    %scan3A_177 = arith.addi %scan3A_175, %scan3A_176 : i32
    %scan3A_178 = arith.constant 1 : i32
    %scan3A_179 = scf.for %scan3A_301 = %scan3A_175 to %scan3A_177 step %scan3A_178 iter_args(%scan3A_302 = %scan3A_174) -> (i32)  : i32 {
      %mul3A_303 = arith.constant 16 : i32
      %mul3A_304 = arith.muli %scan3A_301, %mul3A_303 : i32
      %swap3A_305 = arith.constant 21 : i32
      %swap3A_306 = arith.index_cast %swap3A_305 : i32 to index
      %swap3A_307 = arith.index_cast %mul3A_304 : i32 to index
      %swap3A_308 = tpu.vector_load %arg7[%swap3A_306, %swap3A_307] {strides = array<i32>} : memref<32x2048xi32, #tpu.memory_space<vmem>>, vector<1x16xi32>,
      %swap3A_309 = vector.shape_cast %swap3A_308 : vector<1x16xi32> to vector<16xi32>
      %swap3A_310 = vector.shape_cast %broadcast_in_dim3A_3 : vector<16xi32> to vector<1x16xi32>
      tpu.vector_store %arg7[%swap3A_306, %swap3A_307], %swap3A_310 {strides = array<i32>} : memref<32x2048xi32, #tpu.memory_space<vmem>>, vector<1x16xi32>,
      %scan3A_311 = arith.constant 0 : i32
      scf.yield %scan3A_311 : i32
    }
    %scan3A_180 = arith.constant 128 : i32
    %scan3A_181 = arith.constant 0 : i32
    %scan3A_182 = arith.constant 0 : i32
    %scan3A_183 = arith.constant 128 : i32
    %scan3A_184 = arith.addi %scan3A_182, %scan3A_183 : i32
    %scan3A_185 = arith.constant 1 : i32
    %scan3A_186 = scf.for %scan3A_301 = %scan3A_182 to %scan3A_184 step %scan3A_185 iter_args(%scan3A_302 = %scan3A_181) -> (i32)  : i32 {
      %mul3A_303 = arith.constant 16 : i32
      %mul3A_304 = arith.muli %scan3A_301, %mul3A_303 : i32
      %swap3A_305 = arith.constant 22 : i32
      %swap3A_306 = arith.index_cast %swap3A_305 : i32 to index
      %swap3A_307 = arith.index_cast %mul3A_304 : i32 to index
      %swap3A_308 = tpu.vector_load %arg7[%swap3A_306, %swap3A_307] {strides = array<i32>} : memref<32x2048xi32, #tpu.memory_space<vmem>>, vector<1x16xi32>,
      %swap3A_309 = vector.shape_cast %swap3A_308 : vector<1x16xi32> to vector<16xi32>
      %swap3A_310 = vector.shape_cast %broadcast_in_dim3A_3 : vector<16xi32> to vector<1x16xi32>
      tpu.vector_store %arg7[%swap3A_306, %swap3A_307], %swap3A_310 {strides = array<i32>} : memref<32x2048xi32, #tpu.memory_space<vmem>>, vector<1x16xi32>,
      %scan3A_311 = arith.constant 0 : i32
      scf.yield %scan3A_311 : i32
    }
    %scan3A_187 = arith.constant 128 : i32
    %scan3A_188 = arith.constant 0 : i32
    %scan3A_189 = arith.constant 0 : i32
    %scan3A_190 = arith.constant 128 : i32
    %scan3A_191 = arith.addi %scan3A_189, %scan3A_190 : i32
    %scan3A_192 = arith.constant 1 : i32
    %scan3A_193 = scf.for %scan3A_301 = %scan3A_189 to %scan3A_191 step %scan3A_192 iter_args(%scan3A_302 = %scan3A_188) -> (i32)  : i32 {
      %mul3A_303 = arith.constant 16 : i32
      %mul3A_304 = arith.muli %scan3A_301, %mul3A_303 : i32
      %swap3A_305 = arith.constant 23 : i32
      %swap3A_306 = arith.index_cast %swap3A_305 : i32 to index
      %swap3A_307 = arith.index_cast %mul3A_304 : i32 to index
      %swap3A_308 = tpu.vector_load %arg7[%swap3A_306, %swap3A_307] {strides = array<i32>} : memref<32x2048xi32, #tpu.memory_space<vmem>>, vector<1x16xi32>,
      %swap3A_309 = vector.shape_cast %swap3A_308 : vector<1x16xi32> to vector<16xi32>
      %swap3A_310 = vector.shape_cast %broadcast_in_dim3A_3 : vector<16xi32> to vector<1x16xi32>
      tpu.vector_store %arg7[%swap3A_306, %swap3A_307], %swap3A_310 {strides = array<i32>} : memref<32x2048xi32, #tpu.memory_space<vmem>>, vector<1x16xi32>,
      %scan3A_311 = arith.constant 0 : i32
      scf.yield %scan3A_311 : i32
    }
    %scan3A_194 = arith.constant 128 : i32
    %scan3A_195 = arith.constant 0 : i32
    %scan3A_196 = arith.constant 0 : i32
    %scan3A_197 = arith.constant 128 : i32
    %scan3A_198 = arith.addi %scan3A_196, %scan3A_197 : i32
    %scan3A_199 = arith.constant 1 : i32
    %scan3A_200 = scf.for %scan3A_301 = %scan3A_196 to %scan3A_198 step %scan3A_199 iter_args(%scan3A_302 = %scan3A_195) -> (i32)  : i32 {
      %mul3A_303 = arith.constant 16 : i32
      %mul3A_304 = arith.muli %scan3A_301, %mul3A_303 : i32
      %swap3A_305 = arith.constant 24 : i32
      %swap3A_306 = arith.index_cast %swap3A_305 : i32 to index
      %swap3A_307 = arith.index_cast %mul3A_304 : i32 to index
      %swap3A_308 = tpu.vector_load %arg7[%swap3A_306, %swap3A_307] {strides = array<i32>} : memref<32x2048xi32, #tpu.memory_space<vmem>>, vector<1x16xi32>,
      %swap3A_309 = vector.shape_cast %swap3A_308 : vector<1x16xi32> to vector<16xi32>
      %swap3A_310 = vector.shape_cast %broadcast_in_dim3A_3 : vector<16xi32> to vector<1x16xi32>
      tpu.vector_store %arg7[%swap3A_306, %swap3A_307], %swap3A_310 {strides = array<i32>} : memref<32x2048xi32, #tpu.memory_space<vmem>>, vector<1x16xi32>,
      %scan3A_311 = arith.constant 0 : i32
      scf.yield %scan3A_311 : i32
    }
    %scan3A_201 = arith.constant 128 : i32
    %scan3A_202 = arith.constant 0 : i32
    %scan3A_203 = arith.constant 0 : i32
    %scan3A_204 = arith.constant 128 : i32
    %scan3A_205 = arith.addi %scan3A_203, %scan3A_204 : i32
    %scan3A_206 = arith.constant 1 : i32
    %scan3A_207 = scf.for %scan3A_301 = %scan3A_203 to %scan3A_205 step %scan3A_206 iter_args(%scan3A_302 = %scan3A_202) -> (i32)  : i32 {
      %mul3A_303 = arith.constant 16 : i32
      %mul3A_304 = arith.muli %scan3A_301, %mul3A_303 : i32
      %swap3A_305 = arith.constant 25 : i32
      %swap3A_306 = arith.index_cast %swap3A_305 : i32 to index
      %swap3A_307 = arith.index_cast %mul3A_304 : i32 to index
      %swap3A_308 = tpu.vector_load %arg7[%swap3A_306, %swap3A_307] {strides = array<i32>} : memref<32x2048xi32, #tpu.memory_space<vmem>>, vector<1x16xi32>,
      %swap3A_309 = vector.shape_cast %swap3A_308 : vector<1x16xi32> to vector<16xi32>
      %swap3A_310 = vector.shape_cast %broadcast_in_dim3A_3 : vector<16xi32> to vector<1x16xi32>
      tpu.vector_store %arg7[%swap3A_306, %swap3A_307], %swap3A_310 {strides = array<i32>} : memref<32x2048xi32, #tpu.memory_space<vmem>>, vector<1x16xi32>,
      %scan3A_311 = arith.constant 0 : i32
      scf.yield %scan3A_311 : i32
    }
    %scan3A_208 = arith.constant 128 : i32
    %scan3A_209 = arith.constant 0 : i32
    %scan3A_210 = arith.constant 0 : i32
    %scan3A_211 = arith.constant 128 : i32
    %scan3A_212 = arith.addi %scan3A_210, %scan3A_211 : i32
    %scan3A_213 = arith.constant 1 : i32
    %scan3A_214 = scf.for %scan3A_301 = %scan3A_210 to %scan3A_212 step %scan3A_213 iter_args(%scan3A_302 = %scan3A_209) -> (i32)  : i32 {
      %mul3A_303 = arith.constant 16 : i32
      %mul3A_304 = arith.muli %scan3A_301, %mul3A_303 : i32
      %swap3A_305 = arith.constant 26 : i32
      %swap3A_306 = arith.index_cast %swap3A_305 : i32 to index
      %swap3A_307 = arith.index_cast %mul3A_304 : i32 to index
      %swap3A_308 = tpu.vector_load %arg7[%swap3A_306, %swap3A_307] {strides = array<i32>} : memref<32x2048xi32, #tpu.memory_space<vmem>>, vector<1x16xi32>,
      %swap3A_309 = vector.shape_cast %swap3A_308 : vector<1x16xi32> to vector<16xi32>
      %swap3A_310 = vector.shape_cast %broadcast_in_dim3A_3 : vector<16xi32> to vector<1x16xi32>
      tpu.vector_store %arg7[%swap3A_306, %swap3A_307], %swap3A_310 {strides = array<i32>} : memref<32x2048xi32, #tpu.memory_space<vmem>>, vector<1x16xi32>,
      %scan3A_311 = arith.constant 0 : i32
      scf.yield %scan3A_311 : i32
    }
    %scan3A_215 = arith.constant 128 : i32
    %scan3A_216 = arith.constant 0 : i32
    %scan3A_217 = arith.constant 0 : i32
    %scan3A_218 = arith.constant 128 : i32
    %scan3A_219 = arith.addi %scan3A_217, %scan3A_218 : i32
    %scan3A_220 = arith.constant 1 : i32
    %scan3A_221 = scf.for %scan3A_301 = %scan3A_217 to %scan3A_219 step %scan3A_220 iter_args(%scan3A_302 = %scan3A_216) -> (i32)  : i32 {
      %mul3A_303 = arith.constant 16 : i32
      %mul3A_304 = arith.muli %scan3A_301, %mul3A_303 : i32
      %swap3A_305 = arith.constant 27 : i32
      %swap3A_306 = arith.index_cast %swap3A_305 : i32 to index
      %swap3A_307 = arith.index_cast %mul3A_304 : i32 to index
      %swap3A_308 = tpu.vector_load %arg7[%swap3A_306, %swap3A_307] {strides = array<i32>} : memref<32x2048xi32, #tpu.memory_space<vmem>>, vector<1x16xi32>,
      %swap3A_309 = vector.shape_cast %swap3A_308 : vector<1x16xi32> to vector<16xi32>
      %swap3A_310 = vector.shape_cast %broadcast_in_dim3A_3 : vector<16xi32> to vector<1x16xi32>
      tpu.vector_store %arg7[%swap3A_306, %swap3A_307], %swap3A_310 {strides = array<i32>} : memref<32x2048xi32, #tpu.memory_space<vmem>>, vector<1x16xi32>,
      %scan3A_311 = arith.constant 0 : i32
      scf.yield %scan3A_311 : i32
    }
    %scan3A_222 = arith.constant 128 : i32
    %scan3A_223 = arith.constant 0 : i32
    %scan3A_224 = arith.constant 0 : i32
    %scan3A_225 = arith.constant 128 : i32
    %scan3A_226 = arith.addi %scan3A_224, %scan3A_225 : i32
    %scan3A_227 = arith.constant 1 : i32
    %scan3A_228 = scf.for %scan3A_301 = %scan3A_224 to %scan3A_226 step %scan3A_227 iter_args(%scan3A_302 = %scan3A_223) -> (i32)  : i32 {
      %mul3A_303 = arith.constant 16 : i32
      %mul3A_304 = arith.muli %scan3A_301, %mul3A_303 : i32
      %swap3A_305 = arith.constant 28 : i32
      %swap3A_306 = arith.index_cast %swap3A_305 : i32 to index
      %swap3A_307 = arith.index_cast %mul3A_304 : i32 to index
      %swap3A_308 = tpu.vector_load %arg7[%swap3A_306, %swap3A_307] {strides = array<i32>} : memref<32x2048xi32, #tpu.memory_space<vmem>>, vector<1x16xi32>,
      %swap3A_309 = vector.shape_cast %swap3A_308 : vector<1x16xi32> to vector<16xi32>
      %swap3A_310 = vector.shape_cast %broadcast_in_dim3A_3 : vector<16xi32> to vector<1x16xi32>
      tpu.vector_store %arg7[%swap3A_306, %swap3A_307], %swap3A_310 {strides = array<i32>} : memref<32x2048xi32, #tpu.memory_space<vmem>>, vector<1x16xi32>,
      %scan3A_311 = arith.constant 0 : i32
      scf.yield %scan3A_311 : i32
    }
    %scan3A_229 = arith.constant 128 : i32
    %scan3A_230 = arith.constant 0 : i32
    %scan3A_231 = arith.constant 0 : i32
    %scan3A_232 = arith.constant 128 : i32
    %scan3A_233 = arith.addi %scan3A_231, %scan3A_232 : i32
    %scan3A_234 = arith.constant 1 : i32
    %scan3A_235 = scf.for %scan3A_301 = %scan3A_231 to %scan3A_233 step %scan3A_234 iter_args(%scan3A_302 = %scan3A_230) -> (i32)  : i32 {
      %mul3A_303 = arith.constant 16 : i32
      %mul3A_304 = arith.muli %scan3A_301, %mul3A_303 : i32
      %swap3A_305 = arith.constant 29 : i32
      %swap3A_306 = arith.index_cast %swap3A_305 : i32 to index
      %swap3A_307 = arith.index_cast %mul3A_304 : i32 to index
      %swap3A_308 = tpu.vector_load %arg7[%swap3A_306, %swap3A_307] {strides = array<i32>} : memref<32x2048xi32, #tpu.memory_space<vmem>>, vector<1x16xi32>,
      %swap3A_309 = vector.shape_cast %swap3A_308 : vector<1x16xi32> to vector<16xi32>
      %swap3A_310 = vector.shape_cast %broadcast_in_dim3A_3 : vector<16xi32> to vector<1x16xi32>
      tpu.vector_store %arg7[%swap3A_306, %swap3A_307], %swap3A_310 {strides = array<i32>} : memref<32x2048xi32, #tpu.memory_space<vmem>>, vector<1x16xi32>,
      %scan3A_311 = arith.constant 0 : i32
      scf.yield %scan3A_311 : i32
    }
    %scan3A_236 = arith.constant 128 : i32
    %scan3A_237 = arith.constant 0 : i32
    %scan3A_238 = arith.constant 0 : i32
    %scan3A_239 = arith.constant 128 : i32
    %scan3A_240 = arith.addi %scan3A_238, %scan3A_239 : i32
    %scan3A_241 = arith.constant 1 : i32
    %scan3A_242 = scf.for %scan3A_301 = %scan3A_238 to %scan3A_240 step %scan3A_241 iter_args(%scan3A_302 = %scan3A_237) -> (i32)  : i32 {
      %mul3A_303 = arith.constant 16 : i32
      %mul3A_304 = arith.muli %scan3A_301, %mul3A_303 : i32
      %swap3A_305 = arith.constant 30 : i32
      %swap3A_306 = arith.index_cast %swap3A_305 : i32 to index
      %swap3A_307 = arith.index_cast %mul3A_304 : i32 to index
      %swap3A_308 = tpu.vector_load %arg7[%swap3A_306, %swap3A_307] {strides = array<i32>} : memref<32x2048xi32, #tpu.memory_space<vmem>>, vector<1x16xi32>,
      %swap3A_309 = vector.shape_cast %swap3A_308 : vector<1x16xi32> to vector<16xi32>
      %swap3A_310 = vector.shape_cast %broadcast_in_dim3A_3 : vector<16xi32> to vector<1x16xi32>
      tpu.vector_store %arg7[%swap3A_306, %swap3A_307], %swap3A_310 {strides = array<i32>} : memref<32x2048xi32, #tpu.memory_space<vmem>>, vector<1x16xi32>,
      %scan3A_311 = arith.constant 0 : i32
      scf.yield %scan3A_311 : i32
    }
    %scan3A_243 = arith.constant 128 : i32
    %scan3A_244 = arith.constant 0 : i32
    %scan3A_245 = arith.constant 0 : i32
    %scan3A_246 = arith.constant 128 : i32
    %scan3A_247 = arith.addi %scan3A_245, %scan3A_246 : i32
    %scan3A_248 = arith.constant 1 : i32
    %scan3A_249 = scf.for %scan3A_301 = %scan3A_245 to %scan3A_247 step %scan3A_248 iter_args(%scan3A_302 = %scan3A_244) -> (i32)  : i32 {
      %mul3A_303 = arith.constant 16 : i32
      %mul3A_304 = arith.muli %scan3A_301, %mul3A_303 : i32
      %swap3A_305 = arith.constant 31 : i32
      %swap3A_306 = arith.index_cast %swap3A_305 : i32 to index
      %swap3A_307 = arith.index_cast %mul3A_304 : i32 to index
      %swap3A_308 = tpu.vector_load %arg7[%swap3A_306, %swap3A_307] {strides = array<i32>} : memref<32x2048xi32, #tpu.memory_space<vmem>>, vector<1x16xi32>,
      %swap3A_309 = vector.shape_cast %swap3A_308 : vector<1x16xi32> to vector<16xi32>
      %swap3A_310 = vector.shape_cast %broadcast_in_dim3A_3 : vector<16xi32> to vector<1x16xi32>
      tpu.vector_store %arg7[%swap3A_306, %swap3A_307], %swap3A_310 {strides = array<i32>} : memref<32x2048xi32, #tpu.memory_space<vmem>>, vector<1x16xi32>,
      %scan3A_311 = arith.constant 0 : i32
      scf.yield %scan3A_311 : i32
    }
    %scan3A_250 = arith.constant 128 : i32
    "tpu.region"() ({
      %run_scoped3A = tpu.sem_alloc : memref<!tpu.dma_semaphore, #tpu.memory_space<semaphore_mem>>
      tpu.enqueue_dma source(%arg7 : memref<32x2048xi32, #tpu.memory_space<vmem>>) target(%arg8 : memref<32x2048xi32, #tpu.memory_space<vmem_shared>>) target_semaphore(%run_scoped3A : memref<!tpu.dma_semaphore, #tpu.memory_space<semaphore_mem>>)
      tpu.wait_dma2 semaphore(%run_scoped3A : memref<!tpu.dma_semaphore, #tpu.memory_space<semaphore_mem>>) src(%arg7 : memref<32x2048xi32, #tpu.memory_space<vmem>>) dst(%arg8 : memref<32x2048xi32, #tpu.memory_space<vmem_shared>>)
      tpu.yield
    }) : () -> ()
    %barrier3A = arith.constant 0 : index
    tpu.barrier barrier_id(%barrier3A)
    %scan3A_251 = arith.constant 0 : i32
    %scan3A_252 = arith.constant 0 : i32
    %scan3A_253 = arith.constant 128 : i32
    %scan3A_254 = arith.addi %scan3A_252, %scan3A_253 : i32
    %scan3A_255 = arith.constant 1 : i32
    %scan3A_256 = scf.for %scan3A_301 = %scan3A_252 to %scan3A_254 step %scan3A_255 iter_args(%scan3A_302 = %scan3A_251) -> (i32)  : i32 {
      %mul3A_303 = arith.constant 16 : i32
      %mul3A_304 = arith.muli %scan3A_301, %mul3A_303 : i32
      %swap3A_305 = arith.constant 0 : i32
      %swap3A_306 = arith.index_cast %swap3A_305 : i32 to index
      %swap3A_307 = arith.index_cast %mul3A_304 : i32 to index
      %swap3A_308 = tpu.vector_load %arg9[%swap3A_306, %swap3A_307] {strides = array<i32>} : memref<1x2048xi32, #tpu.memory_space<vmem>>, vector<1x16xi32>,
      %swap3A_309 = vector.shape_cast %swap3A_308 : vector<1x16xi32> to vector<16xi32>
      %swap3A_310 = vector.shape_cast %broadcast_in_dim3A_3 : vector<16xi32> to vector<1x16xi32>
      tpu.vector_store %arg9[%swap3A_306, %swap3A_307], %swap3A_310 {strides = array<i32>} : memref<1x2048xi32, #tpu.memory_space<vmem>>, vector<1x16xi32>,
      %scan3A_311 = arith.constant 0 : i32
      scf.yield %scan3A_311 : i32
    }
    %scan3A_257 = arith.constant 128 : i32
    %swap3A = arith.constant 0 : i32
    %swap3A_258 = arith.constant 3 : i32
    %swap3A_259 = arith.index_cast %swap3A_258 : i32 to index
    %swap3A_260 = memref.load %arg12[%swap3A_259] : memref<8xi32, #tpu.memory_space<smem>>
    memref.store %swap3A, %arg12[%swap3A_259] : memref<8xi32, #tpu.memory_space<smem>>
    %swap3A_261 = arith.constant 0 : i32
    %swap3A_262 = arith.constant 5 : i32
    %swap3A_263 = arith.index_cast %swap3A_262 : i32 to index
    %swap3A_264 = memref.load %arg12[%swap3A_263] : memref<8xi32, #tpu.memory_space<smem>>
    memref.store %swap3A_261, %arg12[%swap3A_263] : memref<8xi32, #tpu.memory_space<smem>>
    %add3A_265 = arith.constant 0 : i32
    %add3A_266 = arith.addi %mul3A_2, %add3A_265 : i32
    %multiple_of3A = tpu.assume_multiple %add3A_266, 32 : i32
    %dma_start3A = arith.constant 0 : i32
    %dma_start3A_267 = tpu.memref_slice %arg2[%multiple_of3A, %dma_start3A] : memref<24576x2048xf32, #tpu.memory_space<hbm>> -> memref<32x128xf32, #tpu.memory_space<hbm>>
    %dma_start3A_268 = arith.constant 0 : i32
    %dma_start3A_269 = tpu.memref_slice %arg2[%multiple_of3A, %dma_start3A_268] : memref<24576x2048xf32, #tpu.memory_space<hbm>> -> memref<32x128xf32, #tpu.memory_space<hbm>>
    tpu.enqueue_dma source(%dma_start3A_269 : memref<32x128xf32, #tpu.memory_space<hbm>>) target(%arg5 : memref<32x128xf32, #tpu.memory_space<vmem>>) target_semaphore(%arg14 : memref<!tpu.dma_semaphore, #tpu.memory_space<semaphore_mem>>)
    %scan3A_270 = arith.constant 0 : i32
    %scan3A_271 = arith.constant 0 : i32
    %scan3A_272 = arith.constant 12 : i32
    %scan3A_273 = arith.addi %scan3A_271, %scan3A_272 : i32
    %scan3A_274 = arith.constant 1 : i32
    scf.for %scan3A_301 = %scan3A_271 to %scan3A_273 step %scan3A_274  : i32 {
      %mul3A_302 = arith.constant 2 : i32
      %mul3A_303 = arith.muli %scan3A_301, %mul3A_302 : i32
      %add3A_304 = arith.constant 1 : i32
      %add3A_305 = arith.addi %mul3A_303, %add3A_304 : i32
      %mul3A_306 = arith.constant 32 : i32
      %mul3A_307 = arith.muli %add3A_305, %mul3A_306 : i32
      %add3A_308 = arith.addi %mul3A_2, %mul3A_307 : i32
      %multiple_of3A_309 = tpu.assume_multiple %add3A_308, 32 : i32
      %dma_start3A_310 = arith.constant 0 : i32
      %dma_start3A_311 = tpu.memref_slice %arg2[%multiple_of3A_309, %dma_start3A_310] : memref<24576x2048xf32, #tpu.memory_space<hbm>> -> memref<32x128xf32, #tpu.memory_space<hbm>>
      %dma_start3A_312 = arith.constant 0 : i32
      %dma_start3A_313 = tpu.memref_slice %arg2[%multiple_of3A_309, %dma_start3A_312] : memref<24576x2048xf32, #tpu.memory_space<hbm>> -> memref<32x128xf32, #tpu.memory_space<hbm>>
      tpu.enqueue_dma source(%dma_start3A_313 : memref<32x128xf32, #tpu.memory_space<hbm>>) target(%arg6 : memref<32x128xf32, #tpu.memory_space<vmem>>) target_semaphore(%arg15 : memref<!tpu.dma_semaphore, #tpu.memory_space<semaphore_mem>>)
      %mul3A_314 = arith.constant 32 : i32
      %mul3A_315 = arith.muli %mul3A_303, %mul3A_314 : i32
      %add3A_316 = arith.addi %mul3A_2, %mul3A_315 : i32
      %multiple_of3A_317 = tpu.assume_multiple %add3A_316, 32 : i32
      %dma_wait3A = arith.constant 0 : i32
      %dma_wait3A_318 = tpu.memref_slice %arg2[%multiple_of3A_317, %dma_wait3A] : memref<24576x2048xf32, #tpu.memory_space<hbm>> -> memref<32x128xf32, #tpu.memory_space<hbm>>
      %dma_wait3A_319 = arith.constant 0 : i32
      %dma_wait3A_320 = tpu.memref_slice %arg2[%multiple_of3A_317, %dma_wait3A_319] : memref<24576x2048xf32, #tpu.memory_space<hbm>> -> memref<32x128xf32, #tpu.memory_space<hbm>>
      tpu.wait_dma2 semaphore(%arg14 : memref<!tpu.dma_semaphore, #tpu.memory_space<semaphore_mem>>) src(%dma_wait3A_320 : memref<32x128xf32, #tpu.memory_space<hbm>>) dst(%arg5 : memref<32x128xf32, #tpu.memory_space<vmem>>)
      %mul3A_321 = arith.constant 32 : i32
      %mul3A_322 = arith.muli %mul3A_303, %mul3A_321 : i32
      %add3A_323 = arith.addi %mul3A_2, %mul3A_322 : i32
      %shift_right_arithmetic3A = arith.constant 11 : i32
      %shift_right_arithmetic3A_324 = arith.shrsi %add3A_323, %shift_right_arithmetic3A : i32
      %eq3A = arith.constant 10 : i32
      %eq3A_325 = arith.cmpi eq, %shift_right_arithmetic3A_324, %eq3A : i32
      %select_n3A = arith.select %eq3A_325, %squeeze3A_25, %squeeze3A_27 : f32
      %eq3A_326 = arith.constant 9 : i32
      %eq3A_327 = arith.cmpi eq, %shift_right_arithmetic3A_324, %eq3A_326 : i32
      %select_n3A_328 = arith.select %eq3A_327, %squeeze3A_23, %select_n3A : f32
      %eq3A_329 = arith.constant 8 : i32
      %eq3A_330 = arith.cmpi eq, %shift_right_arithmetic3A_324, %eq3A_329 : i32
      %select_n3A_331 = arith.select %eq3A_330, %squeeze3A_21, %select_n3A_328 : f32
      %eq3A_332 = arith.constant 7 : i32
      %eq3A_333 = arith.cmpi eq, %shift_right_arithmetic3A_324, %eq3A_332 : i32
      %select_n3A_334 = arith.select %eq3A_333, %squeeze3A_19, %select_n3A_331 : f32
      %eq3A_335 = arith.constant 6 : i32
      %eq3A_336 = arith.cmpi eq, %shift_right_arithmetic3A_324, %eq3A_335 : i32
      %select_n3A_337 = arith.select %eq3A_336, %squeeze3A_17, %select_n3A_334 : f32
      %eq3A_338 = arith.constant 5 : i32
      %eq3A_339 = arith.cmpi eq, %shift_right_arithmetic3A_324, %eq3A_338 : i32
      %select_n3A_340 = arith.select %eq3A_339, %squeeze3A_15, %select_n3A_337 : f32
      %eq3A_341 = arith.constant 4 : i32
      %eq3A_342 = arith.cmpi eq, %shift_right_arithmetic3A_324, %eq3A_341 : i32
      %select_n3A_343 = arith.select %eq3A_342, %squeeze3A_13, %select_n3A_340 : f32
      %eq3A_344 = arith.constant 3 : i32
      %eq3A_345 = arith.cmpi eq, %shift_right_arithmetic3A_324, %eq3A_344 : i32
      %select_n3A_346 = arith.select %eq3A_345, %squeeze3A_11, %select_n3A_343 : f32
      %eq3A_347 = arith.constant 2 : i32
      %eq3A_348 = arith.cmpi eq, %shift_right_arithmetic3A_324, %eq3A_347 : i32
      %select_n3A_349 = arith.select %eq3A_348, %squeeze3A_9, %select_n3A_346 : f32
      %eq3A_350 = arith.constant 1 : i32
      %eq3A_351 = arith.cmpi eq, %shift_right_arithmetic3A_324, %eq3A_350 : i32
      %select_n3A_352 = arith.select %eq3A_351, %squeeze3A_7, %select_n3A_349 : f32
      %eq3A_353 = arith.constant 0 : i32
      %eq3A_354 = arith.cmpi eq, %shift_right_arithmetic3A_324, %eq3A_353 : i32
      %select_n3A_355 = arith.select %eq3A_354, %squeeze3A, %select_n3A_352 : f32
      %jit3A = arith.constant 8 : i32
      %eq3A_356 = arith.constant 0 : i32
      %eq3A_357 = arith.cmpi eq, %jit3A, %eq3A_356 : i32
      %jit3A_358 = arith.constant 1 : i32
      %select_n3A_359 = arith.select %eq3A_357, %jit3A_358, %jit3A : i32
      %rem3A = arith.remsi %mul3A_303, %select_n3A_359 : i32
      %ne3A = arith.constant 0 : i32
      %ne3A_360 = arith.cmpi ne, %rem3A, %ne3A : i32
      %lt3A = arith.constant 0 : i32
      %lt3A_361 = arith.cmpi slt, %rem3A, %lt3A : i32
      %lt3A_362 = arith.constant 0 : i32
      %lt3A_363 = arith.cmpi slt, %select_n3A_359, %lt3A_362 : i32
      %ne3A_364 = arith.xori %lt3A_361, %lt3A_363 : i1
      %and3A = arith.andi %ne3A_364, %ne3A_360 : i1
      %add3A_365 = arith.addi %rem3A, %select_n3A_359 : i32
      %select_n3A_366 = arith.select %and3A, %add3A_365, %rem3A : i32
      %lt3A_367 = arith.constant 5 : i32
      %lt3A_368 = arith.cmpi slt, %select_n3A_366, %lt3A_367 : i32
      %convert_element_type3A = arith.extui %lt3A_368 : i1 to i32
      %cond3A = arith.constant 0 : i32
      %cond3A_369 = arith.cmpi ne, %convert_element_type3A, %cond3A : i32
      scf.if %cond3A_369 {
        %mul3A_476 = arith.constant 32 : i32
        %mul3A_477 = arith.muli %mul3A_303, %mul3A_476 : i32
        %add3A_478 = arith.addi %mul3A_2, %mul3A_477 : i32
        %multiple_of3A_479 = tpu.assume_multiple %add3A_478, 32 : i32
        %dma_start3A_480 = arith.constant 0 : i32
        %dma_start3A_481 = tpu.memref_slice %arg4[%multiple_of3A_479, %dma_start3A_480] : memref<24576x2048xi32, #tpu.memory_space<hbm>> -> memref<32x2048xi32, #tpu.memory_space<hbm>>
        %dma_start3A_482 = arith.constant 0 : i32
        %dma_start3A_483 = tpu.memref_slice %arg4[%multiple_of3A_479, %dma_start3A_482] : memref<24576x2048xi32, #tpu.memory_space<hbm>> -> memref<32x2048xi32, #tpu.memory_space<hbm>>
        tpu.enqueue_dma source(%arg7 : memref<32x2048xi32, #tpu.memory_space<vmem>>) target(%dma_start3A_483 : memref<32x2048xi32, #tpu.memory_space<hbm>>) target_semaphore(%arg16 : memref<!tpu.dma_semaphore, #tpu.memory_space<semaphore_mem>>)
        %get3A_484 = arith.constant 3 : i32
        %get3A_485 = arith.index_cast %get3A_484 : i32 to index
        %get3A_486 = memref.load %arg12[%get3A_485] : memref<8xi32, #tpu.memory_space<smem>>
        %add3A_487 = arith.constant 1 : i32
        %add3A_488 = arith.addi %get3A_486, %add3A_487 : i32
        %swap3A_489 = arith.constant 3 : i32
        %swap3A_490 = arith.index_cast %swap3A_489 : i32 to index
        %swap3A_491 = memref.load %arg12[%swap3A_490] : memref<8xi32, #tpu.memory_space<smem>>
        memref.store %add3A_488, %arg12[%swap3A_490] : memref<8xi32, #tpu.memory_space<smem>>
        %get3A_492 = arith.constant 3 : i32
        %get3A_493 = arith.index_cast %get3A_492 : i32 to index
        %get3A_494 = memref.load %arg12[%get3A_493] : memref<8xi32, #tpu.memory_space<smem>>
        %gt3A_495 = arith.constant 3 : i32
        %gt3A_496 = arith.cmpi sgt, %get3A_494, %gt3A_495 : i32
        %convert_element_type3A_497 = arith.extui %gt3A_496 : i1 to i32
        %cond3A_498 = arith.constant 0 : i32
        %cond3A_499 = arith.cmpi ne, %convert_element_type3A_497, %cond3A_498 : i32
        scf.if %cond3A_499 {
          %scan3A_500 = arith.constant 0 : i32
          %scan3A_501 = arith.constant 0 : i32
          %add3A_502 = arith.constant 0 : i32
          %add3A_503 = arith.addi %mul3A_2, %add3A_502 : i32
          %multiple_of3A_504 = tpu.assume_multiple %add3A_503, 32 : i32
          %dma_wait3A_505 = arith.constant 0 : i32
          %dma_wait3A_506 = tpu.memref_slice %arg4[%multiple_of3A_504, %dma_wait3A_505] : memref<24576x2048xi32, #tpu.memory_space<hbm>> -> memref<32x2048xi32, #tpu.memory_space<hbm>>
          %dma_wait3A_507 = arith.constant 0 : i32
          %dma_wait3A_508 = tpu.memref_slice %arg4[%multiple_of3A_504, %dma_wait3A_507] : memref<24576x2048xi32, #tpu.memory_space<hbm>> -> memref<32x2048xi32, #tpu.memory_space<hbm>>
          tpu.wait_dma2 semaphore(%arg16 : memref<!tpu.dma_semaphore, #tpu.memory_space<semaphore_mem>>) src(%arg7 : memref<32x2048xi32, #tpu.memory_space<vmem>>) dst(%dma_wait3A_508 : memref<32x2048xi32, #tpu.memory_space<hbm>>)
          %scan3A_509 = arith.constant 1 : i32
          %get3A_510 = arith.constant 3 : i32
          %get3A_511 = arith.index_cast %get3A_510 : i32 to index
          %get3A_512 = memref.load %arg12[%get3A_511] : memref<8xi32, #tpu.memory_space<smem>>
          %sub3A = arith.constant 1 : i32
          %sub3A_513 = arith.subi %get3A_512, %sub3A : i32
          %swap3A_514 = arith.constant 3 : i32
          %swap3A_515 = arith.index_cast %swap3A_514 : i32 to index
          %swap3A_516 = memref.load %arg12[%swap3A_515] : memref<8xi32, #tpu.memory_space<smem>>
          memref.store %sub3A_513, %arg12[%swap3A_515] : memref<8xi32, #tpu.memory_space<smem>>
        } else {
        }
      } else {
      }
      %not3A = arith.constant true
      %not3A_370 = arith.xori %lt3A_368, %not3A : i1
      %convert_element_type3A_371 = arith.extui %not3A_370 : i1 to i32
      %cond3A_372 = arith.constant 0 : i32
      %cond3A_373 = arith.cmpi ne, %convert_element_type3A_371, %cond3A_372 : i32
      scf.if %cond3A_373 {
        %mul3A_476 = arith.constant 32 : i32
        %mul3A_477 = arith.muli %mul3A_303, %mul3A_476 : i32
        %add3A_478 = arith.addi %mul3A_2, %mul3A_477 : i32
        %multiple_of3A_479 = tpu.assume_multiple %add3A_478, 32 : i32
        %dma_start3A_480 = arith.constant 0 : i32
        %dma_start3A_481 = tpu.memref_slice %arg4[%multiple_of3A_479, %dma_start3A_480] : memref<24576x2048xi32, #tpu.memory_space<hbm>> -> memref<32x2048xi32, #tpu.memory_space<hbm>>
        tpu.enqueue_dma source(%arg8 : memref<32x2048xi32, #tpu.memory_space<vmem_shared>>) target(%dma_start3A_481 : memref<32x2048xi32, #tpu.memory_space<hbm>>) target_semaphore(%arg17 : memref<!tpu.dma_semaphore, #tpu.memory_space<semaphore_mem>>)
        %get3A_482 = arith.constant 5 : i32
        %get3A_483 = arith.index_cast %get3A_482 : i32 to index
        %get3A_484 = memref.load %arg12[%get3A_483] : memref<8xi32, #tpu.memory_space<smem>>
        %add3A_485 = arith.constant 1 : i32
        %add3A_486 = arith.addi %get3A_484, %add3A_485 : i32
        %swap3A_487 = arith.constant 5 : i32
        %swap3A_488 = arith.index_cast %swap3A_487 : i32 to index
        %swap3A_489 = memref.load %arg12[%swap3A_488] : memref<8xi32, #tpu.memory_space<smem>>
        memref.store %add3A_486, %arg12[%swap3A_488] : memref<8xi32, #tpu.memory_space<smem>>
        %get3A_490 = arith.constant 5 : i32
        %get3A_491 = arith.index_cast %get3A_490 : i32 to index
        %get3A_492 = memref.load %arg12[%get3A_491] : memref<8xi32, #tpu.memory_space<smem>>
        %gt3A_493 = arith.constant 3 : i32
        %gt3A_494 = arith.cmpi sgt, %get3A_492, %gt3A_493 : i32
        %convert_element_type3A_495 = arith.extui %gt3A_494 : i1 to i32
        %cond3A_496 = arith.constant 0 : i32
        %cond3A_497 = arith.cmpi ne, %convert_element_type3A_495, %cond3A_496 : i32
        scf.if %cond3A_497 {
          %scan3A_498 = arith.constant 0 : i32
          %scan3A_499 = arith.constant 0 : i32
          %add3A_500 = arith.constant 0 : i32
          %add3A_501 = arith.addi %mul3A_2, %add3A_500 : i32
          %multiple_of3A_502 = tpu.assume_multiple %add3A_501, 32 : i32
          %dma_wait3A_503 = arith.constant 0 : i32
          %dma_wait3A_504 = tpu.memref_slice %arg4[%multiple_of3A_502, %dma_wait3A_503] : memref<24576x2048xi32, #tpu.memory_space<hbm>> -> memref<32x2048xi32, #tpu.memory_space<hbm>>
          tpu.wait_dma2 semaphore(%arg17 : memref<!tpu.dma_semaphore, #tpu.memory_space<semaphore_mem>>) src(%arg8 : memref<32x2048xi32, #tpu.memory_space<vmem_shared>>) dst(%dma_wait3A_504 : memref<32x2048xi32, #tpu.memory_space<hbm>>)
          %scan3A_505 = arith.constant 1 : i32
          %get3A_506 = arith.constant 5 : i32
          %get3A_507 = arith.index_cast %get3A_506 : i32 to index
          %get3A_508 = memref.load %arg12[%get3A_507] : memref<8xi32, #tpu.memory_space<smem>>
          %sub3A = arith.constant 1 : i32
          %sub3A_509 = arith.subi %get3A_508, %sub3A : i32
          %swap3A_510 = arith.constant 5 : i32
          %swap3A_511 = arith.index_cast %swap3A_510 : i32 to index
          %swap3A_512 = memref.load %arg12[%swap3A_511] : memref<8xi32, #tpu.memory_space<smem>>
          memref.store %sub3A_509, %arg12[%swap3A_511] : memref<8xi32, #tpu.memory_space<smem>>
        } else {
        }
      } else {
      }
      %scan3A_374 = arith.constant 0 : i32
      %scan3A_375 = arith.constant 0 : i32
      %scan3A_376 = arith.constant 32 : i32
      %scan3A_377 = arith.addi %scan3A_375, %scan3A_376 : i32
      %scan3A_378 = arith.constant 1 : i32
      %scan3A_379 = scf.for %scan3A_476 = %scan3A_375 to %scan3A_377 step %scan3A_378 iter_args(%scan3A_477 = %scan3A_374) -> (i32)  : i32 {
        %get3A_478 = arith.index_cast %scan3A_476 : i32 to index
        %get3A_479 = arith.constant 0 : index
        %get3A_480 = tpu.vector_load %arg5[%get3A_478, %get3A_479] {strides = array<i32>} : memref<32x128xf32, #tpu.memory_space<vmem>>, vector<1x16xf32>,
        %get3A_481 = vector.shape_cast %get3A_480 : vector<1x16xf32> to vector<16xf32>
        %get3A_482 = arith.index_cast %scan3A_476 : i32 to index
        %get3A_483 = arith.constant 16 : index
        %get3A_484 = tpu.vector_load %arg5[%get3A_482, %get3A_483] {strides = array<i32>} : memref<32x128xf32, #tpu.memory_space<vmem>>, vector<1x16xf32>,
        %get3A_485 = vector.shape_cast %get3A_484 : vector<1x16xf32> to vector<16xf32>
        %max3A = arith.maximumf %get3A_481, %get3A_485 : vector<16xf32>
        %get3A_486 = arith.index_cast %scan3A_476 : i32 to index
        %get3A_487 = arith.constant 32 : index
        %get3A_488 = tpu.vector_load %arg5[%get3A_486, %get3A_487] {strides = array<i32>} : memref<32x128xf32, #tpu.memory_space<vmem>>, vector<1x16xf32>,
        %get3A_489 = vector.shape_cast %get3A_488 : vector<1x16xf32> to vector<16xf32>
        %max3A_490 = arith.maximumf %max3A, %get3A_489 : vector<16xf32>
        %get3A_491 = arith.index_cast %scan3A_476 : i32 to index
        %get3A_492 = arith.constant 48 : index
        %get3A_493 = tpu.vector_load %arg5[%get3A_491, %get3A_492] {strides = array<i32>} : memref<32x128xf32, #tpu.memory_space<vmem>>, vector<1x16xf32>,
        %get3A_494 = vector.shape_cast %get3A_493 : vector<1x16xf32> to vector<16xf32>
        %max3A_495 = arith.maximumf %max3A_490, %get3A_494 : vector<16xf32>
        %get3A_496 = arith.index_cast %scan3A_476 : i32 to index
        %get3A_497 = arith.constant 64 : index
        %get3A_498 = tpu.vector_load %arg5[%get3A_496, %get3A_497] {strides = array<i32>} : memref<32x128xf32, #tpu.memory_space<vmem>>, vector<1x16xf32>,
        %get3A_499 = vector.shape_cast %get3A_498 : vector<1x16xf32> to vector<16xf32>
        %max3A_500 = arith.maximumf %max3A_495, %get3A_499 : vector<16xf32>
        %get3A_501 = arith.index_cast %scan3A_476 : i32 to index
        %get3A_502 = arith.constant 80 : index
        %get3A_503 = tpu.vector_load %arg5[%get3A_501, %get3A_502] {strides = array<i32>} : memref<32x128xf32, #tpu.memory_space<vmem>>, vector<1x16xf32>,
        %get3A_504 = vector.shape_cast %get3A_503 : vector<1x16xf32> to vector<16xf32>
        %max3A_505 = arith.maximumf %max3A_500, %get3A_504 : vector<16xf32>
        %get3A_506 = arith.index_cast %scan3A_476 : i32 to index
        %get3A_507 = arith.constant 96 : index
        %get3A_508 = tpu.vector_load %arg5[%get3A_506, %get3A_507] {strides = array<i32>} : memref<32x128xf32, #tpu.memory_space<vmem>>, vector<1x16xf32>,
        %get3A_509 = vector.shape_cast %get3A_508 : vector<1x16xf32> to vector<16xf32>
        %max3A_510 = arith.maximumf %max3A_505, %get3A_509 : vector<16xf32>
        %get3A_511 = arith.index_cast %scan3A_476 : i32 to index
        %get3A_512 = arith.constant 112 : index
        %get3A_513 = tpu.vector_load %arg5[%get3A_511, %get3A_512] {strides = array<i32>} : memref<32x128xf32, #tpu.memory_space<vmem>>, vector<1x16xf32>,
        %get3A_514 = vector.shape_cast %get3A_513 : vector<1x16xf32> to vector<16xf32>
        %max3A_515 = arith.maximumf %max3A_510, %get3A_514 : vector<16xf32>
        %slice3A_516 = vector.extract_strided_slice %max3A_515 {offsets = [0], sizes = [1], strides = [1]} : vector<16xf32> to vector<1xf32>
        %squeeze3A_517 = vector.extract %slice3A_516[0] : f32 from vector<1xf32>
        %slice3A_518 = vector.extract_strided_slice %max3A_515 {offsets = [1], sizes = [1], strides = [1]} : vector<16xf32> to vector<1xf32>
        %squeeze3A_519 = vector.extract %slice3A_518[0] : f32 from vector<1xf32>
        %max3A_520 = arith.maximumf %squeeze3A_517, %squeeze3A_519 : f32
        %slice3A_521 = vector.extract_strided_slice %max3A_515 {offsets = [2], sizes = [1], strides = [1]} : vector<16xf32> to vector<1xf32>
        %squeeze3A_522 = vector.extract %slice3A_521[0] : f32 from vector<1xf32>
        %max3A_523 = arith.maximumf %max3A_520, %squeeze3A_522 : f32
        %slice3A_524 = vector.extract_strided_slice %max3A_515 {offsets = [3], sizes = [1], strides = [1]} : vector<16xf32> to vector<1xf32>
        %squeeze3A_525 = vector.extract %slice3A_524[0] : f32 from vector<1xf32>
        %max3A_526 = arith.maximumf %max3A_523, %squeeze3A_525 : f32
        %slice3A_527 = vector.extract_strided_slice %max3A_515 {offsets = [4], sizes = [1], strides = [1]} : vector<16xf32> to vector<1xf32>
        %squeeze3A_528 = vector.extract %slice3A_527[0] : f32 from vector<1xf32>
        %max3A_529 = arith.maximumf %max3A_526, %squeeze3A_528 : f32
        %slice3A_530 = vector.extract_strided_slice %max3A_515 {offsets = [5], sizes = [1], strides = [1]} : vector<16xf32> to vector<1xf32>
        %squeeze3A_531 = vector.extract %slice3A_530[0] : f32 from vector<1xf32>
        %max3A_532 = arith.maximumf %max3A_529, %squeeze3A_531 : f32
        %slice3A_533 = vector.extract_strided_slice %max3A_515 {offsets = [6], sizes = [1], strides = [1]} : vector<16xf32> to vector<1xf32>
        %squeeze3A_534 = vector.extract %slice3A_533[0] : f32 from vector<1xf32>
        %max3A_535 = arith.maximumf %max3A_532, %squeeze3A_534 : f32
        %slice3A_536 = vector.extract_strided_slice %max3A_515 {offsets = [7], sizes = [1], strides = [1]} : vector<16xf32> to vector<1xf32>
        %squeeze3A_537 = vector.extract %slice3A_536[0] : f32 from vector<1xf32>
        %max3A_538 = arith.maximumf %max3A_535, %squeeze3A_537 : f32
        %slice3A_539 = vector.extract_strided_slice %max3A_515 {offsets = [8], sizes = [1], strides = [1]} : vector<16xf32> to vector<1xf32>
        %squeeze3A_540 = vector.extract %slice3A_539[0] : f32 from vector<1xf32>
        %max3A_541 = arith.maximumf %max3A_538, %squeeze3A_540 : f32
        %slice3A_542 = vector.extract_strided_slice %max3A_515 {offsets = [9], sizes = [1], strides = [1]} : vector<16xf32> to vector<1xf32>
        %squeeze3A_543 = vector.extract %slice3A_542[0] : f32 from vector<1xf32>
        %max3A_544 = arith.maximumf %max3A_541, %squeeze3A_543 : f32
        %slice3A_545 = vector.extract_strided_slice %max3A_515 {offsets = [10], sizes = [1], strides = [1]} : vector<16xf32> to vector<1xf32>
        %squeeze3A_546 = vector.extract %slice3A_545[0] : f32 from vector<1xf32>
        %max3A_547 = arith.maximumf %max3A_544, %squeeze3A_546 : f32
        %slice3A_548 = vector.extract_strided_slice %max3A_515 {offsets = [11], sizes = [1], strides = [1]} : vector<16xf32> to vector<1xf32>
        %squeeze3A_549 = vector.extract %slice3A_548[0] : f32 from vector<1xf32>
        %max3A_550 = arith.maximumf %max3A_547, %squeeze3A_549 : f32
        %slice3A_551 = vector.extract_strided_slice %max3A_515 {offsets = [12], sizes = [1], strides = [1]} : vector<16xf32> to vector<1xf32>
        %squeeze3A_552 = vector.extract %slice3A_551[0] : f32 from vector<1xf32>
        %max3A_553 = arith.maximumf %max3A_550, %squeeze3A_552 : f32
        %slice3A_554 = vector.extract_strided_slice %max3A_515 {offsets = [13], sizes = [1], strides = [1]} : vector<16xf32> to vector<1xf32>
        %squeeze3A_555 = vector.extract %slice3A_554[0] : f32 from vector<1xf32>
        %max3A_556 = arith.maximumf %max3A_553, %squeeze3A_555 : f32
        %slice3A_557 = vector.extract_strided_slice %max3A_515 {offsets = [14], sizes = [1], strides = [1]} : vector<16xf32> to vector<1xf32>
        %squeeze3A_558 = vector.extract %slice3A_557[0] : f32 from vector<1xf32>
        %max3A_559 = arith.maximumf %max3A_556, %squeeze3A_558 : f32
        %slice3A_560 = vector.extract_strided_slice %max3A_515 {offsets = [15], sizes = [1], strides = [1]} : vector<16xf32> to vector<1xf32>
        %squeeze3A_561 = vector.extract %slice3A_560[0] : f32 from vector<1xf32>
        %max3A_562 = arith.maximumf %max3A_559, %squeeze3A_561 : f32
        %le3A = arith.cmpf ole, %max3A_562, %select_n3A_355 : f32
        %jit3A_563 = arith.constant 1 : i32
        %jit3A_564 = arith.constant 0 : i32
        %select_n3A_565 = arith.select %le3A, %jit3A_563, %jit3A_564 : i32
        %add3A_566 = arith.addi %scan3A_477, %select_n3A_565 : i32
        scf.yield %add3A_566 : i32
      }
      %scan3A_380 = arith.constant 32 : i32
      %gt3A = arith.constant 0 : i32
      %gt3A_381 = arith.cmpi sgt, %scan3A_379, %gt3A : i32
      %convert_element_type3A_382 = arith.extui %gt3A_381 : i1 to i32
      %cond3A_383 = arith.constant 0 : i32
      %cond3A_384 = arith.cmpi ne, %convert_element_type3A_382, %cond3A_383 : i32
      scf.if %cond3A_384 {
        %scan3A_476 = arith.constant 0 : i32
        %scan3A_477 = arith.constant 0 : i32
        %scan3A_478 = arith.constant 32 : i32
        %scan3A_479 = arith.addi %scan3A_477, %scan3A_478 : i32
        %scan3A_480 = arith.constant 1 : i32
        scf.for %scan3A_482 = %scan3A_477 to %scan3A_479 step %scan3A_480  : i32 {
          %get3A_483 = arith.index_cast %scan3A_482 : i32 to index
          %get3A_484 = arith.constant 0 : index
          %get3A_485 = tpu.vector_load %arg5[%get3A_483, %get3A_484] {strides = array<i32>} : memref<32x128xf32, #tpu.memory_space<vmem>>, vector<1x16xf32>,
          %get3A_486 = vector.shape_cast %get3A_485 : vector<1x16xf32> to vector<16xf32>
          %get3A_487 = arith.index_cast %scan3A_482 : i32 to index
          %get3A_488 = arith.constant 16 : index
          %get3A_489 = tpu.vector_load %arg5[%get3A_487, %get3A_488] {strides = array<i32>} : memref<32x128xf32, #tpu.memory_space<vmem>>, vector<1x16xf32>,
          %get3A_490 = vector.shape_cast %get3A_489 : vector<1x16xf32> to vector<16xf32>
          %max3A = arith.maximumf %get3A_486, %get3A_490 : vector<16xf32>
          %get3A_491 = arith.index_cast %scan3A_482 : i32 to index
          %get3A_492 = arith.constant 32 : index
          %get3A_493 = tpu.vector_load %arg5[%get3A_491, %get3A_492] {strides = array<i32>} : memref<32x128xf32, #tpu.memory_space<vmem>>, vector<1x16xf32>,
          %get3A_494 = vector.shape_cast %get3A_493 : vector<1x16xf32> to vector<16xf32>
          %max3A_495 = arith.maximumf %max3A, %get3A_494 : vector<16xf32>
          %get3A_496 = arith.index_cast %scan3A_482 : i32 to index
          %get3A_497 = arith.constant 48 : index
          %get3A_498 = tpu.vector_load %arg5[%get3A_496, %get3A_497] {strides = array<i32>} : memref<32x128xf32, #tpu.memory_space<vmem>>, vector<1x16xf32>,
          %get3A_499 = vector.shape_cast %get3A_498 : vector<1x16xf32> to vector<16xf32>
          %max3A_500 = arith.maximumf %max3A_495, %get3A_499 : vector<16xf32>
          %get3A_501 = arith.index_cast %scan3A_482 : i32 to index
          %get3A_502 = arith.constant 64 : index
          %get3A_503 = tpu.vector_load %arg5[%get3A_501, %get3A_502] {strides = array<i32>} : memref<32x128xf32, #tpu.memory_space<vmem>>, vector<1x16xf32>,
          %get3A_504 = vector.shape_cast %get3A_503 : vector<1x16xf32> to vector<16xf32>
          %max3A_505 = arith.maximumf %max3A_500, %get3A_504 : vector<16xf32>
          %get3A_506 = arith.index_cast %scan3A_482 : i32 to index
          %get3A_507 = arith.constant 80 : index
          %get3A_508 = tpu.vector_load %arg5[%get3A_506, %get3A_507] {strides = array<i32>} : memref<32x128xf32, #tpu.memory_space<vmem>>, vector<1x16xf32>,
          %get3A_509 = vector.shape_cast %get3A_508 : vector<1x16xf32> to vector<16xf32>
          %max3A_510 = arith.maximumf %max3A_505, %get3A_509 : vector<16xf32>
          %get3A_511 = arith.index_cast %scan3A_482 : i32 to index
          %get3A_512 = arith.constant 96 : index
          %get3A_513 = tpu.vector_load %arg5[%get3A_511, %get3A_512] {strides = array<i32>} : memref<32x128xf32, #tpu.memory_space<vmem>>, vector<1x16xf32>,
          %get3A_514 = vector.shape_cast %get3A_513 : vector<1x16xf32> to vector<16xf32>
          %max3A_515 = arith.maximumf %max3A_510, %get3A_514 : vector<16xf32>
          %get3A_516 = arith.index_cast %scan3A_482 : i32 to index
          %get3A_517 = arith.constant 112 : index
          %get3A_518 = tpu.vector_load %arg5[%get3A_516, %get3A_517] {strides = array<i32>} : memref<32x128xf32, #tpu.memory_space<vmem>>, vector<1x16xf32>,
          %get3A_519 = vector.shape_cast %get3A_518 : vector<1x16xf32> to vector<16xf32>
          %max3A_520 = arith.maximumf %max3A_515, %get3A_519 : vector<16xf32>
          %slice3A_521 = vector.extract_strided_slice %max3A_520 {offsets = [0], sizes = [1], strides = [1]} : vector<16xf32> to vector<1xf32>
          %squeeze3A_522 = vector.extract %slice3A_521[0] : f32 from vector<1xf32>
          %slice3A_523 = vector.extract_strided_slice %max3A_520 {offsets = [1], sizes = [1], strides = [1]} : vector<16xf32> to vector<1xf32>
          %squeeze3A_524 = vector.extract %slice3A_523[0] : f32 from vector<1xf32>
          %max3A_525 = arith.maximumf %squeeze3A_522, %squeeze3A_524 : f32
          %slice3A_526 = vector.extract_strided_slice %max3A_520 {offsets = [2], sizes = [1], strides = [1]} : vector<16xf32> to vector<1xf32>
          %squeeze3A_527 = vector.extract %slice3A_526[0] : f32 from vector<1xf32>
          %max3A_528 = arith.maximumf %max3A_525, %squeeze3A_527 : f32
          %slice3A_529 = vector.extract_strided_slice %max3A_520 {offsets = [3], sizes = [1], strides = [1]} : vector<16xf32> to vector<1xf32>
          %squeeze3A_530 = vector.extract %slice3A_529[0] : f32 from vector<1xf32>
          %max3A_531 = arith.maximumf %max3A_528, %squeeze3A_530 : f32
          %slice3A_532 = vector.extract_strided_slice %max3A_520 {offsets = [4], sizes = [1], strides = [1]} : vector<16xf32> to vector<1xf32>
          %squeeze3A_533 = vector.extract %slice3A_532[0] : f32 from vector<1xf32>
          %max3A_534 = arith.maximumf %max3A_531, %squeeze3A_533 : f32
          %slice3A_535 = vector.extract_strided_slice %max3A_520 {offsets = [5], sizes = [1], strides = [1]} : vector<16xf32> to vector<1xf32>
          %squeeze3A_536 = vector.extract %slice3A_535[0] : f32 from vector<1xf32>
          %max3A_537 = arith.maximumf %max3A_534, %squeeze3A_536 : f32
          %slice3A_538 = vector.extract_strided_slice %max3A_520 {offsets = [6], sizes = [1], strides = [1]} : vector<16xf32> to vector<1xf32>
          %squeeze3A_539 = vector.extract %slice3A_538[0] : f32 from vector<1xf32>
          %max3A_540 = arith.maximumf %max3A_537, %squeeze3A_539 : f32
          %slice3A_541 = vector.extract_strided_slice %max3A_520 {offsets = [7], sizes = [1], strides = [1]} : vector<16xf32> to vector<1xf32>
          %squeeze3A_542 = vector.extract %slice3A_541[0] : f32 from vector<1xf32>
          %max3A_543 = arith.maximumf %max3A_540, %squeeze3A_542 : f32
          %slice3A_544 = vector.extract_strided_slice %max3A_520 {offsets = [8], sizes = [1], strides = [1]} : vector<16xf32> to vector<1xf32>
          %squeeze3A_545 = vector.extract %slice3A_544[0] : f32 from vector<1xf32>
          %max3A_546 = arith.maximumf %max3A_543, %squeeze3A_545 : f32
          %slice3A_547 = vector.extract_strided_slice %max3A_520 {offsets = [9], sizes = [1], strides = [1]} : vector<16xf32> to vector<1xf32>
          %squeeze3A_548 = vector.extract %slice3A_547[0] : f32 from vector<1xf32>
          %max3A_549 = arith.maximumf %max3A_546, %squeeze3A_548 : f32
          %slice3A_550 = vector.extract_strided_slice %max3A_520 {offsets = [10], sizes = [1], strides = [1]} : vector<16xf32> to vector<1xf32>
          %squeeze3A_551 = vector.extract %slice3A_550[0] : f32 from vector<1xf32>
          %max3A_552 = arith.maximumf %max3A_549, %squeeze3A_551 : f32
          %slice3A_553 = vector.extract_strided_slice %max3A_520 {offsets = [11], sizes = [1], strides = [1]} : vector<16xf32> to vector<1xf32>
          %squeeze3A_554 = vector.extract %slice3A_553[0] : f32 from vector<1xf32>
          %max3A_555 = arith.maximumf %max3A_552, %squeeze3A_554 : f32
          %slice3A_556 = vector.extract_strided_slice %max3A_520 {offsets = [12], sizes = [1], strides = [1]} : vector<16xf32> to vector<1xf32>
          %squeeze3A_557 = vector.extract %slice3A_556[0] : f32 from vector<1xf32>
          %max3A_558 = arith.maximumf %max3A_555, %squeeze3A_557 : f32
          %slice3A_559 = vector.extract_strided_slice %max3A_520 {offsets = [13], sizes = [1], strides = [1]} : vector<16xf32> to vector<1xf32>
          %squeeze3A_560 = vector.extract %slice3A_559[0] : f32 from vector<1xf32>
          %max3A_561 = arith.maximumf %max3A_558, %squeeze3A_560 : f32
          %slice3A_562 = vector.extract_strided_slice %max3A_520 {offsets = [14], sizes = [1], strides = [1]} : vector<16xf32> to vector<1xf32>
          %squeeze3A_563 = vector.extract %slice3A_562[0] : f32 from vector<1xf32>
          %max3A_564 = arith.maximumf %max3A_561, %squeeze3A_563 : f32
          %slice3A_565 = vector.extract_strided_slice %max3A_520 {offsets = [15], sizes = [1], strides = [1]} : vector<16xf32> to vector<1xf32>
          %squeeze3A_566 = vector.extract %slice3A_565[0] : f32 from vector<1xf32>
          %max3A_567 = arith.maximumf %max3A_564, %squeeze3A_566 : f32
          %le3A = arith.cmpf ole, %max3A_567, %select_n3A_355 : f32
          %convert_element_type3A_568 = arith.extui %le3A : i1 to i32
          %cond3A_569 = arith.constant 0 : i32
          %cond3A_570 = arith.cmpi ne, %convert_element_type3A_568, %cond3A_569 : i32
          scf.if %cond3A_570 {
            %add3A_571 = arith.addi %add3A_323, %scan3A_482 : i32
            "tpu.region"() ({
              %run_scoped3A = tpu.sem_alloc : memref<!tpu.dma_semaphore, #tpu.memory_space<semaphore_mem>>
              %dma_start3A_634 = arith.constant 0 : i32
              %dma_start3A_635 = tpu.memref_slice %arg2[%add3A_571, %dma_start3A_634] : memref<24576x2048xf32, #tpu.memory_space<hbm>> -> memref<1x2048xf32, #tpu.memory_space<hbm>>
              %dma_start3A_636 = arith.constant 0 : i32
              %dma_start3A_637 = tpu.memref_slice %arg2[%add3A_571, %dma_start3A_636] : memref<24576x2048xf32, #tpu.memory_space<hbm>> -> memref<1x2048xf32, #tpu.memory_space<hbm>>
              tpu.enqueue_dma source(%dma_start3A_637 : memref<1x2048xf32, #tpu.memory_space<hbm>>) target(%arg10 : memref<1x2048xf32, #tpu.memory_space<vmem>>) target_semaphore(%run_scoped3A : memref<!tpu.dma_semaphore, #tpu.memory_space<semaphore_mem>>)
              %dma_wait3A_638 = arith.constant 0 : i32
              %dma_wait3A_639 = tpu.memref_slice %arg2[%add3A_571, %dma_wait3A_638] : memref<24576x2048xf32, #tpu.memory_space<hbm>> -> memref<1x2048xf32, #tpu.memory_space<hbm>>
              %dma_wait3A_640 = arith.constant 0 : i32
              %dma_wait3A_641 = tpu.memref_slice %arg2[%add3A_571, %dma_wait3A_640] : memref<24576x2048xf32, #tpu.memory_space<hbm>> -> memref<1x2048xf32, #tpu.memory_space<hbm>>
              tpu.wait_dma2 semaphore(%run_scoped3A : memref<!tpu.dma_semaphore, #tpu.memory_space<semaphore_mem>>) src(%dma_wait3A_641 : memref<1x2048xf32, #tpu.memory_space<hbm>>) dst(%arg10 : memref<1x2048xf32, #tpu.memory_space<vmem>>)
              tpu.yield
            }) : () -> ()
            %get3A_572 = arith.constant 0 : i32
            %get3A_573 = arith.index_cast %get3A_572 : i32 to index
            %get3A_574 = arith.constant 0 : index
            %get3A_575 = tpu.vector_load %arg10[%get3A_573, %get3A_574] {strides = array<i32>} : memref<1x2048xf32, #tpu.memory_space<vmem>>, vector<1x16xf32>,
            %get3A_576 = vector.shape_cast %get3A_575 : vector<1x16xf32> to vector<16xf32>
            %scan3A_577 = arith.constant 1 : i32
            %scan3A_578 = arith.constant 127 : i32
            %scan3A_579 = arith.addi %scan3A_577, %scan3A_578 : i32
            %scan3A_580 = arith.constant 1 : i32
            %scan3A_581 = scf.for %scan3A_634 = %scan3A_577 to %scan3A_579 step %scan3A_580 iter_args(%scan3A_635 = %get3A_576) -> (vector<16xf32>)  : i32 {
              %mul3A_636 = arith.constant 16 : i32
              %mul3A_637 = arith.muli %scan3A_634, %mul3A_636 : i32
              %get3A_638 = arith.constant 0 : i32
              %get3A_639 = arith.index_cast %get3A_638 : i32 to index
              %get3A_640 = arith.index_cast %mul3A_637 : i32 to index
              %get3A_641 = tpu.vector_load %arg10[%get3A_639, %get3A_640] {strides = array<i32>} : memref<1x2048xf32, #tpu.memory_space<vmem>>, vector<1x16xf32>,
              %get3A_642 = vector.shape_cast %get3A_641 : vector<1x16xf32> to vector<16xf32>
              %max3A_643 = arith.maximumf %scan3A_635, %get3A_642 : vector<16xf32>
              scf.yield %max3A_643 : vector<16xf32>
            }
            %scan3A_582 = arith.constant 127 : i32
            %slice3A_583 = vector.extract_strided_slice %scan3A_581 {offsets = [0], sizes = [1], strides = [1]} : vector<16xf32> to vector<1xf32>
            %squeeze3A_584 = vector.extract %slice3A_583[0] : f32 from vector<1xf32>
            %slice3A_585 = vector.extract_strided_slice %scan3A_581 {offsets = [1], sizes = [1], strides = [1]} : vector<16xf32> to vector<1xf32>
            %squeeze3A_586 = vector.extract %slice3A_585[0] : f32 from vector<1xf32>
            %max3A_587 = arith.maximumf %squeeze3A_584, %squeeze3A_586 : f32
            %slice3A_588 = vector.extract_strided_slice %scan3A_581 {offsets = [2], sizes = [1], strides = [1]} : vector<16xf32> to vector<1xf32>
            %squeeze3A_589 = vector.extract %slice3A_588[0] : f32 from vector<1xf32>
            %max3A_590 = arith.maximumf %max3A_587, %squeeze3A_589 : f32
            %slice3A_591 = vector.extract_strided_slice %scan3A_581 {offsets = [3], sizes = [1], strides = [1]} : vector<16xf32> to vector<1xf32>
            %squeeze3A_592 = vector.extract %slice3A_591[0] : f32 from vector<1xf32>
            %max3A_593 = arith.maximumf %max3A_590, %squeeze3A_592 : f32
            %slice3A_594 = vector.extract_strided_slice %scan3A_581 {offsets = [4], sizes = [1], strides = [1]} : vector<16xf32> to vector<1xf32>
            %squeeze3A_595 = vector.extract %slice3A_594[0] : f32 from vector<1xf32>
            %max3A_596 = arith.maximumf %max3A_593, %squeeze3A_595 : f32
            %slice3A_597 = vector.extract_strided_slice %scan3A_581 {offsets = [5], sizes = [1], strides = [1]} : vector<16xf32> to vector<1xf32>
            %squeeze3A_598 = vector.extract %slice3A_597[0] : f32 from vector<1xf32>
            %max3A_599 = arith.maximumf %max3A_596, %squeeze3A_598 : f32
            %slice3A_600 = vector.extract_strided_slice %scan3A_581 {offsets = [6], sizes = [1], strides = [1]} : vector<16xf32> to vector<1xf32>
            %squeeze3A_601 = vector.extract %slice3A_600[0] : f32 from vector<1xf32>
            %max3A_602 = arith.maximumf %max3A_599, %squeeze3A_601 : f32
            %slice3A_603 = vector.extract_strided_slice %scan3A_581 {offsets = [7], sizes = [1], strides = [1]} : vector<16xf32> to vector<1xf32>
            %squeeze3A_604 = vector.extract %slice3A_603[0] : f32 from vector<1xf32>
            %max3A_605 = arith.maximumf %max3A_602, %squeeze3A_604 : f32
            %slice3A_606 = vector.extract_strided_slice %scan3A_581 {offsets = [8], sizes = [1], strides = [1]} : vector<16xf32> to vector<1xf32>
            %squeeze3A_607 = vector.extract %slice3A_606[0] : f32 from vector<1xf32>
            %max3A_608 = arith.maximumf %max3A_605, %squeeze3A_607 : f32
            %slice3A_609 = vector.extract_strided_slice %scan3A_581 {offsets = [9], sizes = [1], strides = [1]} : vector<16xf32> to vector<1xf32>
            %squeeze3A_610 = vector.extract %slice3A_609[0] : f32 from vector<1xf32>
            %max3A_611 = arith.maximumf %max3A_608, %squeeze3A_610 : f32
            %slice3A_612 = vector.extract_strided_slice %scan3A_581 {offsets = [10], sizes = [1], strides = [1]} : vector<16xf32> to vector<1xf32>
            %squeeze3A_613 = vector.extract %slice3A_612[0] : f32 from vector<1xf32>
            %max3A_614 = arith.maximumf %max3A_611, %squeeze3A_613 : f32
            %slice3A_615 = vector.extract_strided_slice %scan3A_581 {offsets = [11], sizes = [1], strides = [1]} : vector<16xf32> to vector<1xf32>
            %squeeze3A_616 = vector.extract %slice3A_615[0] : f32 from vector<1xf32>
            %max3A_617 = arith.maximumf %max3A_614, %squeeze3A_616 : f32
            %slice3A_618 = vector.extract_strided_slice %scan3A_581 {offsets = [12], sizes = [1], strides = [1]} : vector<16xf32> to vector<1xf32>
            %squeeze3A_619 = vector.extract %slice3A_618[0] : f32 from vector<1xf32>
            %max3A_620 = arith.maximumf %max3A_617, %squeeze3A_619 : f32
            %slice3A_621 = vector.extract_strided_slice %scan3A_581 {offsets = [13], sizes = [1], strides = [1]} : vector<16xf32> to vector<1xf32>
            %squeeze3A_622 = vector.extract %slice3A_621[0] : f32 from vector<1xf32>
            %max3A_623 = arith.maximumf %max3A_620, %squeeze3A_622 : f32
            %slice3A_624 = vector.extract_strided_slice %scan3A_581 {offsets = [14], sizes = [1], strides = [1]} : vector<16xf32> to vector<1xf32>
            %squeeze3A_625 = vector.extract %slice3A_624[0] : f32 from vector<1xf32>
            %max3A_626 = arith.maximumf %max3A_623, %squeeze3A_625 : f32
            %slice3A_627 = vector.extract_strided_slice %scan3A_581 {offsets = [15], sizes = [1], strides = [1]} : vector<16xf32> to vector<1xf32>
            %squeeze3A_628 = vector.extract %slice3A_627[0] : f32 from vector<1xf32>
            %max3A_629 = arith.maximumf %max3A_626, %squeeze3A_628 : f32
            %le3A_630 = arith.cmpf ole, %max3A_629, %select_n3A_355 : f32
            %convert_element_type3A_631 = arith.extui %le3A_630 : i1 to i32
            %cond3A_632 = arith.constant 0 : i32
            %cond3A_633 = arith.cmpi ne, %convert_element_type3A_631, %cond3A_632 : i32
            scf.if %cond3A_633 {
              %get3A_634 = arith.constant 3 : i32
              %get3A_635 = arith.index_cast %get3A_634 : i32 to index
              %get3A_636 = memref.load %arg12[%get3A_635] : memref<8xi32, #tpu.memory_space<smem>>
              %while3A_637 = arith.constant 0 : i32
              %while3A_638 = arith.constant 0 : i32
              %while3A_639 = arith.subi %get3A_636, %while3A_638 : i32
              %while3A_640 = arith.addi %while3A_638, %while3A_639 : i32
              %while3A_641 = arith.constant 1 : i32
              %while3A_642 = arith.divsi %while3A_639, %while3A_641 : i32
              %while3A_643 = arith.muli %while3A_642, %while3A_641 : i32
              %while3A_644 = arith.addi %while3A_638, %while3A_643 : i32
              %while3A_645 = arith.constant 1 : i32
              scf.for %while3A_693 = %while3A_638 to %while3A_644 step %while3A_645  : i32 {
                %add3A_694 = arith.constant 0 : i32
                %add3A_695 = arith.addi %mul3A_2, %add3A_694 : i32
                %multiple_of3A_696 = tpu.assume_multiple %add3A_695, 32 : i32
                %dma_wait3A_697 = arith.constant 0 : i32
                %dma_wait3A_698 = tpu.memref_slice %arg4[%multiple_of3A_696, %dma_wait3A_697] : memref<24576x2048xi32, #tpu.memory_space<hbm>> -> memref<32x2048xi32, #tpu.memory_space<hbm>>
                %dma_wait3A_699 = arith.constant 0 : i32
                %dma_wait3A_700 = tpu.memref_slice %arg4[%multiple_of3A_696, %dma_wait3A_699] : memref<24576x2048xi32, #tpu.memory_space<hbm>> -> memref<32x2048xi32, #tpu.memory_space<hbm>>
                tpu.wait_dma2 semaphore(%arg16 : memref<!tpu.dma_semaphore, #tpu.memory_space<semaphore_mem>>) src(%arg7 : memref<32x2048xi32, #tpu.memory_space<vmem>>) dst(%dma_wait3A_700 : memref<32x2048xi32, #tpu.memory_space<hbm>>)
              }
              %while3A_646 = arith.constant 1 : i32
              scf.for %while3A_693 = %while3A_644 to %while3A_640 step %while3A_646  : i32 {
                %add3A_694 = arith.constant 0 : i32
                %add3A_695 = arith.addi %mul3A_2, %add3A_694 : i32
                %multiple_of3A_696 = tpu.assume_multiple %add3A_695, 32 : i32
                %dma_wait3A_697 = arith.constant 0 : i32
                %dma_wait3A_698 = tpu.memref_slice %arg4[%multiple_of3A_696, %dma_wait3A_697] : memref<24576x2048xi32, #tpu.memory_space<hbm>> -> memref<32x2048xi32, #tpu.memory_space<hbm>>
                %dma_wait3A_699 = arith.constant 0 : i32
                %dma_wait3A_700 = tpu.memref_slice %arg4[%multiple_of3A_696, %dma_wait3A_699] : memref<24576x2048xi32, #tpu.memory_space<hbm>> -> memref<32x2048xi32, #tpu.memory_space<hbm>>
                tpu.wait_dma2 semaphore(%arg16 : memref<!tpu.dma_semaphore, #tpu.memory_space<semaphore_mem>>) src(%arg7 : memref<32x2048xi32, #tpu.memory_space<vmem>>) dst(%dma_wait3A_700 : memref<32x2048xi32, #tpu.memory_space<hbm>>)
              }
              %swap3A_647 = arith.constant 0 : i32
              %swap3A_648 = arith.constant 3 : i32
              %swap3A_649 = arith.index_cast %swap3A_648 : i32 to index
              %swap3A_650 = memref.load %arg12[%swap3A_649] : memref<8xi32, #tpu.memory_space<smem>>
              memref.store %swap3A_647, %arg12[%swap3A_649] : memref<8xi32, #tpu.memory_space<smem>>
              %get3A_651 = arith.constant 5 : i32
              %get3A_652 = arith.index_cast %get3A_651 : i32 to index
              %get3A_653 = memref.load %arg12[%get3A_652] : memref<8xi32, #tpu.memory_space<smem>>
              %while3A_654 = arith.constant 0 : i32
              %while3A_655 = arith.constant 0 : i32
              %while3A_656 = arith.subi %get3A_653, %while3A_655 : i32
              %while3A_657 = arith.addi %while3A_655, %while3A_656 : i32
              %while3A_658 = arith.constant 1 : i32
              %while3A_659 = arith.divsi %while3A_656, %while3A_658 : i32
              %while3A_660 = arith.muli %while3A_659, %while3A_658 : i32
              %while3A_661 = arith.addi %while3A_655, %while3A_660 : i32
              %while3A_662 = arith.constant 1 : i32
              scf.for %while3A_693 = %while3A_655 to %while3A_661 step %while3A_662  : i32 {
                %add3A_694 = arith.constant 0 : i32
                %add3A_695 = arith.addi %mul3A_2, %add3A_694 : i32
                %multiple_of3A_696 = tpu.assume_multiple %add3A_695, 32 : i32
                %dma_wait3A_697 = arith.constant 0 : i32
                %dma_wait3A_698 = tpu.memref_slice %arg4[%multiple_of3A_696, %dma_wait3A_697] : memref<24576x2048xi32, #tpu.memory_space<hbm>> -> memref<32x2048xi32, #tpu.memory_space<hbm>>
                tpu.wait_dma2 semaphore(%arg17 : memref<!tpu.dma_semaphore, #tpu.memory_space<semaphore_mem>>) src(%arg8 : memref<32x2048xi32, #tpu.memory_space<vmem_shared>>) dst(%dma_wait3A_698 : memref<32x2048xi32, #tpu.memory_space<hbm>>)
              }
              %while3A_663 = arith.constant 1 : i32
              scf.for %while3A_693 = %while3A_661 to %while3A_657 step %while3A_663  : i32 {
                %add3A_694 = arith.constant 0 : i32
                %add3A_695 = arith.addi %mul3A_2, %add3A_694 : i32
                %multiple_of3A_696 = tpu.assume_multiple %add3A_695, 32 : i32
                %dma_wait3A_697 = arith.constant 0 : i32
                %dma_wait3A_698 = tpu.memref_slice %arg4[%multiple_of3A_696, %dma_wait3A_697] : memref<24576x2048xi32, #tpu.memory_space<hbm>> -> memref<32x2048xi32, #tpu.memory_space<hbm>>
                tpu.wait_dma2 semaphore(%arg17 : memref<!tpu.dma_semaphore, #tpu.memory_space<semaphore_mem>>) src(%arg8 : memref<32x2048xi32, #tpu.memory_space<vmem_shared>>) dst(%dma_wait3A_698 : memref<32x2048xi32, #tpu.memory_space<hbm>>)
              }
              %swap3A_664 = arith.constant 0 : i32
              %swap3A_665 = arith.constant 5 : i32
              %swap3A_666 = arith.index_cast %swap3A_665 : i32 to index
              %swap3A_667 = memref.load %arg12[%swap3A_666] : memref<8xi32, #tpu.memory_space<smem>>
              memref.store %swap3A_664, %arg12[%swap3A_666] : memref<8xi32, #tpu.memory_space<smem>>
              %swap3A_668 = arith.constant 0 : i32
              %swap3A_669 = arith.constant 1 : i32
              %swap3A_670 = arith.index_cast %swap3A_669 : i32 to index
              %swap3A_671 = memref.load %arg12[%swap3A_670] : memref<8xi32, #tpu.memory_space<smem>>
              memref.store %swap3A_668, %arg12[%swap3A_670] : memref<8xi32, #tpu.memory_space<smem>>
              %swap3A_672 = arith.constant 0 : i32
              %swap3A_673 = arith.constant 2 : i32
              %swap3A_674 = arith.index_cast %swap3A_673 : i32 to index
              %swap3A_675 = memref.load %arg12[%swap3A_674] : memref<8xi32, #tpu.memory_space<smem>>
              memref.store %swap3A_672, %arg12[%swap3A_674] : memref<8xi32, #tpu.memory_space<smem>>
              %swap3A_676 = arith.constant 0.000000e+00 : f32
              %swap3A_677 = arith.constant 0 : i32
              %swap3A_678 = arith.index_cast %swap3A_677 : i32 to index
              %swap3A_679 = memref.load %arg13[%swap3A_678] : memref<1xf32, #tpu.memory_space<smem>>
              memref.store %swap3A_676, %arg13[%swap3A_678] : memref<1xf32, #tpu.memory_space<smem>>
              %scan3A_680 = arith.constant 0 : i32
              %scan3A_681 = arith.constant 0 : i32
              %scan3A_682 = arith.constant 2048 : i32
              %scan3A_683 = arith.addi %scan3A_681, %scan3A_682 : i32
              %scan3A_684 = arith.constant 1 : i32
              scf.for %scan3A_693 = %scan3A_681 to %scan3A_683 step %scan3A_684  : i32 {
                %get3A_694 = arith.constant 2 : i32
                %get3A_695 = arith.index_cast %get3A_694 : i32 to index
                %get3A_696 = memref.load %arg12[%get3A_695] : memref<8xi32, #tpu.memory_space<smem>>
                %eq3A_697 = arith.constant 0 : i32
                %eq3A_698 = arith.cmpi eq, %get3A_696, %eq3A_697 : i32
                %convert_element_type3A_699 = arith.extui %eq3A_698 : i1 to i32
                %cond3A_700 = arith.constant 0 : i32
                %cond3A_701 = arith.cmpi ne, %convert_element_type3A_699, %cond3A_700 : i32
                scf.if %cond3A_701 {
                  %get3A_702 = arith.constant 1 : i32
                  %get3A_703 = arith.index_cast %get3A_702 : i32 to index
                  %get3A_704 = memref.load %arg12[%get3A_703] : memref<8xi32, #tpu.memory_space<smem>>
                  %get3A_705 = arith.constant 0 : i32
                  %get3A_706 = arith.index_cast %get3A_705 : i32 to index
                  %get3A_707 = memref.load %arg13[%get3A_706] : memref<1xf32, #tpu.memory_space<smem>>
                  %get3A_708 = arith.constant 0 : i32
                  %get3A_709 = arith.index_cast %get3A_708 : i32 to index
                  %get3A_710 = arith.constant 0 : index
                  %get3A_711 = tpu.vector_load %arg10[%get3A_709, %get3A_710] {strides = array<i32>} : memref<1x2048xf32, #tpu.memory_space<vmem>>, vector<1x16xf32>,
                  %get3A_712 = vector.shape_cast %get3A_711 : vector<1x16xf32> to vector<16xf32>
                  %scan3A_713 = arith.constant 1 : i32
                  %scan3A_714 = arith.constant 127 : i32
                  %scan3A_715 = arith.addi %scan3A_713, %scan3A_714 : i32
                  %scan3A_716 = arith.constant 1 : i32
                  %scan3A_717:2 = scf.for %scan3A_901 = %scan3A_713 to %scan3A_715 step %scan3A_716 iter_args(%scan3A_902 = %get3A_712, %scan3A_903 = %iota3A) -> (vector<16xf32>, vector<16xi32>)  : i32 {
                    %mul3A_904 = arith.constant 16 : i32
                    %mul3A_905 = arith.muli %scan3A_901, %mul3A_904 : i32
                    %get3A_906 = arith.constant 0 : i32
                    %get3A_907 = arith.index_cast %get3A_906 : i32 to index
                    %get3A_908 = arith.index_cast %mul3A_905 : i32 to index
                    %get3A_909 = tpu.vector_load %arg10[%get3A_907, %get3A_908] {strides = array<i32>} : memref<1x2048xf32, #tpu.memory_space<vmem>>, vector<1x16xf32>,
                    %get3A_910 = vector.shape_cast %get3A_909 : vector<1x16xf32> to vector<16xf32>
                    %gt3A_911 = arith.cmpf ogt, %get3A_910, %scan3A_902 : vector<16xf32>
                    %select_n3A_912 = arith.select %gt3A_911, %get3A_910, %scan3A_902 : vector<16xi1>, vector<16xf32>
                    %mul3A_913 = arith.constant 16 : i32
                    %mul3A_914 = arith.muli %scan3A_901, %mul3A_913 : i32
                    %add3A_915 = vector.broadcast %mul3A_914 : i32 to vector<16xi32>
                    %add3A_916 = arith.addi %iota3A, %add3A_915 : vector<16xi32>
                    %select_n3A_917 = arith.select %gt3A_911, %add3A_916, %scan3A_903 : vector<16xi1>, vector<16xi32>
                    scf.yield %select_n3A_912, %select_n3A_917 : vector<16xf32>, vector<16xi32>
                  }
                  %scan3A_718 = arith.constant 127 : i32
                  %slice3A_719 = vector.extract_strided_slice %scan3A_717#0 {offsets = [0], sizes = [1], strides = [1]} : vector<16xf32> to vector<1xf32>
                  %squeeze3A_720 = vector.extract %slice3A_719[0] : f32 from vector<1xf32>
                  %slice3A_721 = vector.extract_strided_slice %scan3A_717#1 {offsets = [0], sizes = [1], strides = [1]} : vector<16xi32> to vector<1xi32>
                  %squeeze3A_722 = vector.extract %slice3A_721[0] : i32 from vector<1xi32>
                  %slice3A_723 = vector.extract_strided_slice %scan3A_717#0 {offsets = [1], sizes = [1], strides = [1]} : vector<16xf32> to vector<1xf32>
                  %squeeze3A_724 = vector.extract %slice3A_723[0] : f32 from vector<1xf32>
                  %slice3A_725 = vector.extract_strided_slice %scan3A_717#1 {offsets = [1], sizes = [1], strides = [1]} : vector<16xi32> to vector<1xi32>
                  %squeeze3A_726 = vector.extract %slice3A_725[0] : i32 from vector<1xi32>
                  %gt3A_727 = arith.cmpf ogt, %squeeze3A_724, %squeeze3A_720 : f32
                  %eq3A_728 = arith.cmpf oeq, %squeeze3A_724, %squeeze3A_720 : f32
                  %lt3A_729 = arith.cmpi slt, %squeeze3A_726, %squeeze3A_722 : i32
                  %and3A_730 = arith.andi %eq3A_728, %lt3A_729 : i1
                  %or3A = arith.ori %gt3A_727, %and3A_730 : i1
                  %select_n3A_731 = arith.select %or3A, %squeeze3A_724, %squeeze3A_720 : f32
                  %select_n3A_732 = arith.select %or3A, %squeeze3A_726, %squeeze3A_722 : i32
                  %slice3A_733 = vector.extract_strided_slice %scan3A_717#0 {offsets = [2], sizes = [1], strides = [1]} : vector<16xf32> to vector<1xf32>
                  %squeeze3A_734 = vector.extract %slice3A_733[0] : f32 from vector<1xf32>
                  %slice3A_735 = vector.extract_strided_slice %scan3A_717#1 {offsets = [2], sizes = [1], strides = [1]} : vector<16xi32> to vector<1xi32>
                  %squeeze3A_736 = vector.extract %slice3A_735[0] : i32 from vector<1xi32>
                  %gt3A_737 = arith.cmpf ogt, %squeeze3A_734, %select_n3A_731 : f32
                  %eq3A_738 = arith.cmpf oeq, %squeeze3A_734, %select_n3A_731 : f32
                  %lt3A_739 = arith.cmpi slt, %squeeze3A_736, %select_n3A_732 : i32
                  %and3A_740 = arith.andi %eq3A_738, %lt3A_739 : i1
                  %or3A_741 = arith.ori %gt3A_737, %and3A_740 : i1
                  %select_n3A_742 = arith.select %or3A_741, %squeeze3A_734, %select_n3A_731 : f32
                  %select_n3A_743 = arith.select %or3A_741, %squeeze3A_736, %select_n3A_732 : i32
                  %slice3A_744 = vector.extract_strided_slice %scan3A_717#0 {offsets = [3], sizes = [1], strides = [1]} : vector<16xf32> to vector<1xf32>
                  %squeeze3A_745 = vector.extract %slice3A_744[0] : f32 from vector<1xf32>
                  %slice3A_746 = vector.extract_strided_slice %scan3A_717#1 {offsets = [3], sizes = [1], strides = [1]} : vector<16xi32> to vector<1xi32>
                  %squeeze3A_747 = vector.extract %slice3A_746[0] : i32 from vector<1xi32>
                  %gt3A_748 = arith.cmpf ogt, %squeeze3A_745, %select_n3A_742 : f32
                  %eq3A_749 = arith.cmpf oeq, %squeeze3A_745, %select_n3A_742 : f32
                  %lt3A_750 = arith.cmpi slt, %squeeze3A_747, %select_n3A_743 : i32
                  %and3A_751 = arith.andi %eq3A_749, %lt3A_750 : i1
                  %or3A_752 = arith.ori %gt3A_748, %and3A_751 : i1
                  %select_n3A_753 = arith.select %or3A_752, %squeeze3A_745, %select_n3A_742 : f32
                  %select_n3A_754 = arith.select %or3A_752, %squeeze3A_747, %select_n3A_743 : i32
                  %slice3A_755 = vector.extract_strided_slice %scan3A_717#0 {offsets = [4], sizes = [1], strides = [1]} : vector<16xf32> to vector<1xf32>
                  %squeeze3A_756 = vector.extract %slice3A_755[0] : f32 from vector<1xf32>
                  %slice3A_757 = vector.extract_strided_slice %scan3A_717#1 {offsets = [4], sizes = [1], strides = [1]} : vector<16xi32> to vector<1xi32>
                  %squeeze3A_758 = vector.extract %slice3A_757[0] : i32 from vector<1xi32>
                  %gt3A_759 = arith.cmpf ogt, %squeeze3A_756, %select_n3A_753 : f32
                  %eq3A_760 = arith.cmpf oeq, %squeeze3A_756, %select_n3A_753 : f32
                  %lt3A_761 = arith.cmpi slt, %squeeze3A_758, %select_n3A_754 : i32
                  %and3A_762 = arith.andi %eq3A_760, %lt3A_761 : i1
                  %or3A_763 = arith.ori %gt3A_759, %and3A_762 : i1
                  %select_n3A_764 = arith.select %or3A_763, %squeeze3A_756, %select_n3A_753 : f32
                  %select_n3A_765 = arith.select %or3A_763, %squeeze3A_758, %select_n3A_754 : i32
                  %slice3A_766 = vector.extract_strided_slice %scan3A_717#0 {offsets = [5], sizes = [1], strides = [1]} : vector<16xf32> to vector<1xf32>
                  %squeeze3A_767 = vector.extract %slice3A_766[0] : f32 from vector<1xf32>
                  %slice3A_768 = vector.extract_strided_slice %scan3A_717#1 {offsets = [5], sizes = [1], strides = [1]} : vector<16xi32> to vector<1xi32>
                  %squeeze3A_769 = vector.extract %slice3A_768[0] : i32 from vector<1xi32>
                  %gt3A_770 = arith.cmpf ogt, %squeeze3A_767, %select_n3A_764 : f32
                  %eq3A_771 = arith.cmpf oeq, %squeeze3A_767, %select_n3A_764 : f32
                  %lt3A_772 = arith.cmpi slt, %squeeze3A_769, %select_n3A_765 : i32
                  %and3A_773 = arith.andi %eq3A_771, %lt3A_772 : i1
                  %or3A_774 = arith.ori %gt3A_770, %and3A_773 : i1
                  %select_n3A_775 = arith.select %or3A_774, %squeeze3A_767, %select_n3A_764 : f32
                  %select_n3A_776 = arith.select %or3A_774, %squeeze3A_769, %select_n3A_765 : i32
                  %slice3A_777 = vector.extract_strided_slice %scan3A_717#0 {offsets = [6], sizes = [1], strides = [1]} : vector<16xf32> to vector<1xf32>
                  %squeeze3A_778 = vector.extract %slice3A_777[0] : f32 from vector<1xf32>
                  %slice3A_779 = vector.extract_strided_slice %scan3A_717#1 {offsets = [6], sizes = [1], strides = [1]} : vector<16xi32> to vector<1xi32>
                  %squeeze3A_780 = vector.extract %slice3A_779[0] : i32 from vector<1xi32>
                  %gt3A_781 = arith.cmpf ogt, %squeeze3A_778, %select_n3A_775 : f32
                  %eq3A_782 = arith.cmpf oeq, %squeeze3A_778, %select_n3A_775 : f32
                  %lt3A_783 = arith.cmpi slt, %squeeze3A_780, %select_n3A_776 : i32
                  %and3A_784 = arith.andi %eq3A_782, %lt3A_783 : i1
                  %or3A_785 = arith.ori %gt3A_781, %and3A_784 : i1
                  %select_n3A_786 = arith.select %or3A_785, %squeeze3A_778, %select_n3A_775 : f32
                  %select_n3A_787 = arith.select %or3A_785, %squeeze3A_780, %select_n3A_776 : i32
                  %slice3A_788 = vector.extract_strided_slice %scan3A_717#0 {offsets = [7], sizes = [1], strides = [1]} : vector<16xf32> to vector<1xf32>
                  %squeeze3A_789 = vector.extract %slice3A_788[0] : f32 from vector<1xf32>
                  %slice3A_790 = vector.extract_strided_slice %scan3A_717#1 {offsets = [7], sizes = [1], strides = [1]} : vector<16xi32> to vector<1xi32>
                  %squeeze3A_791 = vector.extract %slice3A_790[0] : i32 from vector<1xi32>
                  %gt3A_792 = arith.cmpf ogt, %squeeze3A_789, %select_n3A_786 : f32
                  %eq3A_793 = arith.cmpf oeq, %squeeze3A_789, %select_n3A_786 : f32
                  %lt3A_794 = arith.cmpi slt, %squeeze3A_791, %select_n3A_787 : i32
                  %and3A_795 = arith.andi %eq3A_793, %lt3A_794 : i1
                  %or3A_796 = arith.ori %gt3A_792, %and3A_795 : i1
                  %select_n3A_797 = arith.select %or3A_796, %squeeze3A_789, %select_n3A_786 : f32
                  %select_n3A_798 = arith.select %or3A_796, %squeeze3A_791, %select_n3A_787 : i32
                  %slice3A_799 = vector.extract_strided_slice %scan3A_717#0 {offsets = [8], sizes = [1], strides = [1]} : vector<16xf32> to vector<1xf32>
                  %squeeze3A_800 = vector.extract %slice3A_799[0] : f32 from vector<1xf32>
                  %slice3A_801 = vector.extract_strided_slice %scan3A_717#1 {offsets = [8], sizes = [1], strides = [1]} : vector<16xi32> to vector<1xi32>
                  %squeeze3A_802 = vector.extract %slice3A_801[0] : i32 from vector<1xi32>
                  %gt3A_803 = arith.cmpf ogt, %squeeze3A_800, %select_n3A_797 : f32
                  %eq3A_804 = arith.cmpf oeq, %squeeze3A_800, %select_n3A_797 : f32
                  %lt3A_805 = arith.cmpi slt, %squeeze3A_802, %select_n3A_798 : i32
                  %and3A_806 = arith.andi %eq3A_804, %lt3A_805 : i1
                  %or3A_807 = arith.ori %gt3A_803, %and3A_806 : i1
                  %select_n3A_808 = arith.select %or3A_807, %squeeze3A_800, %select_n3A_797 : f32
                  %select_n3A_809 = arith.select %or3A_807, %squeeze3A_802, %select_n3A_798 : i32
                  %slice3A_810 = vector.extract_strided_slice %scan3A_717#0 {offsets = [9], sizes = [1], strides = [1]} : vector<16xf32> to vector<1xf32>
                  %squeeze3A_811 = vector.extract %slice3A_810[0] : f32 from vector<1xf32>
                  %slice3A_812 = vector.extract_strided_slice %scan3A_717#1 {offsets = [9], sizes = [1], strides = [1]} : vector<16xi32> to vector<1xi32>
                  %squeeze3A_813 = vector.extract %slice3A_812[0] : i32 from vector<1xi32>
                  %gt3A_814 = arith.cmpf ogt, %squeeze3A_811, %select_n3A_808 : f32
                  %eq3A_815 = arith.cmpf oeq, %squeeze3A_811, %select_n3A_808 : f32
                  %lt3A_816 = arith.cmpi slt, %squeeze3A_813, %select_n3A_809 : i32
                  %and3A_817 = arith.andi %eq3A_815, %lt3A_816 : i1
                  %or3A_818 = arith.ori %gt3A_814, %and3A_817 : i1
                  %select_n3A_819 = arith.select %or3A_818, %squeeze3A_811, %select_n3A_808 : f32
                  %select_n3A_820 = arith.select %or3A_818, %squeeze3A_813, %select_n3A_809 : i32
                  %slice3A_821 = vector.extract_strided_slice %scan3A_717#0 {offsets = [10], sizes = [1], strides = [1]} : vector<16xf32> to vector<1xf32>
                  %squeeze3A_822 = vector.extract %slice3A_821[0] : f32 from vector<1xf32>
                  %slice3A_823 = vector.extract_strided_slice %scan3A_717#1 {offsets = [10], sizes = [1], strides = [1]} : vector<16xi32> to vector<1xi32>
                  %squeeze3A_824 = vector.extract %slice3A_823[0] : i32 from vector<1xi32>
                  %gt3A_825 = arith.cmpf ogt, %squeeze3A_822, %select_n3A_819 : f32
                  %eq3A_826 = arith.cmpf oeq, %squeeze3A_822, %select_n3A_819 : f32
                  %lt3A_827 = arith.cmpi slt, %squeeze3A_824, %select_n3A_820 : i32
                  %and3A_828 = arith.andi %eq3A_826, %lt3A_827 : i1
                  %or3A_829 = arith.ori %gt3A_825, %and3A_828 : i1
                  %select_n3A_830 = arith.select %or3A_829, %squeeze3A_822, %select_n3A_819 : f32
                  %select_n3A_831 = arith.select %or3A_829, %squeeze3A_824, %select_n3A_820 : i32
                  %slice3A_832 = vector.extract_strided_slice %scan3A_717#0 {offsets = [11], sizes = [1], strides = [1]} : vector<16xf32> to vector<1xf32>
                  %squeeze3A_833 = vector.extract %slice3A_832[0] : f32 from vector<1xf32>
                  %slice3A_834 = vector.extract_strided_slice %scan3A_717#1 {offsets = [11], sizes = [1], strides = [1]} : vector<16xi32> to vector<1xi32>
                  %squeeze3A_835 = vector.extract %slice3A_834[0] : i32 from vector<1xi32>
                  %gt3A_836 = arith.cmpf ogt, %squeeze3A_833, %select_n3A_830 : f32
                  %eq3A_837 = arith.cmpf oeq, %squeeze3A_833, %select_n3A_830 : f32
                  %lt3A_838 = arith.cmpi slt, %squeeze3A_835, %select_n3A_831 : i32
                  %and3A_839 = arith.andi %eq3A_837, %lt3A_838 : i1
                  %or3A_840 = arith.ori %gt3A_836, %and3A_839 : i1
                  %select_n3A_841 = arith.select %or3A_840, %squeeze3A_833, %select_n3A_830 : f32
                  %select_n3A_842 = arith.select %or3A_840, %squeeze3A_835, %select_n3A_831 : i32
                  %slice3A_843 = vector.extract_strided_slice %scan3A_717#0 {offsets = [12], sizes = [1], strides = [1]} : vector<16xf32> to vector<1xf32>
                  %squeeze3A_844 = vector.extract %slice3A_843[0] : f32 from vector<1xf32>
                  %slice3A_845 = vector.extract_strided_slice %scan3A_717#1 {offsets = [12], sizes = [1], strides = [1]} : vector<16xi32> to vector<1xi32>
                  %squeeze3A_846 = vector.extract %slice3A_845[0] : i32 from vector<1xi32>
                  %gt3A_847 = arith.cmpf ogt, %squeeze3A_844, %select_n3A_841 : f32
                  %eq3A_848 = arith.cmpf oeq, %squeeze3A_844, %select_n3A_841 : f32
                  %lt3A_849 = arith.cmpi slt, %squeeze3A_846, %select_n3A_842 : i32
                  %and3A_850 = arith.andi %eq3A_848, %lt3A_849 : i1
                  %or3A_851 = arith.ori %gt3A_847, %and3A_850 : i1
                  %select_n3A_852 = arith.select %or3A_851, %squeeze3A_844, %select_n3A_841 : f32
                  %select_n3A_853 = arith.select %or3A_851, %squeeze3A_846, %select_n3A_842 : i32
                  %slice3A_854 = vector.extract_strided_slice %scan3A_717#0 {offsets = [13], sizes = [1], strides = [1]} : vector<16xf32> to vector<1xf32>
                  %squeeze3A_855 = vector.extract %slice3A_854[0] : f32 from vector<1xf32>
                  %slice3A_856 = vector.extract_strided_slice %scan3A_717#1 {offsets = [13], sizes = [1], strides = [1]} : vector<16xi32> to vector<1xi32>
                  %squeeze3A_857 = vector.extract %slice3A_856[0] : i32 from vector<1xi32>
                  %gt3A_858 = arith.cmpf ogt, %squeeze3A_855, %select_n3A_852 : f32
                  %eq3A_859 = arith.cmpf oeq, %squeeze3A_855, %select_n3A_852 : f32
                  %lt3A_860 = arith.cmpi slt, %squeeze3A_857, %select_n3A_853 : i32
                  %and3A_861 = arith.andi %eq3A_859, %lt3A_860 : i1
                  %or3A_862 = arith.ori %gt3A_858, %and3A_861 : i1
                  %select_n3A_863 = arith.select %or3A_862, %squeeze3A_855, %select_n3A_852 : f32
                  %select_n3A_864 = arith.select %or3A_862, %squeeze3A_857, %select_n3A_853 : i32
                  %slice3A_865 = vector.extract_strided_slice %scan3A_717#0 {offsets = [14], sizes = [1], strides = [1]} : vector<16xf32> to vector<1xf32>
                  %squeeze3A_866 = vector.extract %slice3A_865[0] : f32 from vector<1xf32>
                  %slice3A_867 = vector.extract_strided_slice %scan3A_717#1 {offsets = [14], sizes = [1], strides = [1]} : vector<16xi32> to vector<1xi32>
                  %squeeze3A_868 = vector.extract %slice3A_867[0] : i32 from vector<1xi32>
                  %gt3A_869 = arith.cmpf ogt, %squeeze3A_866, %select_n3A_863 : f32
                  %eq3A_870 = arith.cmpf oeq, %squeeze3A_866, %select_n3A_863 : f32
                  %lt3A_871 = arith.cmpi slt, %squeeze3A_868, %select_n3A_864 : i32
                  %and3A_872 = arith.andi %eq3A_870, %lt3A_871 : i1
                  %or3A_873 = arith.ori %gt3A_869, %and3A_872 : i1
                  %select_n3A_874 = arith.select %or3A_873, %squeeze3A_866, %select_n3A_863 : f32
                  %select_n3A_875 = arith.select %or3A_873, %squeeze3A_868, %select_n3A_864 : i32
                  %slice3A_876 = vector.extract_strided_slice %scan3A_717#0 {offsets = [15], sizes = [1], strides = [1]} : vector<16xf32> to vector<1xf32>
                  %squeeze3A_877 = vector.extract %slice3A_876[0] : f32 from vector<1xf32>
                  %slice3A_878 = vector.extract_strided_slice %scan3A_717#1 {offsets = [15], sizes = [1], strides = [1]} : vector<16xi32> to vector<1xi32>
                  %squeeze3A_879 = vector.extract %slice3A_878[0] : i32 from vector<1xi32>
                  %gt3A_880 = arith.cmpf ogt, %squeeze3A_877, %select_n3A_874 : f32
                  %eq3A_881 = arith.cmpf oeq, %squeeze3A_877, %select_n3A_874 : f32
                  %lt3A_882 = arith.cmpi slt, %squeeze3A_879, %select_n3A_875 : i32
                  %and3A_883 = arith.andi %eq3A_881, %lt3A_882 : i1
                  %or3A_884 = arith.ori %gt3A_880, %and3A_883 : i1
                  %select_n3A_885 = arith.select %or3A_884, %squeeze3A_877, %select_n3A_874 : f32
                  %select_n3A_886 = arith.select %or3A_884, %squeeze3A_879, %select_n3A_875 : i32
                  %add3A_887 = arith.addf %get3A_707, %select_n3A_885 : f32
                  %le3A_888 = arith.cmpf ole, %add3A_887, %select_n3A_355 : f32
                  %convert_element_type3A_889 = arith.extui %le3A_888 : i1 to i32
                  %cond3A_890 = arith.constant 0 : i32
                  %cond3A_891 = arith.cmpi ne, %convert_element_type3A_889, %cond3A_890 : i32
                  scf.if %cond3A_891 {
                    %jit3A_901 = arith.constant 16 : i32
                    %div3A = arith.divsi %get3A_704, %jit3A_901 : i32
                    %sign3A = arith.constant 0 : i32
                    %sign3A_902 = arith.cmpi sgt, %get3A_704, %sign3A : i32
                    %sign3A_903 = arith.extui %sign3A_902 : i1 to i32
                    %sign3A_904 = arith.constant 0 : i32
                    %sign3A_905 = arith.cmpi slt, %get3A_704, %sign3A_904 : i32
                    %sign3A_906 = arith.extui %sign3A_905 : i1 to i32
                    %sign3A_907 = arith.subi %sign3A_903, %sign3A_906 : i32
                    %sign3A_908 = arith.constant 0 : i32
                    %sign3A_909 = arith.cmpi sgt, %jit3A_901, %sign3A_908 : i32
                    %sign3A_910 = arith.extui %sign3A_909 : i1 to i32
                    %sign3A_911 = arith.constant 0 : i32
                    %sign3A_912 = arith.cmpi slt, %jit3A_901, %sign3A_911 : i32
                    %sign3A_913 = arith.extui %sign3A_912 : i1 to i32
                    %sign3A_914 = arith.subi %sign3A_910, %sign3A_913 : i32
                    %ne3A_915 = arith.cmpi ne, %sign3A_907, %sign3A_914 : i32
                    %rem3A_916 = arith.remsi %get3A_704, %jit3A_901 : i32
                    %ne3A_917 = arith.constant 0 : i32
                    %ne3A_918 = arith.cmpi ne, %rem3A_916, %ne3A_917 : i32
                    %and3A_919 = arith.andi %ne3A_915, %ne3A_918 : i1
                    %sub3A = arith.constant 1 : i32
                    %sub3A_920 = arith.subi %div3A, %sub3A : i32
                    %select_n3A_921 = arith.select %and3A_919, %sub3A_920, %div3A : i32
                    %mul3A_922 = arith.constant 16 : i32
                    %mul3A_923 = arith.muli %select_n3A_921, %mul3A_922 : i32
                    %get3A_924 = arith.constant 0 : i32
                    %get3A_925 = arith.index_cast %get3A_924 : i32 to index
                    %get3A_926 = arith.index_cast %mul3A_923 : i32 to index
                    %get3A_927 = tpu.vector_load %arg9[%get3A_925, %get3A_926] {strides = array<i32>} : memref<1x2048xi32, #tpu.memory_space<vmem>>, vector<1x16xi32>,
                    %get3A_928 = vector.shape_cast %get3A_927 : vector<1x16xi32> to vector<16xi32>
                    %sub3A_929 = arith.subi %get3A_704, %mul3A_923 : i32
                    %eq3A_930 = vector.broadcast %sub3A_929 : i32 to vector<16xi32>
                    %eq3A_931 = arith.cmpi eq, %iota3A, %eq3A_930 : vector<16xi32>
                    %broadcast_in_dim3A_932 = vector.broadcast %select_n3A_886 : i32 to vector<16xi32>
                    %select_n3A_933 = arith.select %eq3A_931, %broadcast_in_dim3A_932, %get3A_928 : vector<16xi1>, vector<16xi32>
                    %swap3A_934 = arith.constant 0 : i32
                    %swap3A_935 = arith.index_cast %swap3A_934 : i32 to index
                    %swap3A_936 = arith.index_cast %mul3A_923 : i32 to index
                    %swap3A_937 = tpu.vector_load %arg9[%swap3A_935, %swap3A_936] {strides = array<i32>} : memref<1x2048xi32, #tpu.memory_space<vmem>>, vector<1x16xi32>,
                    %swap3A_938 = vector.shape_cast %swap3A_937 : vector<1x16xi32> to vector<16xi32>
                    %swap3A_939 = vector.shape_cast %select_n3A_933 : vector<16xi32> to vector<1x16xi32>
                    tpu.vector_store %arg9[%swap3A_935, %swap3A_936], %swap3A_939 {strides = array<i32>} : memref<1x2048xi32, #tpu.memory_space<vmem>>, vector<1x16xi32>,
                    %jit3A_940 = arith.constant 16 : i32
                    %div3A_941 = arith.divsi %select_n3A_886, %jit3A_940 : i32
                    %sign3A_942 = arith.constant 0 : i32
                    %sign3A_943 = arith.cmpi sgt, %select_n3A_886, %sign3A_942 : i32
                    %sign3A_944 = arith.extui %sign3A_943 : i1 to i32
                    %sign3A_945 = arith.constant 0 : i32
                    %sign3A_946 = arith.cmpi slt, %select_n3A_886, %sign3A_945 : i32
                    %sign3A_947 = arith.extui %sign3A_946 : i1 to i32
                    %sign3A_948 = arith.subi %sign3A_944, %sign3A_947 : i32
                    %sign3A_949 = arith.constant 0 : i32
                    %sign3A_950 = arith.cmpi sgt, %jit3A_940, %sign3A_949 : i32
                    %sign3A_951 = arith.extui %sign3A_950 : i1 to i32
                    %sign3A_952 = arith.constant 0 : i32
                    %sign3A_953 = arith.cmpi slt, %jit3A_940, %sign3A_952 : i32
                    %sign3A_954 = arith.extui %sign3A_953 : i1 to i32
                    %sign3A_955 = arith.subi %sign3A_951, %sign3A_954 : i32
                    %ne3A_956 = arith.cmpi ne, %sign3A_948, %sign3A_955 : i32
                    %rem3A_957 = arith.remsi %select_n3A_886, %jit3A_940 : i32
                    %ne3A_958 = arith.constant 0 : i32
                    %ne3A_959 = arith.cmpi ne, %rem3A_957, %ne3A_958 : i32
                    %and3A_960 = arith.andi %ne3A_956, %ne3A_959 : i1
                    %sub3A_961 = arith.constant 1 : i32
                    %sub3A_962 = arith.subi %div3A_941, %sub3A_961 : i32
                    %select_n3A_963 = arith.select %and3A_960, %sub3A_962, %div3A_941 : i32
                    %mul3A_964 = arith.constant 16 : i32
                    %mul3A_965 = arith.muli %select_n3A_963, %mul3A_964 : i32
                    %get3A_966 = arith.constant 0 : i32
                    %get3A_967 = arith.index_cast %get3A_966 : i32 to index
                    %get3A_968 = arith.index_cast %mul3A_965 : i32 to index
                    %get3A_969 = tpu.vector_load %arg10[%get3A_967, %get3A_968] {strides = array<i32>} : memref<1x2048xf32, #tpu.memory_space<vmem>>, vector<1x16xf32>,
                    %get3A_970 = vector.shape_cast %get3A_969 : vector<1x16xf32> to vector<16xf32>
                    %sub3A_971 = arith.subi %select_n3A_886, %mul3A_965 : i32
                    %eq3A_972 = vector.broadcast %sub3A_971 : i32 to vector<16xi32>
                    %eq3A_973 = arith.cmpi eq, %iota3A, %eq3A_972 : vector<16xi32>
                    %jit3A_974 = arith.constant -1.000000e+00 : f32
                    %broadcast_in_dim3A_975 = vector.broadcast %jit3A_974 : f32 to vector<16xf32>
                    %select_n3A_976 = arith.select %eq3A_973, %broadcast_in_dim3A_975, %get3A_970 : vector<16xi1>, vector<16xf32>
                    %swap3A_977 = arith.constant 0 : i32
                    %swap3A_978 = arith.index_cast %swap3A_977 : i32 to index
                    %swap3A_979 = arith.index_cast %mul3A_965 : i32 to index
                    %swap3A_980 = tpu.vector_load %arg10[%swap3A_978, %swap3A_979] {strides = array<i32>} : memref<1x2048xf32, #tpu.memory_space<vmem>>, vector<1x16xf32>,
                    %swap3A_981 = vector.shape_cast %swap3A_980 : vector<1x16xf32> to vector<16xf32>
                    %swap3A_982 = vector.shape_cast %select_n3A_976 : vector<16xf32> to vector<1x16xf32>
                    tpu.vector_store %arg10[%swap3A_978, %swap3A_979], %swap3A_982 {strides = array<i32>} : memref<1x2048xf32, #tpu.memory_space<vmem>>, vector<1x16xf32>,
                    %add3A_983 = arith.constant 1 : i32
                    %add3A_984 = arith.addi %get3A_704, %add3A_983 : i32
                    %swap3A_985 = arith.constant 1 : i32
                    %swap3A_986 = arith.index_cast %swap3A_985 : i32 to index
                    %swap3A_987 = memref.load %arg12[%swap3A_986] : memref<8xi32, #tpu.memory_space<smem>>
                    memref.store %add3A_984, %arg12[%swap3A_986] : memref<8xi32, #tpu.memory_space<smem>>
                    %swap3A_988 = arith.constant 0 : i32
                    %swap3A_989 = arith.index_cast %swap3A_988 : i32 to index
                    %swap3A_990 = memref.load %arg13[%swap3A_989] : memref<1xf32, #tpu.memory_space<smem>>
                    memref.store %add3A_887, %arg13[%swap3A_989] : memref<1xf32, #tpu.memory_space<smem>>
                  } else {
                  }
                  %not3A_892 = arith.constant true
                  %not3A_893 = arith.xori %le3A_888, %not3A_892 : i1
                  %add3A_894 = arith.constant 1 : i32
                  %add3A_895 = arith.addi %get3A_704, %add3A_894 : i32
                  %ge3A = arith.constant 2048 : i32
                  %ge3A_896 = arith.cmpi sge, %add3A_895, %ge3A : i32
                  %or3A_897 = arith.ori %not3A_893, %ge3A_896 : i1
                  %convert_element_type3A_898 = arith.extui %or3A_897 : i1 to i32
                  %cond3A_899 = arith.constant 0 : i32
                  %cond3A_900 = arith.cmpi ne, %convert_element_type3A_898, %cond3A_899 : i32
                  scf.if %cond3A_900 {
                    %swap3A_901 = arith.constant 1 : i32
                    %swap3A_902 = arith.constant 2 : i32
                    %swap3A_903 = arith.index_cast %swap3A_902 : i32 to index
                    %swap3A_904 = memref.load %arg12[%swap3A_903] : memref<8xi32, #tpu.memory_space<smem>>
                    memref.store %swap3A_901, %arg12[%swap3A_903] : memref<8xi32, #tpu.memory_space<smem>>
                  } else {
                  }
                } else {
                }
              }
              %scan3A_685 = arith.constant 2048 : i32
              "tpu.region"() ({
                %run_scoped3A = tpu.sem_alloc : memref<!tpu.dma_semaphore, #tpu.memory_space<semaphore_mem>>
                %dma_start3A_693 = arith.constant 0 : i32
                %dma_start3A_694 = tpu.memref_slice %arg4[%add3A_571, %dma_start3A_693] : memref<24576x2048xi32, #tpu.memory_space<hbm>> -> memref<1x2048xi32, #tpu.memory_space<hbm>>
                %dma_start3A_695 = arith.constant 0 : i32
                %dma_start3A_696 = tpu.memref_slice %arg4[%add3A_571, %dma_start3A_695] : memref<24576x2048xi32, #tpu.memory_space<hbm>> -> memref<1x2048xi32, #tpu.memory_space<hbm>>
                tpu.enqueue_dma source(%arg9 : memref<1x2048xi32, #tpu.memory_space<vmem>>) target(%dma_start3A_696 : memref<1x2048xi32, #tpu.memory_space<hbm>>) target_semaphore(%run_scoped3A : memref<!tpu.dma_semaphore, #tpu.memory_space<semaphore_mem>>)
                %dma_wait3A_697 = arith.constant 0 : i32
                %dma_wait3A_698 = tpu.memref_slice %arg4[%add3A_571, %dma_wait3A_697] : memref<24576x2048xi32, #tpu.memory_space<hbm>> -> memref<1x2048xi32, #tpu.memory_space<hbm>>
                %dma_wait3A_699 = arith.constant 0 : i32
                %dma_wait3A_700 = tpu.memref_slice %arg4[%add3A_571, %dma_wait3A_699] : memref<24576x2048xi32, #tpu.memory_space<hbm>> -> memref<1x2048xi32, #tpu.memory_space<hbm>>
                tpu.wait_dma2 semaphore(%run_scoped3A : memref<!tpu.dma_semaphore, #tpu.memory_space<semaphore_mem>>) src(%arg9 : memref<1x2048xi32, #tpu.memory_space<vmem>>) dst(%dma_wait3A_700 : memref<1x2048xi32, #tpu.memory_space<hbm>>)
                tpu.yield
              }) : () -> ()
              %scan3A_686 = arith.constant 0 : i32
              %scan3A_687 = arith.constant 0 : i32
              %scan3A_688 = arith.constant 128 : i32
              %scan3A_689 = arith.addi %scan3A_687, %scan3A_688 : i32
              %scan3A_690 = arith.constant 1 : i32
              %scan3A_691 = scf.for %scan3A_693 = %scan3A_687 to %scan3A_689 step %scan3A_690 iter_args(%scan3A_694 = %scan3A_686) -> (i32)  : i32 {
                %mul3A_695 = arith.constant 16 : i32
                %mul3A_696 = arith.muli %scan3A_693, %mul3A_695 : i32
                %swap3A_697 = arith.constant 0 : i32
                %swap3A_698 = arith.index_cast %swap3A_697 : i32 to index
                %swap3A_699 = arith.index_cast %mul3A_696 : i32 to index
                %swap3A_700 = tpu.vector_load %arg9[%swap3A_698, %swap3A_699] {strides = array<i32>} : memref<1x2048xi32, #tpu.memory_space<vmem>>, vector<1x16xi32>,
                %swap3A_701 = vector.shape_cast %swap3A_700 : vector<1x16xi32> to vector<16xi32>
                %swap3A_702 = vector.shape_cast %broadcast_in_dim3A_3 : vector<16xi32> to vector<1x16xi32>
                tpu.vector_store %arg9[%swap3A_698, %swap3A_699], %swap3A_702 {strides = array<i32>} : memref<1x2048xi32, #tpu.memory_space<vmem>>, vector<1x16xi32>,
                %scan3A_703 = arith.constant 0 : i32
                scf.yield %scan3A_703 : i32
              }
              %scan3A_692 = arith.constant 128 : i32
            } else {
            }
          } else {
          }
        }
        %scan3A_481 = arith.constant 32 : i32
      } else {
      }
      %add3A_385 = arith.constant 2 : i32
      %add3A_386 = arith.addi %mul3A_303, %add3A_385 : i32
      %lt3A_387 = arith.constant 24 : i32
      %lt3A_388 = arith.cmpi slt, %add3A_386, %lt3A_387 : i32
      %convert_element_type3A_389 = arith.extui %lt3A_388 : i1 to i32
      %cond3A_390 = arith.constant 0 : i32
      %cond3A_391 = arith.cmpi ne, %convert_element_type3A_389, %cond3A_390 : i32
      scf.if %cond3A_391 {
        %add3A_476 = arith.constant 2 : i32
        %add3A_477 = arith.addi %mul3A_303, %add3A_476 : i32
        %mul3A_478 = arith.constant 32 : i32
        %mul3A_479 = arith.muli %add3A_477, %mul3A_478 : i32
        %add3A_480 = arith.addi %mul3A_2, %mul3A_479 : i32
        %multiple_of3A_481 = tpu.assume_multiple %add3A_480, 32 : i32
        %dma_start3A_482 = arith.constant 0 : i32
        %dma_start3A_483 = tpu.memref_slice %arg2[%multiple_of3A_481, %dma_start3A_482] : memref<24576x2048xf32, #tpu.memory_space<hbm>> -> memref<32x128xf32, #tpu.memory_space<hbm>>
        %dma_start3A_484 = arith.constant 0 : i32
        %dma_start3A_485 = tpu.memref_slice %arg2[%multiple_of3A_481, %dma_start3A_484] : memref<24576x2048xf32, #tpu.memory_space<hbm>> -> memref<32x128xf32, #tpu.memory_space<hbm>>
        tpu.enqueue_dma source(%dma_start3A_485 : memref<32x128xf32, #tpu.memory_space<hbm>>) target(%arg5 : memref<32x128xf32, #tpu.memory_space<vmem>>) target_semaphore(%arg14 : memref<!tpu.dma_semaphore, #tpu.memory_space<semaphore_mem>>)
      } else {
      }
      %mul3A_392 = arith.constant 32 : i32
      %mul3A_393 = arith.muli %add3A_305, %mul3A_392 : i32
      %add3A_394 = arith.addi %mul3A_2, %mul3A_393 : i32
      %multiple_of3A_395 = tpu.assume_multiple %add3A_394, 32 : i32
      %dma_wait3A_396 = arith.constant 0 : i32
      %dma_wait3A_397 = tpu.memref_slice %arg2[%multiple_of3A_395, %dma_wait3A_396] : memref<24576x2048xf32, #tpu.memory_space<hbm>> -> memref<32x128xf32, #tpu.memory_space<hbm>>
      %dma_wait3A_398 = arith.constant 0 : i32
      %dma_wait3A_399 = tpu.memref_slice %arg2[%multiple_of3A_395, %dma_wait3A_398] : memref<24576x2048xf32, #tpu.memory_space<hbm>> -> memref<32x128xf32, #tpu.memory_space<hbm>>
      tpu.wait_dma2 semaphore(%arg15 : memref<!tpu.dma_semaphore, #tpu.memory_space<semaphore_mem>>) src(%dma_wait3A_399 : memref<32x128xf32, #tpu.memory_space<hbm>>) dst(%arg6 : memref<32x128xf32, #tpu.memory_space<vmem>>)
      %mul3A_400 = arith.constant 32 : i32
      %mul3A_401 = arith.muli %add3A_305, %mul3A_400 : i32
      %add3A_402 = arith.addi %mul3A_2, %mul3A_401 : i32
      %shift_right_arithmetic3A_403 = arith.constant 11 : i32
      %shift_right_arithmetic3A_404 = arith.shrsi %add3A_402, %shift_right_arithmetic3A_403 : i32
      %eq3A_405 = arith.constant 10 : i32
      %eq3A_406 = arith.cmpi eq, %shift_right_arithmetic3A_404, %eq3A_405 : i32
      %select_n3A_407 = arith.select %eq3A_406, %squeeze3A_25, %squeeze3A_27 : f32
      %eq3A_408 = arith.constant 9 : i32
      %eq3A_409 = arith.cmpi eq, %shift_right_arithmetic3A_404, %eq3A_408 : i32
      %select_n3A_410 = arith.select %eq3A_409, %squeeze3A_23, %select_n3A_407 : f32
      %eq3A_411 = arith.constant 8 : i32
      %eq3A_412 = arith.cmpi eq, %shift_right_arithmetic3A_404, %eq3A_411 : i32
      %select_n3A_413 = arith.select %eq3A_412, %squeeze3A_21, %select_n3A_410 : f32
      %eq3A_414 = arith.constant 7 : i32
      %eq3A_415 = arith.cmpi eq, %shift_right_arithmetic3A_404, %eq3A_414 : i32
      %select_n3A_416 = arith.select %eq3A_415, %squeeze3A_19, %select_n3A_413 : f32
      %eq3A_417 = arith.constant 6 : i32
      %eq3A_418 = arith.cmpi eq, %shift_right_arithmetic3A_404, %eq3A_417 : i32
      %select_n3A_419 = arith.select %eq3A_418, %squeeze3A_17, %select_n3A_416 : f32
      %eq3A_420 = arith.constant 5 : i32
      %eq3A_421 = arith.cmpi eq, %shift_right_arithmetic3A_404, %eq3A_420 : i32
      %select_n3A_422 = arith.select %eq3A_421, %squeeze3A_15, %select_n3A_419 : f32
      %eq3A_423 = arith.constant 4 : i32
      %eq3A_424 = arith.cmpi eq, %shift_right_arithmetic3A_404, %eq3A_423 : i32
      %select_n3A_425 = arith.select %eq3A_424, %squeeze3A_13, %select_n3A_422 : f32
      %eq3A_426 = arith.constant 3 : i32
      %eq3A_427 = arith.cmpi eq, %shift_right_arithmetic3A_404, %eq3A_426 : i32
      %select_n3A_428 = arith.select %eq3A_427, %squeeze3A_11, %select_n3A_425 : f32
      %eq3A_429 = arith.constant 2 : i32
      %eq3A_430 = arith.cmpi eq, %shift_right_arithmetic3A_404, %eq3A_429 : i32
      %select_n3A_431 = arith.select %eq3A_430, %squeeze3A_9, %select_n3A_428 : f32
      %eq3A_432 = arith.constant 1 : i32
      %eq3A_433 = arith.cmpi eq, %shift_right_arithmetic3A_404, %eq3A_432 : i32
      %select_n3A_434 = arith.select %eq3A_433, %squeeze3A_7, %select_n3A_431 : f32
      %eq3A_435 = arith.constant 0 : i32
      %eq3A_436 = arith.cmpi eq, %shift_right_arithmetic3A_404, %eq3A_435 : i32
      %select_n3A_437 = arith.select %eq3A_436, %squeeze3A, %select_n3A_434 : f32
      %jit3A_438 = arith.constant 8 : i32
      %eq3A_439 = arith.constant 0 : i32
      %eq3A_440 = arith.cmpi eq, %jit3A_438, %eq3A_439 : i32
      %jit3A_441 = arith.constant 1 : i32
      %select_n3A_442 = arith.select %eq3A_440, %jit3A_441, %jit3A_438 : i32
      %rem3A_443 = arith.remsi %add3A_305, %select_n3A_442 : i32
      %ne3A_444 = arith.constant 0 : i32
      %ne3A_445 = arith.cmpi ne, %rem3A_443, %ne3A_444 : i32
      %lt3A_446 = arith.constant 0 : i32
      %lt3A_447 = arith.cmpi slt, %rem3A_443, %lt3A_446 : i32
      %lt3A_448 = arith.constant 0 : i32
      %lt3A_449 = arith.cmpi slt, %select_n3A_442, %lt3A_448 : i32
      %ne3A_450 = arith.xori %lt3A_447, %lt3A_449 : i1
      %and3A_451 = arith.andi %ne3A_450, %ne3A_445 : i1
      %add3A_452 = arith.addi %rem3A_443, %select_n3A_442 : i32
      %select_n3A_453 = arith.select %and3A_451, %add3A_452, %rem3A_443 : i32
      %lt3A_454 = arith.constant 5 : i32
      %lt3A_455 = arith.cmpi slt, %select_n3A_453, %lt3A_454 : i32
      %convert_element_type3A_456 = arith.extui %lt3A_455 : i1 to i32
      %cond3A_457 = arith.constant 0 : i32
      %cond3A_458 = arith.cmpi ne, %convert_element_type3A_456, %cond3A_457 : i32
      scf.if %cond3A_458 {
        %mul3A_476 = arith.constant 32 : i32
        %mul3A_477 = arith.muli %add3A_305, %mul3A_476 : i32
        %add3A_478 = arith.addi %mul3A_2, %mul3A_477 : i32
        %multiple_of3A_479 = tpu.assume_multiple %add3A_478, 32 : i32
        %dma_start3A_480 = arith.constant 0 : i32
        %dma_start3A_481 = tpu.memref_slice %arg4[%multiple_of3A_479, %dma_start3A_480] : memref<24576x2048xi32, #tpu.memory_space<hbm>> -> memref<32x2048xi32, #tpu.memory_space<hbm>>
        %dma_start3A_482 = arith.constant 0 : i32
        %dma_start3A_483 = tpu.memref_slice %arg4[%multiple_of3A_479, %dma_start3A_482] : memref<24576x2048xi32, #tpu.memory_space<hbm>> -> memref<32x2048xi32, #tpu.memory_space<hbm>>
        tpu.enqueue_dma source(%arg7 : memref<32x2048xi32, #tpu.memory_space<vmem>>) target(%dma_start3A_483 : memref<32x2048xi32, #tpu.memory_space<hbm>>) target_semaphore(%arg16 : memref<!tpu.dma_semaphore, #tpu.memory_space<semaphore_mem>>)
        %get3A_484 = arith.constant 3 : i32
        %get3A_485 = arith.index_cast %get3A_484 : i32 to index
        %get3A_486 = memref.load %arg12[%get3A_485] : memref<8xi32, #tpu.memory_space<smem>>
        %add3A_487 = arith.constant 1 : i32
        %add3A_488 = arith.addi %get3A_486, %add3A_487 : i32
        %swap3A_489 = arith.constant 3 : i32
        %swap3A_490 = arith.index_cast %swap3A_489 : i32 to index
        %swap3A_491 = memref.load %arg12[%swap3A_490] : memref<8xi32, #tpu.memory_space<smem>>
        memref.store %add3A_488, %arg12[%swap3A_490] : memref<8xi32, #tpu.memory_space<smem>>
        %get3A_492 = arith.constant 3 : i32
        %get3A_493 = arith.index_cast %get3A_492 : i32 to index
        %get3A_494 = memref.load %arg12[%get3A_493] : memref<8xi32, #tpu.memory_space<smem>>
        %gt3A_495 = arith.constant 3 : i32
        %gt3A_496 = arith.cmpi sgt, %get3A_494, %gt3A_495 : i32
        %convert_element_type3A_497 = arith.extui %gt3A_496 : i1 to i32
        %cond3A_498 = arith.constant 0 : i32
        %cond3A_499 = arith.cmpi ne, %convert_element_type3A_497, %cond3A_498 : i32
        scf.if %cond3A_499 {
          %scan3A_500 = arith.constant 0 : i32
          %scan3A_501 = arith.constant 0 : i32
          %add3A_502 = arith.constant 0 : i32
          %add3A_503 = arith.addi %mul3A_2, %add3A_502 : i32
          %multiple_of3A_504 = tpu.assume_multiple %add3A_503, 32 : i32
          %dma_wait3A_505 = arith.constant 0 : i32
          %dma_wait3A_506 = tpu.memref_slice %arg4[%multiple_of3A_504, %dma_wait3A_505] : memref<24576x2048xi32, #tpu.memory_space<hbm>> -> memref<32x2048xi32, #tpu.memory_space<hbm>>
          %dma_wait3A_507 = arith.constant 0 : i32
          %dma_wait3A_508 = tpu.memref_slice %arg4[%multiple_of3A_504, %dma_wait3A_507] : memref<24576x2048xi32, #tpu.memory_space<hbm>> -> memref<32x2048xi32, #tpu.memory_space<hbm>>
          tpu.wait_dma2 semaphore(%arg16 : memref<!tpu.dma_semaphore, #tpu.memory_space<semaphore_mem>>) src(%arg7 : memref<32x2048xi32, #tpu.memory_space<vmem>>) dst(%dma_wait3A_508 : memref<32x2048xi32, #tpu.memory_space<hbm>>)
          %scan3A_509 = arith.constant 1 : i32
          %get3A_510 = arith.constant 3 : i32
          %get3A_511 = arith.index_cast %get3A_510 : i32 to index
          %get3A_512 = memref.load %arg12[%get3A_511] : memref<8xi32, #tpu.memory_space<smem>>
          %sub3A = arith.constant 1 : i32
          %sub3A_513 = arith.subi %get3A_512, %sub3A : i32
          %swap3A_514 = arith.constant 3 : i32
          %swap3A_515 = arith.index_cast %swap3A_514 : i32 to index
          %swap3A_516 = memref.load %arg12[%swap3A_515] : memref<8xi32, #tpu.memory_space<smem>>
          memref.store %sub3A_513, %arg12[%swap3A_515] : memref<8xi32, #tpu.memory_space<smem>>
        } else {
        }
      } else {
      }
      %not3A_459 = arith.constant true
      %not3A_460 = arith.xori %lt3A_455, %not3A_459 : i1
      %convert_element_type3A_461 = arith.extui %not3A_460 : i1 to i32
      %cond3A_462 = arith.constant 0 : i32
      %cond3A_463 = arith.cmpi ne, %convert_element_type3A_461, %cond3A_462 : i32
      scf.if %cond3A_463 {
        %mul3A_476 = arith.constant 32 : i32
        %mul3A_477 = arith.muli %add3A_305, %mul3A_476 : i32
        %add3A_478 = arith.addi %mul3A_2, %mul3A_477 : i32
        %multiple_of3A_479 = tpu.assume_multiple %add3A_478, 32 : i32
        %dma_start3A_480 = arith.constant 0 : i32
        %dma_start3A_481 = tpu.memref_slice %arg4[%multiple_of3A_479, %dma_start3A_480] : memref<24576x2048xi32, #tpu.memory_space<hbm>> -> memref<32x2048xi32, #tpu.memory_space<hbm>>
        tpu.enqueue_dma source(%arg8 : memref<32x2048xi32, #tpu.memory_space<vmem_shared>>) target(%dma_start3A_481 : memref<32x2048xi32, #tpu.memory_space<hbm>>) target_semaphore(%arg17 : memref<!tpu.dma_semaphore, #tpu.memory_space<semaphore_mem>>)
        %get3A_482 = arith.constant 5 : i32
        %get3A_483 = arith.index_cast %get3A_482 : i32 to index
        %get3A_484 = memref.load %arg12[%get3A_483] : memref<8xi32, #tpu.memory_space<smem>>
        %add3A_485 = arith.constant 1 : i32
        %add3A_486 = arith.addi %get3A_484, %add3A_485 : i32
        %swap3A_487 = arith.constant 5 : i32
        %swap3A_488 = arith.index_cast %swap3A_487 : i32 to index
        %swap3A_489 = memref.load %arg12[%swap3A_488] : memref<8xi32, #tpu.memory_space<smem>>
        memref.store %add3A_486, %arg12[%swap3A_488] : memref<8xi32, #tpu.memory_space<smem>>
        %get3A_490 = arith.constant 5 : i32
        %get3A_491 = arith.index_cast %get3A_490 : i32 to index
        %get3A_492 = memref.load %arg12[%get3A_491] : memref<8xi32, #tpu.memory_space<smem>>
        %gt3A_493 = arith.constant 3 : i32
        %gt3A_494 = arith.cmpi sgt, %get3A_492, %gt3A_493 : i32
        %convert_element_type3A_495 = arith.extui %gt3A_494 : i1 to i32
        %cond3A_496 = arith.constant 0 : i32
        %cond3A_497 = arith.cmpi ne, %convert_element_type3A_495, %cond3A_496 : i32
        scf.if %cond3A_497 {
          %scan3A_498 = arith.constant 0 : i32
          %scan3A_499 = arith.constant 0 : i32
          %add3A_500 = arith.constant 0 : i32
          %add3A_501 = arith.addi %mul3A_2, %add3A_500 : i32
          %multiple_of3A_502 = tpu.assume_multiple %add3A_501, 32 : i32
          %dma_wait3A_503 = arith.constant 0 : i32
          %dma_wait3A_504 = tpu.memref_slice %arg4[%multiple_of3A_502, %dma_wait3A_503] : memref<24576x2048xi32, #tpu.memory_space<hbm>> -> memref<32x2048xi32, #tpu.memory_space<hbm>>
          tpu.wait_dma2 semaphore(%arg17 : memref<!tpu.dma_semaphore, #tpu.memory_space<semaphore_mem>>) src(%arg8 : memref<32x2048xi32, #tpu.memory_space<vmem_shared>>) dst(%dma_wait3A_504 : memref<32x2048xi32, #tpu.memory_space<hbm>>)
          %scan3A_505 = arith.constant 1 : i32
          %get3A_506 = arith.constant 5 : i32
          %get3A_507 = arith.index_cast %get3A_506 : i32 to index
          %get3A_508 = memref.load %arg12[%get3A_507] : memref<8xi32, #tpu.memory_space<smem>>
          %sub3A = arith.constant 1 : i32
          %sub3A_509 = arith.subi %get3A_508, %sub3A : i32
          %swap3A_510 = arith.constant 5 : i32
          %swap3A_511 = arith.index_cast %swap3A_510 : i32 to index
          %swap3A_512 = memref.load %arg12[%swap3A_511] : memref<8xi32, #tpu.memory_space<smem>>
          memref.store %sub3A_509, %arg12[%swap3A_511] : memref<8xi32, #tpu.memory_space<smem>>
        } else {
        }
      } else {
      }
      %scan3A_464 = arith.constant 0 : i32
      %scan3A_465 = arith.constant 0 : i32
      %scan3A_466 = arith.constant 32 : i32
      %scan3A_467 = arith.addi %scan3A_465, %scan3A_466 : i32
      %scan3A_468 = arith.constant 1 : i32
      %scan3A_469 = scf.for %scan3A_476 = %scan3A_465 to %scan3A_467 step %scan3A_468 iter_args(%scan3A_477 = %scan3A_464) -> (i32)  : i32 {
        %get3A_478 = arith.index_cast %scan3A_476 : i32 to index
        %get3A_479 = arith.constant 0 : index
        %get3A_480 = tpu.vector_load %arg6[%get3A_478, %get3A_479] {strides = array<i32>} : memref<32x128xf32, #tpu.memory_space<vmem>>, vector<1x16xf32>,
        %get3A_481 = vector.shape_cast %get3A_480 : vector<1x16xf32> to vector<16xf32>
        %get3A_482 = arith.index_cast %scan3A_476 : i32 to index
        %get3A_483 = arith.constant 16 : index
        %get3A_484 = tpu.vector_load %arg6[%get3A_482, %get3A_483] {strides = array<i32>} : memref<32x128xf32, #tpu.memory_space<vmem>>, vector<1x16xf32>,
        %get3A_485 = vector.shape_cast %get3A_484 : vector<1x16xf32> to vector<16xf32>
        %max3A = arith.maximumf %get3A_481, %get3A_485 : vector<16xf32>
        %get3A_486 = arith.index_cast %scan3A_476 : i32 to index
        %get3A_487 = arith.constant 32 : index
        %get3A_488 = tpu.vector_load %arg6[%get3A_486, %get3A_487] {strides = array<i32>} : memref<32x128xf32, #tpu.memory_space<vmem>>, vector<1x16xf32>,
        %get3A_489 = vector.shape_cast %get3A_488 : vector<1x16xf32> to vector<16xf32>
        %max3A_490 = arith.maximumf %max3A, %get3A_489 : vector<16xf32>
        %get3A_491 = arith.index_cast %scan3A_476 : i32 to index
        %get3A_492 = arith.constant 48 : index
        %get3A_493 = tpu.vector_load %arg6[%get3A_491, %get3A_492] {strides = array<i32>} : memref<32x128xf32, #tpu.memory_space<vmem>>, vector<1x16xf32>,
        %get3A_494 = vector.shape_cast %get3A_493 : vector<1x16xf32> to vector<16xf32>
        %max3A_495 = arith.maximumf %max3A_490, %get3A_494 : vector<16xf32>
        %get3A_496 = arith.index_cast %scan3A_476 : i32 to index
        %get3A_497 = arith.constant 64 : index
        %get3A_498 = tpu.vector_load %arg6[%get3A_496, %get3A_497] {strides = array<i32>} : memref<32x128xf32, #tpu.memory_space<vmem>>, vector<1x16xf32>,
        %get3A_499 = vector.shape_cast %get3A_498 : vector<1x16xf32> to vector<16xf32>
        %max3A_500 = arith.maximumf %max3A_495, %get3A_499 : vector<16xf32>
        %get3A_501 = arith.index_cast %scan3A_476 : i32 to index
        %get3A_502 = arith.constant 80 : index
        %get3A_503 = tpu.vector_load %arg6[%get3A_501, %get3A_502] {strides = array<i32>} : memref<32x128xf32, #tpu.memory_space<vmem>>, vector<1x16xf32>,
        %get3A_504 = vector.shape_cast %get3A_503 : vector<1x16xf32> to vector<16xf32>
        %max3A_505 = arith.maximumf %max3A_500, %get3A_504 : vector<16xf32>
        %get3A_506 = arith.index_cast %scan3A_476 : i32 to index
        %get3A_507 = arith.constant 96 : index
        %get3A_508 = tpu.vector_load %arg6[%get3A_506, %get3A_507] {strides = array<i32>} : memref<32x128xf32, #tpu.memory_space<vmem>>, vector<1x16xf32>,
        %get3A_509 = vector.shape_cast %get3A_508 : vector<1x16xf32> to vector<16xf32>
        %max3A_510 = arith.maximumf %max3A_505, %get3A_509 : vector<16xf32>
        %get3A_511 = arith.index_cast %scan3A_476 : i32 to index
        %get3A_512 = arith.constant 112 : index
        %get3A_513 = tpu.vector_load %arg6[%get3A_511, %get3A_512] {strides = array<i32>} : memref<32x128xf32, #tpu.memory_space<vmem>>, vector<1x16xf32>,
        %get3A_514 = vector.shape_cast %get3A_513 : vector<1x16xf32> to vector<16xf32>
        %max3A_515 = arith.maximumf %max3A_510, %get3A_514 : vector<16xf32>
        %slice3A_516 = vector.extract_strided_slice %max3A_515 {offsets = [0], sizes = [1], strides = [1]} : vector<16xf32> to vector<1xf32>
        %squeeze3A_517 = vector.extract %slice3A_516[0] : f32 from vector<1xf32>
        %slice3A_518 = vector.extract_strided_slice %max3A_515 {offsets = [1], sizes = [1], strides = [1]} : vector<16xf32> to vector<1xf32>
        %squeeze3A_519 = vector.extract %slice3A_518[0] : f32 from vector<1xf32>
        %max3A_520 = arith.maximumf %squeeze3A_517, %squeeze3A_519 : f32
        %slice3A_521 = vector.extract_strided_slice %max3A_515 {offsets = [2], sizes = [1], strides = [1]} : vector<16xf32> to vector<1xf32>
        %squeeze3A_522 = vector.extract %slice3A_521[0] : f32 from vector<1xf32>
        %max3A_523 = arith.maximumf %max3A_520, %squeeze3A_522 : f32
        %slice3A_524 = vector.extract_strided_slice %max3A_515 {offsets = [3], sizes = [1], strides = [1]} : vector<16xf32> to vector<1xf32>
        %squeeze3A_525 = vector.extract %slice3A_524[0] : f32 from vector<1xf32>
        %max3A_526 = arith.maximumf %max3A_523, %squeeze3A_525 : f32
        %slice3A_527 = vector.extract_strided_slice %max3A_515 {offsets = [4], sizes = [1], strides = [1]} : vector<16xf32> to vector<1xf32>
        %squeeze3A_528 = vector.extract %slice3A_527[0] : f32 from vector<1xf32>
        %max3A_529 = arith.maximumf %max3A_526, %squeeze3A_528 : f32
        %slice3A_530 = vector.extract_strided_slice %max3A_515 {offsets = [5], sizes = [1], strides = [1]} : vector<16xf32> to vector<1xf32>
        %squeeze3A_531 = vector.extract %slice3A_530[0] : f32 from vector<1xf32>
        %max3A_532 = arith.maximumf %max3A_529, %squeeze3A_531 : f32
        %slice3A_533 = vector.extract_strided_slice %max3A_515 {offsets = [6], sizes = [1], strides = [1]} : vector<16xf32> to vector<1xf32>
        %squeeze3A_534 = vector.extract %slice3A_533[0] : f32 from vector<1xf32>
        %max3A_535 = arith.maximumf %max3A_532, %squeeze3A_534 : f32
        %slice3A_536 = vector.extract_strided_slice %max3A_515 {offsets = [7], sizes = [1], strides = [1]} : vector<16xf32> to vector<1xf32>
        %squeeze3A_537 = vector.extract %slice3A_536[0] : f32 from vector<1xf32>
        %max3A_538 = arith.maximumf %max3A_535, %squeeze3A_537 : f32
        %slice3A_539 = vector.extract_strided_slice %max3A_515 {offsets = [8], sizes = [1], strides = [1]} : vector<16xf32> to vector<1xf32>
        %squeeze3A_540 = vector.extract %slice3A_539[0] : f32 from vector<1xf32>
        %max3A_541 = arith.maximumf %max3A_538, %squeeze3A_540 : f32
        %slice3A_542 = vector.extract_strided_slice %max3A_515 {offsets = [9], sizes = [1], strides = [1]} : vector<16xf32> to vector<1xf32>
        %squeeze3A_543 = vector.extract %slice3A_542[0] : f32 from vector<1xf32>
        %max3A_544 = arith.maximumf %max3A_541, %squeeze3A_543 : f32
        %slice3A_545 = vector.extract_strided_slice %max3A_515 {offsets = [10], sizes = [1], strides = [1]} : vector<16xf32> to vector<1xf32>
        %squeeze3A_546 = vector.extract %slice3A_545[0] : f32 from vector<1xf32>
        %max3A_547 = arith.maximumf %max3A_544, %squeeze3A_546 : f32
        %slice3A_548 = vector.extract_strided_slice %max3A_515 {offsets = [11], sizes = [1], strides = [1]} : vector<16xf32> to vector<1xf32>
        %squeeze3A_549 = vector.extract %slice3A_548[0] : f32 from vector<1xf32>
        %max3A_550 = arith.maximumf %max3A_547, %squeeze3A_549 : f32
        %slice3A_551 = vector.extract_strided_slice %max3A_515 {offsets = [12], sizes = [1], strides = [1]} : vector<16xf32> to vector<1xf32>
        %squeeze3A_552 = vector.extract %slice3A_551[0] : f32 from vector<1xf32>
        %max3A_553 = arith.maximumf %max3A_550, %squeeze3A_552 : f32
        %slice3A_554 = vector.extract_strided_slice %max3A_515 {offsets = [13], sizes = [1], strides = [1]} : vector<16xf32> to vector<1xf32>
        %squeeze3A_555 = vector.extract %slice3A_554[0] : f32 from vector<1xf32>
        %max3A_556 = arith.maximumf %max3A_553, %squeeze3A_555 : f32
        %slice3A_557 = vector.extract_strided_slice %max3A_515 {offsets = [14], sizes = [1], strides = [1]} : vector<16xf32> to vector<1xf32>
        %squeeze3A_558 = vector.extract %slice3A_557[0] : f32 from vector<1xf32>
        %max3A_559 = arith.maximumf %max3A_556, %squeeze3A_558 : f32
        %slice3A_560 = vector.extract_strided_slice %max3A_515 {offsets = [15], sizes = [1], strides = [1]} : vector<16xf32> to vector<1xf32>
        %squeeze3A_561 = vector.extract %slice3A_560[0] : f32 from vector<1xf32>
        %max3A_562 = arith.maximumf %max3A_559, %squeeze3A_561 : f32
        %le3A = arith.cmpf ole, %max3A_562, %select_n3A_437 : f32
        %jit3A_563 = arith.constant 1 : i32
        %jit3A_564 = arith.constant 0 : i32
        %select_n3A_565 = arith.select %le3A, %jit3A_563, %jit3A_564 : i32
        %add3A_566 = arith.addi %scan3A_477, %select_n3A_565 : i32
        scf.yield %add3A_566 : i32
      }
      %scan3A_470 = arith.constant 32 : i32
      %gt3A_471 = arith.constant 0 : i32
      %gt3A_472 = arith.cmpi sgt, %scan3A_469, %gt3A_471 : i32
      %convert_element_type3A_473 = arith.extui %gt3A_472 : i1 to i32
      %cond3A_474 = arith.constant 0 : i32
      %cond3A_475 = arith.cmpi ne, %convert_element_type3A_473, %cond3A_474 : i32
      scf.if %cond3A_475 {
        %scan3A_476 = arith.constant 0 : i32
        %scan3A_477 = arith.constant 0 : i32
        %scan3A_478 = arith.constant 32 : i32
        %scan3A_479 = arith.addi %scan3A_477, %scan3A_478 : i32
        %scan3A_480 = arith.constant 1 : i32
        scf.for %scan3A_482 = %scan3A_477 to %scan3A_479 step %scan3A_480  : i32 {
          %get3A_483 = arith.index_cast %scan3A_482 : i32 to index
          %get3A_484 = arith.constant 0 : index
          %get3A_485 = tpu.vector_load %arg6[%get3A_483, %get3A_484] {strides = array<i32>} : memref<32x128xf32, #tpu.memory_space<vmem>>, vector<1x16xf32>,
          %get3A_486 = vector.shape_cast %get3A_485 : vector<1x16xf32> to vector<16xf32>
          %get3A_487 = arith.index_cast %scan3A_482 : i32 to index
          %get3A_488 = arith.constant 16 : index
          %get3A_489 = tpu.vector_load %arg6[%get3A_487, %get3A_488] {strides = array<i32>} : memref<32x128xf32, #tpu.memory_space<vmem>>, vector<1x16xf32>,
          %get3A_490 = vector.shape_cast %get3A_489 : vector<1x16xf32> to vector<16xf32>
          %max3A = arith.maximumf %get3A_486, %get3A_490 : vector<16xf32>
          %get3A_491 = arith.index_cast %scan3A_482 : i32 to index
          %get3A_492 = arith.constant 32 : index
          %get3A_493 = tpu.vector_load %arg6[%get3A_491, %get3A_492] {strides = array<i32>} : memref<32x128xf32, #tpu.memory_space<vmem>>, vector<1x16xf32>,
          %get3A_494 = vector.shape_cast %get3A_493 : vector<1x16xf32> to vector<16xf32>
          %max3A_495 = arith.maximumf %max3A, %get3A_494 : vector<16xf32>
          %get3A_496 = arith.index_cast %scan3A_482 : i32 to index
          %get3A_497 = arith.constant 48 : index
          %get3A_498 = tpu.vector_load %arg6[%get3A_496, %get3A_497] {strides = array<i32>} : memref<32x128xf32, #tpu.memory_space<vmem>>, vector<1x16xf32>,
          %get3A_499 = vector.shape_cast %get3A_498 : vector<1x16xf32> to vector<16xf32>
          %max3A_500 = arith.maximumf %max3A_495, %get3A_499 : vector<16xf32>
          %get3A_501 = arith.index_cast %scan3A_482 : i32 to index
          %get3A_502 = arith.constant 64 : index
          %get3A_503 = tpu.vector_load %arg6[%get3A_501, %get3A_502] {strides = array<i32>} : memref<32x128xf32, #tpu.memory_space<vmem>>, vector<1x16xf32>,
          %get3A_504 = vector.shape_cast %get3A_503 : vector<1x16xf32> to vector<16xf32>
          %max3A_505 = arith.maximumf %max3A_500, %get3A_504 : vector<16xf32>
          %get3A_506 = arith.index_cast %scan3A_482 : i32 to index
          %get3A_507 = arith.constant 80 : index
          %get3A_508 = tpu.vector_load %arg6[%get3A_506, %get3A_507] {strides = array<i32>} : memref<32x128xf32, #tpu.memory_space<vmem>>, vector<1x16xf32>,
          %get3A_509 = vector.shape_cast %get3A_508 : vector<1x16xf32> to vector<16xf32>
          %max3A_510 = arith.maximumf %max3A_505, %get3A_509 : vector<16xf32>
          %get3A_511 = arith.index_cast %scan3A_482 : i32 to index
          %get3A_512 = arith.constant 96 : index
          %get3A_513 = tpu.vector_load %arg6[%get3A_511, %get3A_512] {strides = array<i32>} : memref<32x128xf32, #tpu.memory_space<vmem>>, vector<1x16xf32>,
          %get3A_514 = vector.shape_cast %get3A_513 : vector<1x16xf32> to vector<16xf32>
          %max3A_515 = arith.maximumf %max3A_510, %get3A_514 : vector<16xf32>
          %get3A_516 = arith.index_cast %scan3A_482 : i32 to index
          %get3A_517 = arith.constant 112 : index
          %get3A_518 = tpu.vector_load %arg6[%get3A_516, %get3A_517] {strides = array<i32>} : memref<32x128xf32, #tpu.memory_space<vmem>>, vector<1x16xf32>,
          %get3A_519 = vector.shape_cast %get3A_518 : vector<1x16xf32> to vector<16xf32>
          %max3A_520 = arith.maximumf %max3A_515, %get3A_519 : vector<16xf32>
          %slice3A_521 = vector.extract_strided_slice %max3A_520 {offsets = [0], sizes = [1], strides = [1]} : vector<16xf32> to vector<1xf32>
          %squeeze3A_522 = vector.extract %slice3A_521[0] : f32 from vector<1xf32>
          %slice3A_523 = vector.extract_strided_slice %max3A_520 {offsets = [1], sizes = [1], strides = [1]} : vector<16xf32> to vector<1xf32>
          %squeeze3A_524 = vector.extract %slice3A_523[0] : f32 from vector<1xf32>
          %max3A_525 = arith.maximumf %squeeze3A_522, %squeeze3A_524 : f32
          %slice3A_526 = vector.extract_strided_slice %max3A_520 {offsets = [2], sizes = [1], strides = [1]} : vector<16xf32> to vector<1xf32>
          %squeeze3A_527 = vector.extract %slice3A_526[0] : f32 from vector<1xf32>
          %max3A_528 = arith.maximumf %max3A_525, %squeeze3A_527 : f32
          %slice3A_529 = vector.extract_strided_slice %max3A_520 {offsets = [3], sizes = [1], strides = [1]} : vector<16xf32> to vector<1xf32>
          %squeeze3A_530 = vector.extract %slice3A_529[0] : f32 from vector<1xf32>
          %max3A_531 = arith.maximumf %max3A_528, %squeeze3A_530 : f32
          %slice3A_532 = vector.extract_strided_slice %max3A_520 {offsets = [4], sizes = [1], strides = [1]} : vector<16xf32> to vector<1xf32>
          %squeeze3A_533 = vector.extract %slice3A_532[0] : f32 from vector<1xf32>
          %max3A_534 = arith.maximumf %max3A_531, %squeeze3A_533 : f32
          %slice3A_535 = vector.extract_strided_slice %max3A_520 {offsets = [5], sizes = [1], strides = [1]} : vector<16xf32> to vector<1xf32>
          %squeeze3A_536 = vector.extract %slice3A_535[0] : f32 from vector<1xf32>
          %max3A_537 = arith.maximumf %max3A_534, %squeeze3A_536 : f32
          %slice3A_538 = vector.extract_strided_slice %max3A_520 {offsets = [6], sizes = [1], strides = [1]} : vector<16xf32> to vector<1xf32>
          %squeeze3A_539 = vector.extract %slice3A_538[0] : f32 from vector<1xf32>
          %max3A_540 = arith.maximumf %max3A_537, %squeeze3A_539 : f32
          %slice3A_541 = vector.extract_strided_slice %max3A_520 {offsets = [7], sizes = [1], strides = [1]} : vector<16xf32> to vector<1xf32>
          %squeeze3A_542 = vector.extract %slice3A_541[0] : f32 from vector<1xf32>
          %max3A_543 = arith.maximumf %max3A_540, %squeeze3A_542 : f32
          %slice3A_544 = vector.extract_strided_slice %max3A_520 {offsets = [8], sizes = [1], strides = [1]} : vector<16xf32> to vector<1xf32>
          %squeeze3A_545 = vector.extract %slice3A_544[0] : f32 from vector<1xf32>
          %max3A_546 = arith.maximumf %max3A_543, %squeeze3A_545 : f32
          %slice3A_547 = vector.extract_strided_slice %max3A_520 {offsets = [9], sizes = [1], strides = [1]} : vector<16xf32> to vector<1xf32>
          %squeeze3A_548 = vector.extract %slice3A_547[0] : f32 from vector<1xf32>
          %max3A_549 = arith.maximumf %max3A_546, %squeeze3A_548 : f32
          %slice3A_550 = vector.extract_strided_slice %max3A_520 {offsets = [10], sizes = [1], strides = [1]} : vector<16xf32> to vector<1xf32>
          %squeeze3A_551 = vector.extract %slice3A_550[0] : f32 from vector<1xf32>
          %max3A_552 = arith.maximumf %max3A_549, %squeeze3A_551 : f32
          %slice3A_553 = vector.extract_strided_slice %max3A_520 {offsets = [11], sizes = [1], strides = [1]} : vector<16xf32> to vector<1xf32>
          %squeeze3A_554 = vector.extract %slice3A_553[0] : f32 from vector<1xf32>
          %max3A_555 = arith.maximumf %max3A_552, %squeeze3A_554 : f32
          %slice3A_556 = vector.extract_strided_slice %max3A_520 {offsets = [12], sizes = [1], strides = [1]} : vector<16xf32> to vector<1xf32>
          %squeeze3A_557 = vector.extract %slice3A_556[0] : f32 from vector<1xf32>
          %max3A_558 = arith.maximumf %max3A_555, %squeeze3A_557 : f32
          %slice3A_559 = vector.extract_strided_slice %max3A_520 {offsets = [13], sizes = [1], strides = [1]} : vector<16xf32> to vector<1xf32>
          %squeeze3A_560 = vector.extract %slice3A_559[0] : f32 from vector<1xf32>
          %max3A_561 = arith.maximumf %max3A_558, %squeeze3A_560 : f32
          %slice3A_562 = vector.extract_strided_slice %max3A_520 {offsets = [14], sizes = [1], strides = [1]} : vector<16xf32> to vector<1xf32>
          %squeeze3A_563 = vector.extract %slice3A_562[0] : f32 from vector<1xf32>
          %max3A_564 = arith.maximumf %max3A_561, %squeeze3A_563 : f32
          %slice3A_565 = vector.extract_strided_slice %max3A_520 {offsets = [15], sizes = [1], strides = [1]} : vector<16xf32> to vector<1xf32>
          %squeeze3A_566 = vector.extract %slice3A_565[0] : f32 from vector<1xf32>
          %max3A_567 = arith.maximumf %max3A_564, %squeeze3A_566 : f32
          %le3A = arith.cmpf ole, %max3A_567, %select_n3A_437 : f32
          %convert_element_type3A_568 = arith.extui %le3A : i1 to i32
          %cond3A_569 = arith.constant 0 : i32
          %cond3A_570 = arith.cmpi ne, %convert_element_type3A_568, %cond3A_569 : i32
          scf.if %cond3A_570 {
            %add3A_571 = arith.addi %add3A_402, %scan3A_482 : i32
            "tpu.region"() ({
              %run_scoped3A = tpu.sem_alloc : memref<!tpu.dma_semaphore, #tpu.memory_space<semaphore_mem>>
              %dma_start3A_634 = arith.constant 0 : i32
              %dma_start3A_635 = tpu.memref_slice %arg2[%add3A_571, %dma_start3A_634] : memref<24576x2048xf32, #tpu.memory_space<hbm>> -> memref<1x2048xf32, #tpu.memory_space<hbm>>
              %dma_start3A_636 = arith.constant 0 : i32
              %dma_start3A_637 = tpu.memref_slice %arg2[%add3A_571, %dma_start3A_636] : memref<24576x2048xf32, #tpu.memory_space<hbm>> -> memref<1x2048xf32, #tpu.memory_space<hbm>>
              tpu.enqueue_dma source(%dma_start3A_637 : memref<1x2048xf32, #tpu.memory_space<hbm>>) target(%arg10 : memref<1x2048xf32, #tpu.memory_space<vmem>>) target_semaphore(%run_scoped3A : memref<!tpu.dma_semaphore, #tpu.memory_space<semaphore_mem>>)
              %dma_wait3A_638 = arith.constant 0 : i32
              %dma_wait3A_639 = tpu.memref_slice %arg2[%add3A_571, %dma_wait3A_638] : memref<24576x2048xf32, #tpu.memory_space<hbm>> -> memref<1x2048xf32, #tpu.memory_space<hbm>>
              %dma_wait3A_640 = arith.constant 0 : i32
              %dma_wait3A_641 = tpu.memref_slice %arg2[%add3A_571, %dma_wait3A_640] : memref<24576x2048xf32, #tpu.memory_space<hbm>> -> memref<1x2048xf32, #tpu.memory_space<hbm>>
              tpu.wait_dma2 semaphore(%run_scoped3A : memref<!tpu.dma_semaphore, #tpu.memory_space<semaphore_mem>>) src(%dma_wait3A_641 : memref<1x2048xf32, #tpu.memory_space<hbm>>) dst(%arg10 : memref<1x2048xf32, #tpu.memory_space<vmem>>)
              tpu.yield
            }) : () -> ()
            %get3A_572 = arith.constant 0 : i32
            %get3A_573 = arith.index_cast %get3A_572 : i32 to index
            %get3A_574 = arith.constant 0 : index
            %get3A_575 = tpu.vector_load %arg10[%get3A_573, %get3A_574] {strides = array<i32>} : memref<1x2048xf32, #tpu.memory_space<vmem>>, vector<1x16xf32>,
            %get3A_576 = vector.shape_cast %get3A_575 : vector<1x16xf32> to vector<16xf32>
            %scan3A_577 = arith.constant 1 : i32
            %scan3A_578 = arith.constant 127 : i32
            %scan3A_579 = arith.addi %scan3A_577, %scan3A_578 : i32
            %scan3A_580 = arith.constant 1 : i32
            %scan3A_581 = scf.for %scan3A_634 = %scan3A_577 to %scan3A_579 step %scan3A_580 iter_args(%scan3A_635 = %get3A_576) -> (vector<16xf32>)  : i32 {
              %mul3A_636 = arith.constant 16 : i32
              %mul3A_637 = arith.muli %scan3A_634, %mul3A_636 : i32
              %get3A_638 = arith.constant 0 : i32
              %get3A_639 = arith.index_cast %get3A_638 : i32 to index
              %get3A_640 = arith.index_cast %mul3A_637 : i32 to index
              %get3A_641 = tpu.vector_load %arg10[%get3A_639, %get3A_640] {strides = array<i32>} : memref<1x2048xf32, #tpu.memory_space<vmem>>, vector<1x16xf32>,
              %get3A_642 = vector.shape_cast %get3A_641 : vector<1x16xf32> to vector<16xf32>
              %max3A_643 = arith.maximumf %scan3A_635, %get3A_642 : vector<16xf32>
              scf.yield %max3A_643 : vector<16xf32>
            }
            %scan3A_582 = arith.constant 127 : i32
            %slice3A_583 = vector.extract_strided_slice %scan3A_581 {offsets = [0], sizes = [1], strides = [1]} : vector<16xf32> to vector<1xf32>
            %squeeze3A_584 = vector.extract %slice3A_583[0] : f32 from vector<1xf32>
            %slice3A_585 = vector.extract_strided_slice %scan3A_581 {offsets = [1], sizes = [1], strides = [1]} : vector<16xf32> to vector<1xf32>
            %squeeze3A_586 = vector.extract %slice3A_585[0] : f32 from vector<1xf32>
            %max3A_587 = arith.maximumf %squeeze3A_584, %squeeze3A_586 : f32
            %slice3A_588 = vector.extract_strided_slice %scan3A_581 {offsets = [2], sizes = [1], strides = [1]} : vector<16xf32> to vector<1xf32>
            %squeeze3A_589 = vector.extract %slice3A_588[0] : f32 from vector<1xf32>
            %max3A_590 = arith.maximumf %max3A_587, %squeeze3A_589 : f32
            %slice3A_591 = vector.extract_strided_slice %scan3A_581 {offsets = [3], sizes = [1], strides = [1]} : vector<16xf32> to vector<1xf32>
            %squeeze3A_592 = vector.extract %slice3A_591[0] : f32 from vector<1xf32>
            %max3A_593 = arith.maximumf %max3A_590, %squeeze3A_592 : f32
            %slice3A_594 = vector.extract_strided_slice %scan3A_581 {offsets = [4], sizes = [1], strides = [1]} : vector<16xf32> to vector<1xf32>
            %squeeze3A_595 = vector.extract %slice3A_594[0] : f32 from vector<1xf32>
            %max3A_596 = arith.maximumf %max3A_593, %squeeze3A_595 : f32
            %slice3A_597 = vector.extract_strided_slice %scan3A_581 {offsets = [5], sizes = [1], strides = [1]} : vector<16xf32> to vector<1xf32>
            %squeeze3A_598 = vector.extract %slice3A_597[0] : f32 from vector<1xf32>
            %max3A_599 = arith.maximumf %max3A_596, %squeeze3A_598 : f32
            %slice3A_600 = vector.extract_strided_slice %scan3A_581 {offsets = [6], sizes = [1], strides = [1]} : vector<16xf32> to vector<1xf32>
            %squeeze3A_601 = vector.extract %slice3A_600[0] : f32 from vector<1xf32>
            %max3A_602 = arith.maximumf %max3A_599, %squeeze3A_601 : f32
            %slice3A_603 = vector.extract_strided_slice %scan3A_581 {offsets = [7], sizes = [1], strides = [1]} : vector<16xf32> to vector<1xf32>
            %squeeze3A_604 = vector.extract %slice3A_603[0] : f32 from vector<1xf32>
            %max3A_605 = arith.maximumf %max3A_602, %squeeze3A_604 : f32
            %slice3A_606 = vector.extract_strided_slice %scan3A_581 {offsets = [8], sizes = [1], strides = [1]} : vector<16xf32> to vector<1xf32>
            %squeeze3A_607 = vector.extract %slice3A_606[0] : f32 from vector<1xf32>
            %max3A_608 = arith.maximumf %max3A_605, %squeeze3A_607 : f32
            %slice3A_609 = vector.extract_strided_slice %scan3A_581 {offsets = [9], sizes = [1], strides = [1]} : vector<16xf32> to vector<1xf32>
            %squeeze3A_610 = vector.extract %slice3A_609[0] : f32 from vector<1xf32>
            %max3A_611 = arith.maximumf %max3A_608, %squeeze3A_610 : f32
            %slice3A_612 = vector.extract_strided_slice %scan3A_581 {offsets = [10], sizes = [1], strides = [1]} : vector<16xf32> to vector<1xf32>
            %squeeze3A_613 = vector.extract %slice3A_612[0] : f32 from vector<1xf32>
            %max3A_614 = arith.maximumf %max3A_611, %squeeze3A_613 : f32
            %slice3A_615 = vector.extract_strided_slice %scan3A_581 {offsets = [11], sizes = [1], strides = [1]} : vector<16xf32> to vector<1xf32>
            %squeeze3A_616 = vector.extract %slice3A_615[0] : f32 from vector<1xf32>
            %max3A_617 = arith.maximumf %max3A_614, %squeeze3A_616 : f32
            %slice3A_618 = vector.extract_strided_slice %scan3A_581 {offsets = [12], sizes = [1], strides = [1]} : vector<16xf32> to vector<1xf32>
            %squeeze3A_619 = vector.extract %slice3A_618[0] : f32 from vector<1xf32>
            %max3A_620 = arith.maximumf %max3A_617, %squeeze3A_619 : f32
            %slice3A_621 = vector.extract_strided_slice %scan3A_581 {offsets = [13], sizes = [1], strides = [1]} : vector<16xf32> to vector<1xf32>
            %squeeze3A_622 = vector.extract %slice3A_621[0] : f32 from vector<1xf32>
            %max3A_623 = arith.maximumf %max3A_620, %squeeze3A_622 : f32
            %slice3A_624 = vector.extract_strided_slice %scan3A_581 {offsets = [14], sizes = [1], strides = [1]} : vector<16xf32> to vector<1xf32>
            %squeeze3A_625 = vector.extract %slice3A_624[0] : f32 from vector<1xf32>
            %max3A_626 = arith.maximumf %max3A_623, %squeeze3A_625 : f32
            %slice3A_627 = vector.extract_strided_slice %scan3A_581 {offsets = [15], sizes = [1], strides = [1]} : vector<16xf32> to vector<1xf32>
            %squeeze3A_628 = vector.extract %slice3A_627[0] : f32 from vector<1xf32>
            %max3A_629 = arith.maximumf %max3A_626, %squeeze3A_628 : f32
            %le3A_630 = arith.cmpf ole, %max3A_629, %select_n3A_437 : f32
            %convert_element_type3A_631 = arith.extui %le3A_630 : i1 to i32
            %cond3A_632 = arith.constant 0 : i32
            %cond3A_633 = arith.cmpi ne, %convert_element_type3A_631, %cond3A_632 : i32
            scf.if %cond3A_633 {
              %get3A_634 = arith.constant 3 : i32
              %get3A_635 = arith.index_cast %get3A_634 : i32 to index
              %get3A_636 = memref.load %arg12[%get3A_635] : memref<8xi32, #tpu.memory_space<smem>>
              %while3A_637 = arith.constant 0 : i32
              %while3A_638 = arith.constant 0 : i32
              %while3A_639 = arith.subi %get3A_636, %while3A_638 : i32
              %while3A_640 = arith.addi %while3A_638, %while3A_639 : i32
              %while3A_641 = arith.constant 1 : i32
              %while3A_642 = arith.divsi %while3A_639, %while3A_641 : i32
              %while3A_643 = arith.muli %while3A_642, %while3A_641 : i32
              %while3A_644 = arith.addi %while3A_638, %while3A_643 : i32
              %while3A_645 = arith.constant 1 : i32
              scf.for %while3A_693 = %while3A_638 to %while3A_644 step %while3A_645  : i32 {
                %add3A_694 = arith.constant 0 : i32
                %add3A_695 = arith.addi %mul3A_2, %add3A_694 : i32
                %multiple_of3A_696 = tpu.assume_multiple %add3A_695, 32 : i32
                %dma_wait3A_697 = arith.constant 0 : i32
                %dma_wait3A_698 = tpu.memref_slice %arg4[%multiple_of3A_696, %dma_wait3A_697] : memref<24576x2048xi32, #tpu.memory_space<hbm>> -> memref<32x2048xi32, #tpu.memory_space<hbm>>
                %dma_wait3A_699 = arith.constant 0 : i32
                %dma_wait3A_700 = tpu.memref_slice %arg4[%multiple_of3A_696, %dma_wait3A_699] : memref<24576x2048xi32, #tpu.memory_space<hbm>> -> memref<32x2048xi32, #tpu.memory_space<hbm>>
                tpu.wait_dma2 semaphore(%arg16 : memref<!tpu.dma_semaphore, #tpu.memory_space<semaphore_mem>>) src(%arg7 : memref<32x2048xi32, #tpu.memory_space<vmem>>) dst(%dma_wait3A_700 : memref<32x2048xi32, #tpu.memory_space<hbm>>)
              }
              %while3A_646 = arith.constant 1 : i32
              scf.for %while3A_693 = %while3A_644 to %while3A_640 step %while3A_646  : i32 {
                %add3A_694 = arith.constant 0 : i32
                %add3A_695 = arith.addi %mul3A_2, %add3A_694 : i32
                %multiple_of3A_696 = tpu.assume_multiple %add3A_695, 32 : i32
                %dma_wait3A_697 = arith.constant 0 : i32
                %dma_wait3A_698 = tpu.memref_slice %arg4[%multiple_of3A_696, %dma_wait3A_697] : memref<24576x2048xi32, #tpu.memory_space<hbm>> -> memref<32x2048xi32, #tpu.memory_space<hbm>>
                %dma_wait3A_699 = arith.constant 0 : i32
                %dma_wait3A_700 = tpu.memref_slice %arg4[%multiple_of3A_696, %dma_wait3A_699] : memref<24576x2048xi32, #tpu.memory_space<hbm>> -> memref<32x2048xi32, #tpu.memory_space<hbm>>
                tpu.wait_dma2 semaphore(%arg16 : memref<!tpu.dma_semaphore, #tpu.memory_space<semaphore_mem>>) src(%arg7 : memref<32x2048xi32, #tpu.memory_space<vmem>>) dst(%dma_wait3A_700 : memref<32x2048xi32, #tpu.memory_space<hbm>>)
              }
              %swap3A_647 = arith.constant 0 : i32
              %swap3A_648 = arith.constant 3 : i32
              %swap3A_649 = arith.index_cast %swap3A_648 : i32 to index
              %swap3A_650 = memref.load %arg12[%swap3A_649] : memref<8xi32, #tpu.memory_space<smem>>
              memref.store %swap3A_647, %arg12[%swap3A_649] : memref<8xi32, #tpu.memory_space<smem>>
              %get3A_651 = arith.constant 5 : i32
              %get3A_652 = arith.index_cast %get3A_651 : i32 to index
              %get3A_653 = memref.load %arg12[%get3A_652] : memref<8xi32, #tpu.memory_space<smem>>
              %while3A_654 = arith.constant 0 : i32
              %while3A_655 = arith.constant 0 : i32
              %while3A_656 = arith.subi %get3A_653, %while3A_655 : i32
              %while3A_657 = arith.addi %while3A_655, %while3A_656 : i32
              %while3A_658 = arith.constant 1 : i32
              %while3A_659 = arith.divsi %while3A_656, %while3A_658 : i32
              %while3A_660 = arith.muli %while3A_659, %while3A_658 : i32
              %while3A_661 = arith.addi %while3A_655, %while3A_660 : i32
              %while3A_662 = arith.constant 1 : i32
              scf.for %while3A_693 = %while3A_655 to %while3A_661 step %while3A_662  : i32 {
                %add3A_694 = arith.constant 0 : i32
                %add3A_695 = arith.addi %mul3A_2, %add3A_694 : i32
                %multiple_of3A_696 = tpu.assume_multiple %add3A_695, 32 : i32
                %dma_wait3A_697 = arith.constant 0 : i32
                %dma_wait3A_698 = tpu.memref_slice %arg4[%multiple_of3A_696, %dma_wait3A_697] : memref<24576x2048xi32, #tpu.memory_space<hbm>> -> memref<32x2048xi32, #tpu.memory_space<hbm>>
                tpu.wait_dma2 semaphore(%arg17 : memref<!tpu.dma_semaphore, #tpu.memory_space<semaphore_mem>>) src(%arg8 : memref<32x2048xi32, #tpu.memory_space<vmem_shared>>) dst(%dma_wait3A_698 : memref<32x2048xi32, #tpu.memory_space<hbm>>)
              }
              %while3A_663 = arith.constant 1 : i32
              scf.for %while3A_693 = %while3A_661 to %while3A_657 step %while3A_663  : i32 {
                %add3A_694 = arith.constant 0 : i32
                %add3A_695 = arith.addi %mul3A_2, %add3A_694 : i32
                %multiple_of3A_696 = tpu.assume_multiple %add3A_695, 32 : i32
                %dma_wait3A_697 = arith.constant 0 : i32
                %dma_wait3A_698 = tpu.memref_slice %arg4[%multiple_of3A_696, %dma_wait3A_697] : memref<24576x2048xi32, #tpu.memory_space<hbm>> -> memref<32x2048xi32, #tpu.memory_space<hbm>>
                tpu.wait_dma2 semaphore(%arg17 : memref<!tpu.dma_semaphore, #tpu.memory_space<semaphore_mem>>) src(%arg8 : memref<32x2048xi32, #tpu.memory_space<vmem_shared>>) dst(%dma_wait3A_698 : memref<32x2048xi32, #tpu.memory_space<hbm>>)
              }
              %swap3A_664 = arith.constant 0 : i32
              %swap3A_665 = arith.constant 5 : i32
              %swap3A_666 = arith.index_cast %swap3A_665 : i32 to index
              %swap3A_667 = memref.load %arg12[%swap3A_666] : memref<8xi32, #tpu.memory_space<smem>>
              memref.store %swap3A_664, %arg12[%swap3A_666] : memref<8xi32, #tpu.memory_space<smem>>
              %swap3A_668 = arith.constant 0 : i32
              %swap3A_669 = arith.constant 1 : i32
              %swap3A_670 = arith.index_cast %swap3A_669 : i32 to index
              %swap3A_671 = memref.load %arg12[%swap3A_670] : memref<8xi32, #tpu.memory_space<smem>>
              memref.store %swap3A_668, %arg12[%swap3A_670] : memref<8xi32, #tpu.memory_space<smem>>
              %swap3A_672 = arith.constant 0 : i32
              %swap3A_673 = arith.constant 2 : i32
              %swap3A_674 = arith.index_cast %swap3A_673 : i32 to index
              %swap3A_675 = memref.load %arg12[%swap3A_674] : memref<8xi32, #tpu.memory_space<smem>>
              memref.store %swap3A_672, %arg12[%swap3A_674] : memref<8xi32, #tpu.memory_space<smem>>
              %swap3A_676 = arith.constant 0.000000e+00 : f32
              %swap3A_677 = arith.constant 0 : i32
              %swap3A_678 = arith.index_cast %swap3A_677 : i32 to index
              %swap3A_679 = memref.load %arg13[%swap3A_678] : memref<1xf32, #tpu.memory_space<smem>>
              memref.store %swap3A_676, %arg13[%swap3A_678] : memref<1xf32, #tpu.memory_space<smem>>
              %scan3A_680 = arith.constant 0 : i32
              %scan3A_681 = arith.constant 0 : i32
              %scan3A_682 = arith.constant 2048 : i32
              %scan3A_683 = arith.addi %scan3A_681, %scan3A_682 : i32
              %scan3A_684 = arith.constant 1 : i32
              scf.for %scan3A_693 = %scan3A_681 to %scan3A_683 step %scan3A_684  : i32 {
                %get3A_694 = arith.constant 2 : i32
                %get3A_695 = arith.index_cast %get3A_694 : i32 to index
                %get3A_696 = memref.load %arg12[%get3A_695] : memref<8xi32, #tpu.memory_space<smem>>
                %eq3A_697 = arith.constant 0 : i32
                %eq3A_698 = arith.cmpi eq, %get3A_696, %eq3A_697 : i32
                %convert_element_type3A_699 = arith.extui %eq3A_698 : i1 to i32
                %cond3A_700 = arith.constant 0 : i32
                %cond3A_701 = arith.cmpi ne, %convert_element_type3A_699, %cond3A_700 : i32
                scf.if %cond3A_701 {
                  %get3A_702 = arith.constant 1 : i32
                  %get3A_703 = arith.index_cast %get3A_702 : i32 to index
                  %get3A_704 = memref.load %arg12[%get3A_703] : memref<8xi32, #tpu.memory_space<smem>>
                  %get3A_705 = arith.constant 0 : i32
                  %get3A_706 = arith.index_cast %get3A_705 : i32 to index
                  %get3A_707 = memref.load %arg13[%get3A_706] : memref<1xf32, #tpu.memory_space<smem>>
                  %get3A_708 = arith.constant 0 : i32
                  %get3A_709 = arith.index_cast %get3A_708 : i32 to index
                  %get3A_710 = arith.constant 0 : index
                  %get3A_711 = tpu.vector_load %arg10[%get3A_709, %get3A_710] {strides = array<i32>} : memref<1x2048xf32, #tpu.memory_space<vmem>>, vector<1x16xf32>,
                  %get3A_712 = vector.shape_cast %get3A_711 : vector<1x16xf32> to vector<16xf32>
                  %scan3A_713 = arith.constant 1 : i32
                  %scan3A_714 = arith.constant 127 : i32
                  %scan3A_715 = arith.addi %scan3A_713, %scan3A_714 : i32
                  %scan3A_716 = arith.constant 1 : i32
                  %scan3A_717:2 = scf.for %scan3A_901 = %scan3A_713 to %scan3A_715 step %scan3A_716 iter_args(%scan3A_902 = %get3A_712, %scan3A_903 = %iota3A) -> (vector<16xf32>, vector<16xi32>)  : i32 {
                    %mul3A_904 = arith.constant 16 : i32
                    %mul3A_905 = arith.muli %scan3A_901, %mul3A_904 : i32
                    %get3A_906 = arith.constant 0 : i32
                    %get3A_907 = arith.index_cast %get3A_906 : i32 to index
                    %get3A_908 = arith.index_cast %mul3A_905 : i32 to index
                    %get3A_909 = tpu.vector_load %arg10[%get3A_907, %get3A_908] {strides = array<i32>} : memref<1x2048xf32, #tpu.memory_space<vmem>>, vector<1x16xf32>,
                    %get3A_910 = vector.shape_cast %get3A_909 : vector<1x16xf32> to vector<16xf32>
                    %gt3A_911 = arith.cmpf ogt, %get3A_910, %scan3A_902 : vector<16xf32>
                    %select_n3A_912 = arith.select %gt3A_911, %get3A_910, %scan3A_902 : vector<16xi1>, vector<16xf32>
                    %mul3A_913 = arith.constant 16 : i32
                    %mul3A_914 = arith.muli %scan3A_901, %mul3A_913 : i32
                    %add3A_915 = vector.broadcast %mul3A_914 : i32 to vector<16xi32>
                    %add3A_916 = arith.addi %iota3A, %add3A_915 : vector<16xi32>
                    %select_n3A_917 = arith.select %gt3A_911, %add3A_916, %scan3A_903 : vector<16xi1>, vector<16xi32>
                    scf.yield %select_n3A_912, %select_n3A_917 : vector<16xf32>, vector<16xi32>
                  }
                  %scan3A_718 = arith.constant 127 : i32
                  %slice3A_719 = vector.extract_strided_slice %scan3A_717#0 {offsets = [0], sizes = [1], strides = [1]} : vector<16xf32> to vector<1xf32>
                  %squeeze3A_720 = vector.extract %slice3A_719[0] : f32 from vector<1xf32>
                  %slice3A_721 = vector.extract_strided_slice %scan3A_717#1 {offsets = [0], sizes = [1], strides = [1]} : vector<16xi32> to vector<1xi32>
                  %squeeze3A_722 = vector.extract %slice3A_721[0] : i32 from vector<1xi32>
                  %slice3A_723 = vector.extract_strided_slice %scan3A_717#0 {offsets = [1], sizes = [1], strides = [1]} : vector<16xf32> to vector<1xf32>
                  %squeeze3A_724 = vector.extract %slice3A_723[0] : f32 from vector<1xf32>
                  %slice3A_725 = vector.extract_strided_slice %scan3A_717#1 {offsets = [1], sizes = [1], strides = [1]} : vector<16xi32> to vector<1xi32>
                  %squeeze3A_726 = vector.extract %slice3A_725[0] : i32 from vector<1xi32>
                  %gt3A_727 = arith.cmpf ogt, %squeeze3A_724, %squeeze3A_720 : f32
                  %eq3A_728 = arith.cmpf oeq, %squeeze3A_724, %squeeze3A_720 : f32
                  %lt3A_729 = arith.cmpi slt, %squeeze3A_726, %squeeze3A_722 : i32
                  %and3A_730 = arith.andi %eq3A_728, %lt3A_729 : i1
                  %or3A = arith.ori %gt3A_727, %and3A_730 : i1
                  %select_n3A_731 = arith.select %or3A, %squeeze3A_724, %squeeze3A_720 : f32
                  %select_n3A_732 = arith.select %or3A, %squeeze3A_726, %squeeze3A_722 : i32
                  %slice3A_733 = vector.extract_strided_slice %scan3A_717#0 {offsets = [2], sizes = [1], strides = [1]} : vector<16xf32> to vector<1xf32>
                  %squeeze3A_734 = vector.extract %slice3A_733[0] : f32 from vector<1xf32>
                  %slice3A_735 = vector.extract_strided_slice %scan3A_717#1 {offsets = [2], sizes = [1], strides = [1]} : vector<16xi32> to vector<1xi32>
                  %squeeze3A_736 = vector.extract %slice3A_735[0] : i32 from vector<1xi32>
                  %gt3A_737 = arith.cmpf ogt, %squeeze3A_734, %select_n3A_731 : f32
                  %eq3A_738 = arith.cmpf oeq, %squeeze3A_734, %select_n3A_731 : f32
                  %lt3A_739 = arith.cmpi slt, %squeeze3A_736, %select_n3A_732 : i32
                  %and3A_740 = arith.andi %eq3A_738, %lt3A_739 : i1
                  %or3A_741 = arith.ori %gt3A_737, %and3A_740 : i1
                  %select_n3A_742 = arith.select %or3A_741, %squeeze3A_734, %select_n3A_731 : f32
                  %select_n3A_743 = arith.select %or3A_741, %squeeze3A_736, %select_n3A_732 : i32
                  %slice3A_744 = vector.extract_strided_slice %scan3A_717#0 {offsets = [3], sizes = [1], strides = [1]} : vector<16xf32> to vector<1xf32>
                  %squeeze3A_745 = vector.extract %slice3A_744[0] : f32 from vector<1xf32>
                  %slice3A_746 = vector.extract_strided_slice %scan3A_717#1 {offsets = [3], sizes = [1], strides = [1]} : vector<16xi32> to vector<1xi32>
                  %squeeze3A_747 = vector.extract %slice3A_746[0] : i32 from vector<1xi32>
                  %gt3A_748 = arith.cmpf ogt, %squeeze3A_745, %select_n3A_742 : f32
                  %eq3A_749 = arith.cmpf oeq, %squeeze3A_745, %select_n3A_742 : f32
                  %lt3A_750 = arith.cmpi slt, %squeeze3A_747, %select_n3A_743 : i32
                  %and3A_751 = arith.andi %eq3A_749, %lt3A_750 : i1
                  %or3A_752 = arith.ori %gt3A_748, %and3A_751 : i1
                  %select_n3A_753 = arith.select %or3A_752, %squeeze3A_745, %select_n3A_742 : f32
                  %select_n3A_754 = arith.select %or3A_752, %squeeze3A_747, %select_n3A_743 : i32
                  %slice3A_755 = vector.extract_strided_slice %scan3A_717#0 {offsets = [4], sizes = [1], strides = [1]} : vector<16xf32> to vector<1xf32>
                  %squeeze3A_756 = vector.extract %slice3A_755[0] : f32 from vector<1xf32>
                  %slice3A_757 = vector.extract_strided_slice %scan3A_717#1 {offsets = [4], sizes = [1], strides = [1]} : vector<16xi32> to vector<1xi32>
                  %squeeze3A_758 = vector.extract %slice3A_757[0] : i32 from vector<1xi32>
                  %gt3A_759 = arith.cmpf ogt, %squeeze3A_756, %select_n3A_753 : f32
                  %eq3A_760 = arith.cmpf oeq, %squeeze3A_756, %select_n3A_753 : f32
                  %lt3A_761 = arith.cmpi slt, %squeeze3A_758, %select_n3A_754 : i32
                  %and3A_762 = arith.andi %eq3A_760, %lt3A_761 : i1
                  %or3A_763 = arith.ori %gt3A_759, %and3A_762 : i1
                  %select_n3A_764 = arith.select %or3A_763, %squeeze3A_756, %select_n3A_753 : f32
                  %select_n3A_765 = arith.select %or3A_763, %squeeze3A_758, %select_n3A_754 : i32
                  %slice3A_766 = vector.extract_strided_slice %scan3A_717#0 {offsets = [5], sizes = [1], strides = [1]} : vector<16xf32> to vector<1xf32>
                  %squeeze3A_767 = vector.extract %slice3A_766[0] : f32 from vector<1xf32>
                  %slice3A_768 = vector.extract_strided_slice %scan3A_717#1 {offsets = [5], sizes = [1], strides = [1]} : vector<16xi32> to vector<1xi32>
                  %squeeze3A_769 = vector.extract %slice3A_768[0] : i32 from vector<1xi32>
                  %gt3A_770 = arith.cmpf ogt, %squeeze3A_767, %select_n3A_764 : f32
                  %eq3A_771 = arith.cmpf oeq, %squeeze3A_767, %select_n3A_764 : f32
                  %lt3A_772 = arith.cmpi slt, %squeeze3A_769, %select_n3A_765 : i32
                  %and3A_773 = arith.andi %eq3A_771, %lt3A_772 : i1
                  %or3A_774 = arith.ori %gt3A_770, %and3A_773 : i1
                  %select_n3A_775 = arith.select %or3A_774, %squeeze3A_767, %select_n3A_764 : f32
                  %select_n3A_776 = arith.select %or3A_774, %squeeze3A_769, %select_n3A_765 : i32
                  %slice3A_777 = vector.extract_strided_slice %scan3A_717#0 {offsets = [6], sizes = [1], strides = [1]} : vector<16xf32> to vector<1xf32>
                  %squeeze3A_778 = vector.extract %slice3A_777[0] : f32 from vector<1xf32>
                  %slice3A_779 = vector.extract_strided_slice %scan3A_717#1 {offsets = [6], sizes = [1], strides = [1]} : vector<16xi32> to vector<1xi32>
                  %squeeze3A_780 = vector.extract %slice3A_779[0] : i32 from vector<1xi32>
                  %gt3A_781 = arith.cmpf ogt, %squeeze3A_778, %select_n3A_775 : f32
                  %eq3A_782 = arith.cmpf oeq, %squeeze3A_778, %select_n3A_775 : f32
                  %lt3A_783 = arith.cmpi slt, %squeeze3A_780, %select_n3A_776 : i32
                  %and3A_784 = arith.andi %eq3A_782, %lt3A_783 : i1
                  %or3A_785 = arith.ori %gt3A_781, %and3A_784 : i1
                  %select_n3A_786 = arith.select %or3A_785, %squeeze3A_778, %select_n3A_775 : f32
                  %select_n3A_787 = arith.select %or3A_785, %squeeze3A_780, %select_n3A_776 : i32
                  %slice3A_788 = vector.extract_strided_slice %scan3A_717#0 {offsets = [7], sizes = [1], strides = [1]} : vector<16xf32> to vector<1xf32>
                  %squeeze3A_789 = vector.extract %slice3A_788[0] : f32 from vector<1xf32>
                  %slice3A_790 = vector.extract_strided_slice %scan3A_717#1 {offsets = [7], sizes = [1], strides = [1]} : vector<16xi32> to vector<1xi32>
                  %squeeze3A_791 = vector.extract %slice3A_790[0] : i32 from vector<1xi32>
                  %gt3A_792 = arith.cmpf ogt, %squeeze3A_789, %select_n3A_786 : f32
                  %eq3A_793 = arith.cmpf oeq, %squeeze3A_789, %select_n3A_786 : f32
                  %lt3A_794 = arith.cmpi slt, %squeeze3A_791, %select_n3A_787 : i32
                  %and3A_795 = arith.andi %eq3A_793, %lt3A_794 : i1
                  %or3A_796 = arith.ori %gt3A_792, %and3A_795 : i1
                  %select_n3A_797 = arith.select %or3A_796, %squeeze3A_789, %select_n3A_786 : f32
                  %select_n3A_798 = arith.select %or3A_796, %squeeze3A_791, %select_n3A_787 : i32
                  %slice3A_799 = vector.extract_strided_slice %scan3A_717#0 {offsets = [8], sizes = [1], strides = [1]} : vector<16xf32> to vector<1xf32>
                  %squeeze3A_800 = vector.extract %slice3A_799[0] : f32 from vector<1xf32>
                  %slice3A_801 = vector.extract_strided_slice %scan3A_717#1 {offsets = [8], sizes = [1], strides = [1]} : vector<16xi32> to vector<1xi32>
                  %squeeze3A_802 = vector.extract %slice3A_801[0] : i32 from vector<1xi32>
                  %gt3A_803 = arith.cmpf ogt, %squeeze3A_800, %select_n3A_797 : f32
                  %eq3A_804 = arith.cmpf oeq, %squeeze3A_800, %select_n3A_797 : f32
                  %lt3A_805 = arith.cmpi slt, %squeeze3A_802, %select_n3A_798 : i32
                  %and3A_806 = arith.andi %eq3A_804, %lt3A_805 : i1
                  %or3A_807 = arith.ori %gt3A_803, %and3A_806 : i1
                  %select_n3A_808 = arith.select %or3A_807, %squeeze3A_800, %select_n3A_797 : f32
                  %select_n3A_809 = arith.select %or3A_807, %squeeze3A_802, %select_n3A_798 : i32
                  %slice3A_810 = vector.extract_strided_slice %scan3A_717#0 {offsets = [9], sizes = [1], strides = [1]} : vector<16xf32> to vector<1xf32>
                  %squeeze3A_811 = vector.extract %slice3A_810[0] : f32 from vector<1xf32>
                  %slice3A_812 = vector.extract_strided_slice %scan3A_717#1 {offsets = [9], sizes = [1], strides = [1]} : vector<16xi32> to vector<1xi32>
                  %squeeze3A_813 = vector.extract %slice3A_812[0] : i32 from vector<1xi32>
                  %gt3A_814 = arith.cmpf ogt, %squeeze3A_811, %select_n3A_808 : f32
                  %eq3A_815 = arith.cmpf oeq, %squeeze3A_811, %select_n3A_808 : f32
                  %lt3A_816 = arith.cmpi slt, %squeeze3A_813, %select_n3A_809 : i32
                  %and3A_817 = arith.andi %eq3A_815, %lt3A_816 : i1
                  %or3A_818 = arith.ori %gt3A_814, %and3A_817 : i1
                  %select_n3A_819 = arith.select %or3A_818, %squeeze3A_811, %select_n3A_808 : f32
                  %select_n3A_820 = arith.select %or3A_818, %squeeze3A_813, %select_n3A_809 : i32
                  %slice3A_821 = vector.extract_strided_slice %scan3A_717#0 {offsets = [10], sizes = [1], strides = [1]} : vector<16xf32> to vector<1xf32>
                  %squeeze3A_822 = vector.extract %slice3A_821[0] : f32 from vector<1xf32>
                  %slice3A_823 = vector.extract_strided_slice %scan3A_717#1 {offsets = [10], sizes = [1], strides = [1]} : vector<16xi32> to vector<1xi32>
                  %squeeze3A_824 = vector.extract %slice3A_823[0] : i32 from vector<1xi32>
                  %gt3A_825 = arith.cmpf ogt, %squeeze3A_822, %select_n3A_819 : f32
                  %eq3A_826 = arith.cmpf oeq, %squeeze3A_822, %select_n3A_819 : f32
                  %lt3A_827 = arith.cmpi slt, %squeeze3A_824, %select_n3A_820 : i32
                  %and3A_828 = arith.andi %eq3A_826, %lt3A_827 : i1
                  %or3A_829 = arith.ori %gt3A_825, %and3A_828 : i1
                  %select_n3A_830 = arith.select %or3A_829, %squeeze3A_822, %select_n3A_819 : f32
                  %select_n3A_831 = arith.select %or3A_829, %squeeze3A_824, %select_n3A_820 : i32
                  %slice3A_832 = vector.extract_strided_slice %scan3A_717#0 {offsets = [11], sizes = [1], strides = [1]} : vector<16xf32> to vector<1xf32>
                  %squeeze3A_833 = vector.extract %slice3A_832[0] : f32 from vector<1xf32>
                  %slice3A_834 = vector.extract_strided_slice %scan3A_717#1 {offsets = [11], sizes = [1], strides = [1]} : vector<16xi32> to vector<1xi32>
                  %squeeze3A_835 = vector.extract %slice3A_834[0] : i32 from vector<1xi32>
                  %gt3A_836 = arith.cmpf ogt, %squeeze3A_833, %select_n3A_830 : f32
                  %eq3A_837 = arith.cmpf oeq, %squeeze3A_833, %select_n3A_830 : f32
                  %lt3A_838 = arith.cmpi slt, %squeeze3A_835, %select_n3A_831 : i32
                  %and3A_839 = arith.andi %eq3A_837, %lt3A_838 : i1
                  %or3A_840 = arith.ori %gt3A_836, %and3A_839 : i1
                  %select_n3A_841 = arith.select %or3A_840, %squeeze3A_833, %select_n3A_830 : f32
                  %select_n3A_842 = arith.select %or3A_840, %squeeze3A_835, %select_n3A_831 : i32
                  %slice3A_843 = vector.extract_strided_slice %scan3A_717#0 {offsets = [12], sizes = [1], strides = [1]} : vector<16xf32> to vector<1xf32>
                  %squeeze3A_844 = vector.extract %slice3A_843[0] : f32 from vector<1xf32>
                  %slice3A_845 = vector.extract_strided_slice %scan3A_717#1 {offsets = [12], sizes = [1], strides = [1]} : vector<16xi32> to vector<1xi32>
                  %squeeze3A_846 = vector.extract %slice3A_845[0] : i32 from vector<1xi32>
                  %gt3A_847 = arith.cmpf ogt, %squeeze3A_844, %select_n3A_841 : f32
                  %eq3A_848 = arith.cmpf oeq, %squeeze3A_844, %select_n3A_841 : f32
                  %lt3A_849 = arith.cmpi slt, %squeeze3A_846, %select_n3A_842 : i32
                  %and3A_850 = arith.andi %eq3A_848, %lt3A_849 : i1
                  %or3A_851 = arith.ori %gt3A_847, %and3A_850 : i1
                  %select_n3A_852 = arith.select %or3A_851, %squeeze3A_844, %select_n3A_841 : f32
                  %select_n3A_853 = arith.select %or3A_851, %squeeze3A_846, %select_n3A_842 : i32
                  %slice3A_854 = vector.extract_strided_slice %scan3A_717#0 {offsets = [13], sizes = [1], strides = [1]} : vector<16xf32> to vector<1xf32>
                  %squeeze3A_855 = vector.extract %slice3A_854[0] : f32 from vector<1xf32>
                  %slice3A_856 = vector.extract_strided_slice %scan3A_717#1 {offsets = [13], sizes = [1], strides = [1]} : vector<16xi32> to vector<1xi32>
                  %squeeze3A_857 = vector.extract %slice3A_856[0] : i32 from vector<1xi32>
                  %gt3A_858 = arith.cmpf ogt, %squeeze3A_855, %select_n3A_852 : f32
                  %eq3A_859 = arith.cmpf oeq, %squeeze3A_855, %select_n3A_852 : f32
                  %lt3A_860 = arith.cmpi slt, %squeeze3A_857, %select_n3A_853 : i32
                  %and3A_861 = arith.andi %eq3A_859, %lt3A_860 : i1
                  %or3A_862 = arith.ori %gt3A_858, %and3A_861 : i1
                  %select_n3A_863 = arith.select %or3A_862, %squeeze3A_855, %select_n3A_852 : f32
                  %select_n3A_864 = arith.select %or3A_862, %squeeze3A_857, %select_n3A_853 : i32
                  %slice3A_865 = vector.extract_strided_slice %scan3A_717#0 {offsets = [14], sizes = [1], strides = [1]} : vector<16xf32> to vector<1xf32>
                  %squeeze3A_866 = vector.extract %slice3A_865[0] : f32 from vector<1xf32>
                  %slice3A_867 = vector.extract_strided_slice %scan3A_717#1 {offsets = [14], sizes = [1], strides = [1]} : vector<16xi32> to vector<1xi32>
                  %squeeze3A_868 = vector.extract %slice3A_867[0] : i32 from vector<1xi32>
                  %gt3A_869 = arith.cmpf ogt, %squeeze3A_866, %select_n3A_863 : f32
                  %eq3A_870 = arith.cmpf oeq, %squeeze3A_866, %select_n3A_863 : f32
                  %lt3A_871 = arith.cmpi slt, %squeeze3A_868, %select_n3A_864 : i32
                  %and3A_872 = arith.andi %eq3A_870, %lt3A_871 : i1
                  %or3A_873 = arith.ori %gt3A_869, %and3A_872 : i1
                  %select_n3A_874 = arith.select %or3A_873, %squeeze3A_866, %select_n3A_863 : f32
                  %select_n3A_875 = arith.select %or3A_873, %squeeze3A_868, %select_n3A_864 : i32
                  %slice3A_876 = vector.extract_strided_slice %scan3A_717#0 {offsets = [15], sizes = [1], strides = [1]} : vector<16xf32> to vector<1xf32>
                  %squeeze3A_877 = vector.extract %slice3A_876[0] : f32 from vector<1xf32>
                  %slice3A_878 = vector.extract_strided_slice %scan3A_717#1 {offsets = [15], sizes = [1], strides = [1]} : vector<16xi32> to vector<1xi32>
                  %squeeze3A_879 = vector.extract %slice3A_878[0] : i32 from vector<1xi32>
                  %gt3A_880 = arith.cmpf ogt, %squeeze3A_877, %select_n3A_874 : f32
                  %eq3A_881 = arith.cmpf oeq, %squeeze3A_877, %select_n3A_874 : f32
                  %lt3A_882 = arith.cmpi slt, %squeeze3A_879, %select_n3A_875 : i32
                  %and3A_883 = arith.andi %eq3A_881, %lt3A_882 : i1
                  %or3A_884 = arith.ori %gt3A_880, %and3A_883 : i1
                  %select_n3A_885 = arith.select %or3A_884, %squeeze3A_877, %select_n3A_874 : f32
                  %select_n3A_886 = arith.select %or3A_884, %squeeze3A_879, %select_n3A_875 : i32
                  %add3A_887 = arith.addf %get3A_707, %select_n3A_885 : f32
                  %le3A_888 = arith.cmpf ole, %add3A_887, %select_n3A_437 : f32
                  %convert_element_type3A_889 = arith.extui %le3A_888 : i1 to i32
                  %cond3A_890 = arith.constant 0 : i32
                  %cond3A_891 = arith.cmpi ne, %convert_element_type3A_889, %cond3A_890 : i32
                  scf.if %cond3A_891 {
                    %jit3A_901 = arith.constant 16 : i32
                    %div3A = arith.divsi %get3A_704, %jit3A_901 : i32
                    %sign3A = arith.constant 0 : i32
                    %sign3A_902 = arith.cmpi sgt, %get3A_704, %sign3A : i32
                    %sign3A_903 = arith.extui %sign3A_902 : i1 to i32
                    %sign3A_904 = arith.constant 0 : i32
                    %sign3A_905 = arith.cmpi slt, %get3A_704, %sign3A_904 : i32
                    %sign3A_906 = arith.extui %sign3A_905 : i1 to i32
                    %sign3A_907 = arith.subi %sign3A_903, %sign3A_906 : i32
                    %sign3A_908 = arith.constant 0 : i32
                    %sign3A_909 = arith.cmpi sgt, %jit3A_901, %sign3A_908 : i32
                    %sign3A_910 = arith.extui %sign3A_909 : i1 to i32
                    %sign3A_911 = arith.constant 0 : i32
                    %sign3A_912 = arith.cmpi slt, %jit3A_901, %sign3A_911 : i32
                    %sign3A_913 = arith.extui %sign3A_912 : i1 to i32
                    %sign3A_914 = arith.subi %sign3A_910, %sign3A_913 : i32
                    %ne3A_915 = arith.cmpi ne, %sign3A_907, %sign3A_914 : i32
                    %rem3A_916 = arith.remsi %get3A_704, %jit3A_901 : i32
                    %ne3A_917 = arith.constant 0 : i32
                    %ne3A_918 = arith.cmpi ne, %rem3A_916, %ne3A_917 : i32
                    %and3A_919 = arith.andi %ne3A_915, %ne3A_918 : i1
                    %sub3A = arith.constant 1 : i32
                    %sub3A_920 = arith.subi %div3A, %sub3A : i32
                    %select_n3A_921 = arith.select %and3A_919, %sub3A_920, %div3A : i32
                    %mul3A_922 = arith.constant 16 : i32
                    %mul3A_923 = arith.muli %select_n3A_921, %mul3A_922 : i32
                    %get3A_924 = arith.constant 0 : i32
                    %get3A_925 = arith.index_cast %get3A_924 : i32 to index
                    %get3A_926 = arith.index_cast %mul3A_923 : i32 to index
                    %get3A_927 = tpu.vector_load %arg9[%get3A_925, %get3A_926] {strides = array<i32>} : memref<1x2048xi32, #tpu.memory_space<vmem>>, vector<1x16xi32>,
                    %get3A_928 = vector.shape_cast %get3A_927 : vector<1x16xi32> to vector<16xi32>
                    %sub3A_929 = arith.subi %get3A_704, %mul3A_923 : i32
                    %eq3A_930 = vector.broadcast %sub3A_929 : i32 to vector<16xi32>
                    %eq3A_931 = arith.cmpi eq, %iota3A, %eq3A_930 : vector<16xi32>
                    %broadcast_in_dim3A_932 = vector.broadcast %select_n3A_886 : i32 to vector<16xi32>
                    %select_n3A_933 = arith.select %eq3A_931, %broadcast_in_dim3A_932, %get3A_928 : vector<16xi1>, vector<16xi32>
                    %swap3A_934 = arith.constant 0 : i32
                    %swap3A_935 = arith.index_cast %swap3A_934 : i32 to index
                    %swap3A_936 = arith.index_cast %mul3A_923 : i32 to index
                    %swap3A_937 = tpu.vector_load %arg9[%swap3A_935, %swap3A_936] {strides = array<i32>} : memref<1x2048xi32, #tpu.memory_space<vmem>>, vector<1x16xi32>,
                    %swap3A_938 = vector.shape_cast %swap3A_937 : vector<1x16xi32> to vector<16xi32>
                    %swap3A_939 = vector.shape_cast %select_n3A_933 : vector<16xi32> to vector<1x16xi32>
                    tpu.vector_store %arg9[%swap3A_935, %swap3A_936], %swap3A_939 {strides = array<i32>} : memref<1x2048xi32, #tpu.memory_space<vmem>>, vector<1x16xi32>,
                    %jit3A_940 = arith.constant 16 : i32
                    %div3A_941 = arith.divsi %select_n3A_886, %jit3A_940 : i32
                    %sign3A_942 = arith.constant 0 : i32
                    %sign3A_943 = arith.cmpi sgt, %select_n3A_886, %sign3A_942 : i32
                    %sign3A_944 = arith.extui %sign3A_943 : i1 to i32
                    %sign3A_945 = arith.constant 0 : i32
                    %sign3A_946 = arith.cmpi slt, %select_n3A_886, %sign3A_945 : i32
                    %sign3A_947 = arith.extui %sign3A_946 : i1 to i32
                    %sign3A_948 = arith.subi %sign3A_944, %sign3A_947 : i32
                    %sign3A_949 = arith.constant 0 : i32
                    %sign3A_950 = arith.cmpi sgt, %jit3A_940, %sign3A_949 : i32
                    %sign3A_951 = arith.extui %sign3A_950 : i1 to i32
                    %sign3A_952 = arith.constant 0 : i32
                    %sign3A_953 = arith.cmpi slt, %jit3A_940, %sign3A_952 : i32
                    %sign3A_954 = arith.extui %sign3A_953 : i1 to i32
                    %sign3A_955 = arith.subi %sign3A_951, %sign3A_954 : i32
                    %ne3A_956 = arith.cmpi ne, %sign3A_948, %sign3A_955 : i32
                    %rem3A_957 = arith.remsi %select_n3A_886, %jit3A_940 : i32
                    %ne3A_958 = arith.constant 0 : i32
                    %ne3A_959 = arith.cmpi ne, %rem3A_957, %ne3A_958 : i32
                    %and3A_960 = arith.andi %ne3A_956, %ne3A_959 : i1
                    %sub3A_961 = arith.constant 1 : i32
                    %sub3A_962 = arith.subi %div3A_941, %sub3A_961 : i32
                    %select_n3A_963 = arith.select %and3A_960, %sub3A_962, %div3A_941 : i32
                    %mul3A_964 = arith.constant 16 : i32
                    %mul3A_965 = arith.muli %select_n3A_963, %mul3A_964 : i32
                    %get3A_966 = arith.constant 0 : i32
                    %get3A_967 = arith.index_cast %get3A_966 : i32 to index
                    %get3A_968 = arith.index_cast %mul3A_965 : i32 to index
                    %get3A_969 = tpu.vector_load %arg10[%get3A_967, %get3A_968] {strides = array<i32>} : memref<1x2048xf32, #tpu.memory_space<vmem>>, vector<1x16xf32>,
                    %get3A_970 = vector.shape_cast %get3A_969 : vector<1x16xf32> to vector<16xf32>
                    %sub3A_971 = arith.subi %select_n3A_886, %mul3A_965 : i32
                    %eq3A_972 = vector.broadcast %sub3A_971 : i32 to vector<16xi32>
                    %eq3A_973 = arith.cmpi eq, %iota3A, %eq3A_972 : vector<16xi32>
                    %jit3A_974 = arith.constant -1.000000e+00 : f32
                    %broadcast_in_dim3A_975 = vector.broadcast %jit3A_974 : f32 to vector<16xf32>
                    %select_n3A_976 = arith.select %eq3A_973, %broadcast_in_dim3A_975, %get3A_970 : vector<16xi1>, vector<16xf32>
                    %swap3A_977 = arith.constant 0 : i32
                    %swap3A_978 = arith.index_cast %swap3A_977 : i32 to index
                    %swap3A_979 = arith.index_cast %mul3A_965 : i32 to index
                    %swap3A_980 = tpu.vector_load %arg10[%swap3A_978, %swap3A_979] {strides = array<i32>} : memref<1x2048xf32, #tpu.memory_space<vmem>>, vector<1x16xf32>,
                    %swap3A_981 = vector.shape_cast %swap3A_980 : vector<1x16xf32> to vector<16xf32>
                    %swap3A_982 = vector.shape_cast %select_n3A_976 : vector<16xf32> to vector<1x16xf32>
                    tpu.vector_store %arg10[%swap3A_978, %swap3A_979], %swap3A_982 {strides = array<i32>} : memref<1x2048xf32, #tpu.memory_space<vmem>>, vector<1x16xf32>,
                    %add3A_983 = arith.constant 1 : i32
                    %add3A_984 = arith.addi %get3A_704, %add3A_983 : i32
                    %swap3A_985 = arith.constant 1 : i32
                    %swap3A_986 = arith.index_cast %swap3A_985 : i32 to index
                    %swap3A_987 = memref.load %arg12[%swap3A_986] : memref<8xi32, #tpu.memory_space<smem>>
                    memref.store %add3A_984, %arg12[%swap3A_986] : memref<8xi32, #tpu.memory_space<smem>>
                    %swap3A_988 = arith.constant 0 : i32
                    %swap3A_989 = arith.index_cast %swap3A_988 : i32 to index
                    %swap3A_990 = memref.load %arg13[%swap3A_989] : memref<1xf32, #tpu.memory_space<smem>>
                    memref.store %add3A_887, %arg13[%swap3A_989] : memref<1xf32, #tpu.memory_space<smem>>
                  } else {
                  }
                  %not3A_892 = arith.constant true
                  %not3A_893 = arith.xori %le3A_888, %not3A_892 : i1
                  %add3A_894 = arith.constant 1 : i32
                  %add3A_895 = arith.addi %get3A_704, %add3A_894 : i32
                  %ge3A = arith.constant 2048 : i32
                  %ge3A_896 = arith.cmpi sge, %add3A_895, %ge3A : i32
                  %or3A_897 = arith.ori %not3A_893, %ge3A_896 : i1
                  %convert_element_type3A_898 = arith.extui %or3A_897 : i1 to i32
                  %cond3A_899 = arith.constant 0 : i32
                  %cond3A_900 = arith.cmpi ne, %convert_element_type3A_898, %cond3A_899 : i32
                  scf.if %cond3A_900 {
                    %swap3A_901 = arith.constant 1 : i32
                    %swap3A_902 = arith.constant 2 : i32
                    %swap3A_903 = arith.index_cast %swap3A_902 : i32 to index
                    %swap3A_904 = memref.load %arg12[%swap3A_903] : memref<8xi32, #tpu.memory_space<smem>>
                    memref.store %swap3A_901, %arg12[%swap3A_903] : memref<8xi32, #tpu.memory_space<smem>>
                  } else {
                  }
                } else {
                }
              }
              %scan3A_685 = arith.constant 2048 : i32
              "tpu.region"() ({
                %run_scoped3A = tpu.sem_alloc : memref<!tpu.dma_semaphore, #tpu.memory_space<semaphore_mem>>
                %dma_start3A_693 = arith.constant 0 : i32
                %dma_start3A_694 = tpu.memref_slice %arg4[%add3A_571, %dma_start3A_693] : memref<24576x2048xi32, #tpu.memory_space<hbm>> -> memref<1x2048xi32, #tpu.memory_space<hbm>>
                %dma_start3A_695 = arith.constant 0 : i32
                %dma_start3A_696 = tpu.memref_slice %arg4[%add3A_571, %dma_start3A_695] : memref<24576x2048xi32, #tpu.memory_space<hbm>> -> memref<1x2048xi32, #tpu.memory_space<hbm>>
                tpu.enqueue_dma source(%arg9 : memref<1x2048xi32, #tpu.memory_space<vmem>>) target(%dma_start3A_696 : memref<1x2048xi32, #tpu.memory_space<hbm>>) target_semaphore(%run_scoped3A : memref<!tpu.dma_semaphore, #tpu.memory_space<semaphore_mem>>)
                %dma_wait3A_697 = arith.constant 0 : i32
                %dma_wait3A_698 = tpu.memref_slice %arg4[%add3A_571, %dma_wait3A_697] : memref<24576x2048xi32, #tpu.memory_space<hbm>> -> memref<1x2048xi32, #tpu.memory_space<hbm>>
                %dma_wait3A_699 = arith.constant 0 : i32
                %dma_wait3A_700 = tpu.memref_slice %arg4[%add3A_571, %dma_wait3A_699] : memref<24576x2048xi32, #tpu.memory_space<hbm>> -> memref<1x2048xi32, #tpu.memory_space<hbm>>
                tpu.wait_dma2 semaphore(%run_scoped3A : memref<!tpu.dma_semaphore, #tpu.memory_space<semaphore_mem>>) src(%arg9 : memref<1x2048xi32, #tpu.memory_space<vmem>>) dst(%dma_wait3A_700 : memref<1x2048xi32, #tpu.memory_space<hbm>>)
                tpu.yield
              }) : () -> ()
              %scan3A_686 = arith.constant 0 : i32
              %scan3A_687 = arith.constant 0 : i32
              %scan3A_688 = arith.constant 128 : i32
              %scan3A_689 = arith.addi %scan3A_687, %scan3A_688 : i32
              %scan3A_690 = arith.constant 1 : i32
              %scan3A_691 = scf.for %scan3A_693 = %scan3A_687 to %scan3A_689 step %scan3A_690 iter_args(%scan3A_694 = %scan3A_686) -> (i32)  : i32 {
                %mul3A_695 = arith.constant 16 : i32
                %mul3A_696 = arith.muli %scan3A_693, %mul3A_695 : i32
                %swap3A_697 = arith.constant 0 : i32
                %swap3A_698 = arith.index_cast %swap3A_697 : i32 to index
                %swap3A_699 = arith.index_cast %mul3A_696 : i32 to index
                %swap3A_700 = tpu.vector_load %arg9[%swap3A_698, %swap3A_699] {strides = array<i32>} : memref<1x2048xi32, #tpu.memory_space<vmem>>, vector<1x16xi32>,
                %swap3A_701 = vector.shape_cast %swap3A_700 : vector<1x16xi32> to vector<16xi32>
                %swap3A_702 = vector.shape_cast %broadcast_in_dim3A_3 : vector<16xi32> to vector<1x16xi32>
                tpu.vector_store %arg9[%swap3A_698, %swap3A_699], %swap3A_702 {strides = array<i32>} : memref<1x2048xi32, #tpu.memory_space<vmem>>, vector<1x16xi32>,
                %scan3A_703 = arith.constant 0 : i32
                scf.yield %scan3A_703 : i32
              }
              %scan3A_692 = arith.constant 128 : i32
            } else {
            }
          } else {
          }
        }
        %scan3A_481 = arith.constant 32 : i32
      } else {
      }
    }
    %scan3A_275 = arith.constant 12 : i32
    %get3A_276 = arith.constant 3 : i32
    %get3A_277 = arith.index_cast %get3A_276 : i32 to index
    %get3A_278 = memref.load %arg12[%get3A_277] : memref<8xi32, #tpu.memory_space<smem>>
    %while3A = arith.constant 0 : i32
    %while3A_279 = arith.constant 0 : i32
    %while3A_280 = arith.subi %get3A_278, %while3A_279 : i32
    %while3A_281 = arith.addi %while3A_279, %while3A_280 : i32
    %while3A_282 = arith.constant 1 : i32
    %while3A_283 = arith.divsi %while3A_280, %while3A_282 : i32
    %while3A_284 = arith.muli %while3A_283, %while3A_282 : i32
    %while3A_285 = arith.addi %while3A_279, %while3A_284 : i32
    %while3A_286 = arith.constant 1 : i32
    scf.for %while3A_301 = %while3A_279 to %while3A_285 step %while3A_286  : i32 {
      %add3A_302 = arith.constant 0 : i32
      %add3A_303 = arith.addi %mul3A_2, %add3A_302 : i32
      %multiple_of3A_304 = tpu.assume_multiple %add3A_303, 32 : i32
      %dma_wait3A = arith.constant 0 : i32
      %dma_wait3A_305 = tpu.memref_slice %arg4[%multiple_of3A_304, %dma_wait3A] : memref<24576x2048xi32, #tpu.memory_space<hbm>> -> memref<32x2048xi32, #tpu.memory_space<hbm>>
      %dma_wait3A_306 = arith.constant 0 : i32
      %dma_wait3A_307 = tpu.memref_slice %arg4[%multiple_of3A_304, %dma_wait3A_306] : memref<24576x2048xi32, #tpu.memory_space<hbm>> -> memref<32x2048xi32, #tpu.memory_space<hbm>>
      tpu.wait_dma2 semaphore(%arg16 : memref<!tpu.dma_semaphore, #tpu.memory_space<semaphore_mem>>) src(%arg7 : memref<32x2048xi32, #tpu.memory_space<vmem>>) dst(%dma_wait3A_307 : memref<32x2048xi32, #tpu.memory_space<hbm>>)
    }
    %while3A_287 = arith.constant 1 : i32
    scf.for %while3A_301 = %while3A_285 to %while3A_281 step %while3A_287  : i32 {
      %add3A_302 = arith.constant 0 : i32
      %add3A_303 = arith.addi %mul3A_2, %add3A_302 : i32
      %multiple_of3A_304 = tpu.assume_multiple %add3A_303, 32 : i32
      %dma_wait3A = arith.constant 0 : i32
      %dma_wait3A_305 = tpu.memref_slice %arg4[%multiple_of3A_304, %dma_wait3A] : memref<24576x2048xi32, #tpu.memory_space<hbm>> -> memref<32x2048xi32, #tpu.memory_space<hbm>>
      %dma_wait3A_306 = arith.constant 0 : i32
      %dma_wait3A_307 = tpu.memref_slice %arg4[%multiple_of3A_304, %dma_wait3A_306] : memref<24576x2048xi32, #tpu.memory_space<hbm>> -> memref<32x2048xi32, #tpu.memory_space<hbm>>
      tpu.wait_dma2 semaphore(%arg16 : memref<!tpu.dma_semaphore, #tpu.memory_space<semaphore_mem>>) src(%arg7 : memref<32x2048xi32, #tpu.memory_space<vmem>>) dst(%dma_wait3A_307 : memref<32x2048xi32, #tpu.memory_space<hbm>>)
    }
    %get3A_288 = arith.constant 5 : i32
    %get3A_289 = arith.index_cast %get3A_288 : i32 to index
    %get3A_290 = memref.load %arg12[%get3A_289] : memref<8xi32, #tpu.memory_space<smem>>
    %while3A_291 = arith.constant 0 : i32
    %while3A_292 = arith.constant 0 : i32
    %while3A_293 = arith.subi %get3A_290, %while3A_292 : i32
    %while3A_294 = arith.addi %while3A_292, %while3A_293 : i32
    %while3A_295 = arith.constant 1 : i32
    %while3A_296 = arith.divsi %while3A_293, %while3A_295 : i32
    %while3A_297 = arith.muli %while3A_296, %while3A_295 : i32
    %while3A_298 = arith.addi %while3A_292, %while3A_297 : i32
    %while3A_299 = arith.constant 1 : i32
    scf.for %while3A_301 = %while3A_292 to %while3A_298 step %while3A_299  : i32 {
      %add3A_302 = arith.constant 0 : i32
      %add3A_303 = arith.addi %mul3A_2, %add3A_302 : i32
      %multiple_of3A_304 = tpu.assume_multiple %add3A_303, 32 : i32
      %dma_wait3A = arith.constant 0 : i32
      %dma_wait3A_305 = tpu.memref_slice %arg4[%multiple_of3A_304, %dma_wait3A] : memref<24576x2048xi32, #tpu.memory_space<hbm>> -> memref<32x2048xi32, #tpu.memory_space<hbm>>
      tpu.wait_dma2 semaphore(%arg17 : memref<!tpu.dma_semaphore, #tpu.memory_space<semaphore_mem>>) src(%arg8 : memref<32x2048xi32, #tpu.memory_space<vmem_shared>>) dst(%dma_wait3A_305 : memref<32x2048xi32, #tpu.memory_space<hbm>>)
    }
    %while3A_300 = arith.constant 1 : i32
    scf.for %while3A_301 = %while3A_298 to %while3A_294 step %while3A_300  : i32 {
      %add3A_302 = arith.constant 0 : i32
      %add3A_303 = arith.addi %mul3A_2, %add3A_302 : i32
      %multiple_of3A_304 = tpu.assume_multiple %add3A_303, 32 : i32
      %dma_wait3A = arith.constant 0 : i32
      %dma_wait3A_305 = tpu.memref_slice %arg4[%multiple_of3A_304, %dma_wait3A] : memref<24576x2048xi32, #tpu.memory_space<hbm>> -> memref<32x2048xi32, #tpu.memory_space<hbm>>
      tpu.wait_dma2 semaphore(%arg17 : memref<!tpu.dma_semaphore, #tpu.memory_space<semaphore_mem>>) src(%arg8 : memref<32x2048xi32, #tpu.memory_space<vmem_shared>>) dst(%dma_wait3A_305 : memref<32x2048xi32, #tpu.memory_space<hbm>>)
    }
    return
  }
}

</mosaic_0001>

<sc_bundles>
// kernel: kernel.3.cloned.1.call-start
scs
__scs_entry_jumppad:
0x0: {  	(pc) =	sbr.rel $0x88, $3  }
0x1: {  	(tag) =	ssettag $0x0;
	lr =	simm.s32 $0x1  }
0x2: {  	[smem:$0x3F9F] =	sst lr;
	_ =	strace $0xD0000000  }
0x3: {  	_ = 	snop  }
0x4: {  	_ = 	snop  }
0x5: {  	_ = 	snop  }
0x6: {  	_ = 	snop  }
0x7: {  	_ = 	snop  }
__scs_overlays_trampoline_lowered:
0x8: {  	[smem:$0x3FAE] =	sst s0  }
0x9: {  	[smem:$0x3FAF] =	sst s1  }
0xa: {  	[smem:$0x3FB0] =	sst s2  }
0xb: {  	[smem:$0x3FB1] =	sst s3  }
0xc: {  	[smem:$0x3FB2] =	sst s4  }
0xd: {  	[smem:$0x3FB3] =	sst s5  }
0xe: {  	[smem:$0x3FB4] =	sst s6  }
0xf: {  	[smem:$0x3FB5] =	sst s7  }
0x10: {  	[smem:$0x3FB6] =	sst s8  }
0x11: {  	[smem:$0x3FB7] =	sst s9;
	s0 =	simm.s32 @!p0 $0x0  }
0x12: {  	s1 =	sld [smem:$0x3F9D];
	s0 =	simm.s32 @p0 $0x1  }
0x13: {  	[smem:$0x3FB8] =	sst s0;
	s0 =	simm.s32 @!p1 $0x0  }
0x14: {  	s2 =	sld [smem:$0x3F9C];
	s0 =	simm.s32 @p1 $0x1  }
0x15: {  	[smem:$0x3FB9] =	sst s0;
	s0 =	simm.s32 @!p2 $0x0  }
0x16: {  	s3 =	sld [smem:$0x3FDB];
	s0 =	simm.s32 @p2 $0x1  }
0x17: {  	s4 =	simm.s32 $0x1BF5;
	[smem:$0x3FBB] =	sst s0  }
0x18: {  	s0 =	sld [smem:$0x3F9E];
	_ =	swait.ge [sflag:s4], $0x0  }
0x19: {  	s7 =	sld [smem:$0x3F9F]  }
0x1a: {  	s8 =	sadd.s32 $0xFFFFE003, lr  }
0x1b: {  	s9 =	sadd.s32 $0xFFFFFEF7, lr;
	s5 =	simm.s32 $0xFFFFFFFF;
	p2 =	slt.u32 s8, $0xFFFFF086  }
0x1c: {  	p1 =	slt.u32 s9, $0xF7A;
	s5 =	simm.s32 @!p2 $0x0  }
0x1d: {  	s5 =	simm.s32 @p1 $0x1;
	p0 =	seq.s32 s7, s2  }
0x1e: {  	s7 =	smul.u32 @!p0 $0xF7A, s2;
	p2 =	seq.s32 @!p0 s5, $0x0  }
0x1f: {  	s9 =	smul.u32 $0xF7A, s1;
	s8 =	simm.s32 @!p0 $0x1BF5;
	p2 =	por !p2, p0  }
0x20: {  	[sflag:s8] =	ssyncset.s32 @!p0 $0xFFFFF086;
	s6 =	sadd.s32 @!p0 s3, s7;
	s7 =	simm.s32 @!p0 $0x108  }
0x21: {  	s3 =	sadd.s32 s3, s9;
	s6 =	sadd.s32 @!p0 $0x88, s6;
	s7 =	simm.s32 @p2 $0x1082  }
0x22: {  	[simem:s7], [sflag:s8] =	dma.local @!p0 [hbm:s6], $0xF7A  }
0x23: {  	s9 =	sor.u32 $0xD0000000, s2;
	s6 =	simm.s32 $0x108;
	_ =	swait.ge @!p0 [sflag:s8], $0x0  }
0x24: {  	s3 =	sadd.s32 $0x88, s3;
	s6 =	simm.s32 @!p1 $0x1082;
	[sflag:s4] =	ssyncset.s32 $0xFFFFF086  }
0x25: {  	[simem:s6], [sflag:s4] =	dma.local [hbm:s3], $0xF7A  }
0x26: {  	[smem:$0x3F9F] =	sst s1;
	(tag) =	ssettag s2;
	_ =	strace s9  }
0x27: {  	s1 =	sld [smem:$0x3FAF]  }
0x28: {  	s2 =	sld [smem:$0x3FB0]  }
0x29: {  	s4 =	sld [smem:$0x3FB2]  }
0x2a: {  	p0 =	seq.s32 s5, $0x0;
	s5 =	sld [smem:$0x3FB3]  }
0x2b: {  	s6 =	sld [smem:$0x3FB4]  }
0x2c: {  	s7 =	sld [smem:$0x3FB5]  }
0x2d: {  	s3 =	simm.s32 $0x108;
	s8 =	sld [smem:$0x3FB6]  }
0x2e: {  	s3 =	simm.s32 @!p0 $0x1082;
	s9 =	sld [smem:$0x3FB7]  }
0x2f: {  	lr =	sadd.s32 s0, s3;
	s0 =	sld [smem:$0x3FAE]  }
0x30: {  	s3 =	sld [smem:$0x3FB1]  }
0x31: {  	[smem:$0x3FBA] =	sst s10  }
0x32: {  	s10 =	sld [smem:$0x3FB8];
	_ =	sdelay $0x3  }
0x33: {  	p0 =	seq.s32 s10, $0x1;
	s10 =	sld [smem:$0x3FBA];
	_ =	sdelay $0x3  }
0x34: {  	[smem:$0x3FBA] =	sst s10  }
0x35: {  	s10 =	sld [smem:$0x3FB9];
	_ =	sdelay $0x3  }
0x36: {  	p1 =	seq.s32 s10, $0x1;
	s10 =	sld [smem:$0x3FBA];
	_ =	sdelay $0x3  }
0x37: {  	[smem:$0x3FBA] =	sst s10  }
0x38: {  	s10 =	sld [smem:$0x3FBB]  }
0x39: {  	_ = 	snop;
	(pc) =	sbr.ind lr, $3  }
0x3a: {  	_ = 	snop  }
0x3b: {  	_ = 	snop  }
0x3c: {  	p2 =	seq.s32 s10, $0x1;
	s10 =	sld [smem:$0x3FBA]  }
0x3d: {  	_ =	shalt  }
0x3e: {  	_ =	shalt  }
0x3f: {  	_ =	shalt  }
0x40: {  	_ =	shalt  }
0x41: {  	_ =	shalt  }
0x42: {  	_ =	shalt  }
0x43: {  	_ =	shalt  }
0x44: {  	_ =	shalt  }
0x45: {  	_ =	shalt  }
0x46: {  	_ =	shalt  }
0x47: {  	_ =	shalt  }
0x48: {  	_ =	shalt  }
0x49: {  	_ =	shalt  }
0x4a: {  	_ =	shalt  }
0x4b: {  	_ =	shalt  }
0x4c: {  	_ =	shalt  }
0x4d: {  	_ =	shalt  }
0x4e: {  	_ =	shalt  }
0x4f: {  	_ =	shalt  }
0x50: {  	_ =	shalt  }
0x51: {  	_ =	shalt  }
0x52: {  	_ =	shalt  }
0x53: {  	_ =	shalt  }
0x54: {  	_ =	shalt  }
0x55: {  	_ =	shalt  }
0x56: {  	_ =	shalt  }
0x57: {  	_ =	shalt  }
0x58: {  	_ =	shalt  }
0x59: {  	_ =	shalt  }
0x5a: {  	_ =	shalt  }
0x5b: {  	_ =	shalt  }
0x5c: {  	_ =	shalt  }
0x5d: {  	_ =	shalt  }
0x5e: {  	_ =	shalt  }
0x5f: {  	_ =	shalt  }
0x60: {  	_ =	shalt  }
0x61: {  	_ =	shalt  }
0x62: {  	_ =	shalt  }
0x63: {  	_ =	shalt  }
0x64: {  	_ =	shalt  }
0x65: {  	_ =	shalt  }
0x66: {  	_ =	shalt  }
0x67: {  	_ =	shalt  }
0x68: {  	_ =	shalt  }
0x69: {  	_ =	shalt  }
0x6a: {  	_ =	shalt  }
0x6b: {  	_ =	shalt  }
0x6c: {  	_ =	shalt  }
0x6d: {  	_ =	shalt  }
0x6e: {  	_ =	shalt  }
0x6f: {  	_ =	shalt  }
0x70: {  	_ =	shalt  }
0x71: {  	_ =	shalt  }
0x72: {  	_ =	shalt  }
0x73: {  	_ =	shalt  }
0x74: {  	_ =	shalt  }
0x75: {  	_ =	shalt  }
0x76: {  	_ =	shalt  }
0x77: {  	_ =	shalt  }
0x78: {  	_ =	shalt  }
0x79: {  	_ =	shalt  }
0x7a: {  	_ =	shalt  }
0x7b: {  	_ =	shalt  }
0x7c: {  	_ =	shalt  }
0x7d: {  	_ =	shalt  }
0x7e: {  	_ =	shalt  }
0x7f: {  	_ =	shalt  }
0x80: {  	_ =	shalt  }
0x81: {  	_ =	shalt  }
0x82: {  	_ =	shalt  }
0x83: {  	_ =	shalt  }
0x84: {  	_ =	shalt  }
0x85: {  	_ =	shalt  }
0x86: {  	_ =	shalt  }
0x87: {  	_ =	shalt  }
.Lfunc_end0:
.L_simem_size_0:
called_computation_lowered:
.L_overlay_start_0:
0x88: {  	s2 =	sld [smem:$0x3FD9]  }
0x89: {  	s3 =	sld [smem:$0x3FFE];
	_ =	sdelay $0x1  }
0x8a: {  	s1 =	srdreg.scid  }
0x8b: {  	s0 =	sand.u32 $0x1, s1  }
0x8c: {  	s17 =	sshll.u32 s0, $0xA;
	s2 =	sadd.s32 s3, s2  }
0x8d: {  	s2 =	sadd.s32 s2, s17  }
0x8e: {  	[smem:$0x3FC6] =	sst s2  }
0x8f: {  	_ = 	snop  }
0x90: {  	s2 =	sld [smem:$0x3FC9]  }
0x91: {  	s18 =	sld [smem:$0x3FD0];
	(tm) =	ssettm $0x1  }
0x92: {  	s4 =	sld [smem:$0x3FFB];
	_ =	sdelay $0x3  }
0x93: {  	_ =	strace s4  }
0x94: {  	s4 =	sld [smem:$0x3FFC];
	_ =	sdelay $0x3  }
0x95: {  	_ =	strace s4  }
0x96: {  	s4 =	sld [smem:$0x3FFD];
	_ =	sdelay $0x3  }
0x97: {  	_ =	strace s4  }
0x98: {  	_ =	strace $0x8FFFFFFF  }
0x99: {  	s19 =	sld [smem:$0x3FDB];
	_ =	sdelay $0x1  }
0x9a: {  	s5 =	simm.s32 $_scs_section_size  }
0x9b: {  	s6 =	simm.s32 $_size__tile_overlayer_lowered;
	s7 =	simm.s32 $_tile_overlayer_lowered  }
0x9c: {  	s22 =	simm.s32 $0x1BFF;
	s21 =	sshll.u32 s7, $0x1;
	s4 =	sadd.s32 s5, s19  }
0x9d: {  	s8 =	simm.s32 $0x0;
	s20 =	sshll.u32 s6, $0x1;
	s6 =	sadd.s32 s21, s4  }
0x9e: {  	[timem:s8], [sflag:s22] =	dma.local [hbm:s6], s20  }
0x9f: {  	_ =	swait.ge [sflag:s22], s20  }
0xa0: {  	s5 =	ssub.s32 $0x0, s20;
	[sflag:s22] =	ssyncset.done $0x0  }
0xa1: {  	[sflag:s22] =	ssyncadd.s32 s5;
	_ =	sdelay $0x1  }
0xa2: {  	s23 =	simm.s32 $0x1B8B  }
0xa3: {  	_ =	swait.ge [sflag:s23], $0x1  }
0xa4: {  	[sflag:s23] =	ssyncset.done $0x0  }
0xa5: {  	s25 =	simm.s32 $0x1B8E;
	s24 =	sld [smem:$0x3FFE];
	[sflag:s23] =	ssyncadd.s32 $0xFFFFFFFF  }
0xa6: {  	s26 =	simm.s32 $execute0_lowered;
	[smem:$0x3FD2] =	sst s25  }
0xa7: {  	s6 =	sshll.u32 s26, $0x1;
	_ =	strace $0x80000046;
	[dreg:$0x1] =	wrdreg $0xFFFFFFFF  }
0xa8: {  	s28 =	simm.s32 $_size_execute0_lowered;
	s4 =	sadd.s32 s4, s6;
	[dreg:$0x0] =	wrdreg $0x0  }
0xa9: {  	s6 =	sshll.u32 s28, $0x1;
	[dreg:$0x2] =	wrdreg s4  }
0xaa: {  	[dreg:$0x3] =	wrdreg s6  }
0xab: {  	[dreg:$0x4] =	wrdreg $0xC0  }
0xac: {  	_ =	task [dreg:s8], $0x5FFFF  }
0xad: {  	[dreg:$0x1] =	wrdreg $0xFFFFFFFF  }
0xae: {  	[dreg:$0x0] =	wrdreg $0x60  }
0xaf: {  	[dreg:$0x2] =	wrdreg s2  }
0xb0: {  	[dreg:$0x3] =	wrdreg s24  }
0xb1: {  	[dreg:$0x4] =	wrdreg s18  }
0xb2: {  	[dreg:$0x5] =	wrdreg $0x120000  }
0xb3: {  	[dreg:$0x6] =	wrdreg $0x9  }
0xb4: {  	_ =	task.clear_ibuf [dreg:s8], $0x7FFFF;
	_ =	strace $0x90000046  }
0xb5: {  	s29 =	simm.s32 $0x9;
	_ =	strace $0x80000048  }
0xb6: {  	_ =	swait.ge [sflag:s29], $0x1  }
0xb7: {  	[sflag:s29] =	ssyncadd.s32 $0xFFFFFFFF  }
0xb8: {  	_ =	strace $0x90000048  }
0xb9: {  	_ =	sfence  }
0xba: {  	s30 =	sld [smem:$0x0];
	_ =	sdelay $0x2  }
0xbb: {  	s31 =	sshll.u32 s1, $0xD;
	s1 =	sshrl.u32 s1, $0x2  }
0xbc: {  	s3 =	sand.u32 $0x4000, s31;
	s1 =	sadd.s32 s1, s30  }
0xbd: {  	s0 =	sor.u32 s3, s0;
	s1 =	sshll.u32 s1, $0x11  }
0xbe: {  	s0 =	sor.u32 s1, s0  }
0xbf: {  	s0 =	sadd.s32 $0x8F2B, s0  }
0xc0: {  	[sflag:s0] =	ssyncadd.remote.s32 $0x1  }
0xc1: {  	_ =	sfence.sel $0xFFFF  }
0xc2: {  	[dreg:$0x0] =	wrdreg $0xFFFFFFFF;
	(pc) =	sbr.abs _section_cstart, $3  }
0xc3: {  	[dreg:$0x1] =	wrdreg $0xFFFFFFFF  }
0xc4: {  	_ =	task.clear_ibuf [dreg:s8], $0x2FFFF;
	_ =	strace $0x9FFFFFFF  }
0xc5: {  	(tm) =	ssettm $0x7FFFFFFF  }
tec
execute0_lowered:
.L_overlay_start_1:
0x0: {  	(tag) =	ssettag $0x1  }
0x1: {  	s1 =	rddreg [dreg:$0x0]  }
0x2: {  	s0 =	rddreg [dreg:$0x1]  }
0x3: {  	s3 =	rddreg [dreg:$0x2]  }
0x4: {  	s2 =	srdreg.scid;
	s4 =	stileid.u32;
	s5 =	simm.s32 $0x0  }
0x5: {  	s12 =	simm.s32 $0x5;
	s2 =	sand.u32 $0x1, s2;
	s4 =	sshll.u32 s4, $0x1  }
0x6: {  	s14 =	simm.s32 $0x400;
	s17 =	simm.s32 $0x1;
	s4 =	sor.u32 s2, s4  }
0x7: {  	s18 =	simm.s32 $0x80;
	s19 =	simm.s32 $0x13800;
	s6 =	smul.u32 $0x30000, s4  }
0x8: {  	s20 =	simm.s32 $0x3;
	[smem:$0x7FF] =	sst s5;
	s8 =	smul.u32 $0x180000, s4  }
0x9: {  	s0 =	sadd.s32 $0x400, s0;
	s2 =	ssub.s32 $0x2, s2;
	s29 =	smul.u32 $0x300, s4  }
.Ltmp0:
0xa: {  	_ =	strace $0x80000047;
	[dreg:$0x5] =	wrdreg s0;
	(pc) =	sbr.rel .LBB2_1-.Ltmp0, $4  }
0xb: {  	s7 =	sshrl.u32 s2, $0x1;
	[dreg:$0x6] =	wrdreg s29;
	s30 =	sadd.s32 s1, s6  }
0xc: {  	s28 =	ssub.s32 s2, s7;
	s31 =	sor.u32 $0x20000, s8;
	[dreg:$0x7] =	wrdreg s30  }
0xd: {  	s21 =	simm.s32 $0x4;
	s0 =	smax.u32 s28, $0x1;
	[dreg:$0x8] =	wrdreg s31  }
0xe: {  	v0 =	vimm.s32 $0xFFFFFFFF;
	v1 =	vlaneseq.u32;
	s22 =	simm.s32 $0x13000;
	s2 =	simm.s32 $0x0;
	[dreg:$0x9] =	wrdreg s0  }
.LBB2_126:
0xf: {  	[sflag:s21] =	ssyncadd.s32 $0xFFFFE000  }
.LBB2_127:
0x10: {  	s2 =	sadd.s32 $0x1, s2;
	s0 =	rddreg [dreg:$0x9]  }
0x11: {  	p0 =	sne.s32 s2, s0  }
.Ltmp1:
0x12: {  	_ = 	snop;
	(pc) =	sbr.rel @!p0 .LBB2_128-.Ltmp1, $1  }
0x13: {  	_ =	sdelay $0x3  }
.LBB2_1:
0x14: {  	[dreg:$0xa] =	wrdreg s2  }
0x15: {  	s0 =	rddreg [dreg:$0x5];
	s29 =	simm.s32 $0x14000  }
0x16: {  	[tilespmem:s29], [sflag:$0x5] =	stream.linear.gather [hbm4b:s0+s5], $0x80, $0x38;
	[tilespmem:$0x14080] =	vst v63  }
0x17: {  	_ =	swait.ge [sflag:s12], $0x80  }
0x18: {  	s30 =	sand.u32 $0x70, s5;
	s31 =	sand.u32 $0x3C00, s5;
	[sflag:s12] =	ssyncset.done $0x0  }
0x19: {  	s0 =	sor.u32 s30, s31;
	[sflag:s12] =	ssyncadd.s32 $0xFFFFFF80  }
0x1a: {  	s2 =	simm.s32 $0x10;
	s4 =	simm.s32 $0x0;
	v2 =	vld [tilespmem:$0x14000];
	[tilespmem:s0+$0x2000] =	vst v0  }
.LBB2_2:
0x1b: {  	p0 =	sne.s32 s2, $0x7F0  }
.Ltmp2:
0x1c: {  	_ = 	snop;
	(pc) =	sbr.rel @p0 .LBB2_2-.Ltmp2, $4  }
0x1d: {  	s4 =	sadd.s32 $0x80, s4  }
0x1e: {  	s0 =	sand.u32 $0x70, s2;
	s6 =	sand.u32 $0x3C00, s4  }
0x1f: {  	s0 =	sor.u32 s0, s6  }
0x20: {  	s2 =	sadd.s32 $0x10, s2;
	[tilespmem:s0+$0x2000] =	vst v0;
	s0 =	simm.s32 $0x0  }
0x21: {  	s2 =	sand.u32 $0x70, s0;
	s4 =	sand.u32 $0x3C00, s0  }
0x22: {  	s2 =	sor.u32 s2, s4  }
0x23: {  	s6 =	simm.s32 $0x0;
	s4 =	simm.s32 $0x10;
	[tilespmem:s2+$0x2080] =	vst v0  }
.LBB2_4:
0x24: {  	p0 =	sne.s32 s4, $0x7F0  }
.Ltmp3:
0x25: {  	_ = 	snop;
	(pc) =	sbr.rel @p0 .LBB2_4-.Ltmp3, $4  }
0x26: {  	s6 =	sadd.s32 $0x80, s6  }
0x27: {  	s7 =	sand.u32 $0x70, s4;
	s8 =	sand.u32 $0x3C00, s6  }
0x28: {  	s7 =	sor.u32 s7, s8  }
0x29: {  	s4 =	sadd.s32 $0x10, s4;
	[tilespmem:s7+$0x2080] =	vst v0  }
0x2a: {  	s4 =	simm.s32 $0x10;
	[tilespmem:s2+$0x2100] =	vst v0  }
.LBB2_6:
0x2b: {  	p0 =	sne.s32 s4, $0x7F0  }
.Ltmp4:
0x2c: {  	_ = 	snop;
	(pc) =	sbr.rel @p0 .LBB2_6-.Ltmp4, $4  }
0x2d: {  	s0 =	sadd.s32 $0x80, s0  }
0x2e: {  	s2 =	sand.u32 $0x70, s4;
	s6 =	sand.u32 $0x3C00, s0  }
0x2f: {  	s2 =	sor.u32 s2, s6  }
0x30: {  	s4 =	sadd.s32 $0x10, s4;
	[tilespmem:s2+$0x2100] =	vst v0;
	s2 =	simm.s32 $0x0  }
0x31: {  	s0 =	sand.u32 $0x70, s2;
	s4 =	sand.u32 $0x3C00, s2  }
0x32: {  	s0 =	sor.u32 s0, s4  }
0x33: {  	s6 =	simm.s32 $0x0;
	s4 =	simm.s32 $0x10;
	[tilespmem:s0+$0x2180] =	vst v0  }
.LBB2_8:
0x34: {  	p0 =	sne.s32 s4, $0x7F0  }
.Ltmp5:
0x35: {  	_ = 	snop;
	(pc) =	sbr.rel @p0 .LBB2_8-.Ltmp5, $4  }
0x36: {  	s6 =	sadd.s32 $0x80, s6  }
0x37: {  	s7 =	sand.u32 $0x70, s4;
	s8 =	sand.u32 $0x3C00, s6  }
0x38: {  	s7 =	sor.u32 s7, s8  }
0x39: {  	s4 =	sadd.s32 $0x10, s4;
	[tilespmem:s7+$0x2180] =	vst v0  }
0x3a: {  	s6 =	simm.s32 $0x10;
	[tilespmem:s0+$0x2200] =	vst v0  }
.LBB2_10:
0x3b: {  	p0 =	sne.s32 s6, $0x7F0  }
.Ltmp6:
0x3c: {  	_ = 	snop;
	(pc) =	sbr.rel @p0 .LBB2_10-.Ltmp6, $4  }
0x3d: {  	s2 =	sadd.s32 $0x80, s2  }
0x3e: {  	s0 =	sand.u32 $0x70, s6;
	s4 =	sand.u32 $0x3C00, s2  }
0x3f: {  	s0 =	sor.u32 s0, s4  }
0x40: {  	s6 =	sadd.s32 $0x10, s6;
	s4 =	simm.s32 $0x0;
	[tilespmem:s0+$0x2200] =	vst v0  }
0x41: {  	s0 =	sand.u32 $0x70, s4;
	s2 =	sand.u32 $0x3C00, s4  }
0x42: {  	s0 =	sor.u32 s0, s2  }
0x43: {  	s6 =	simm.s32 $0x0;
	s2 =	simm.s32 $0x10;
	[tilespmem:s0+$0x2280] =	vst v0  }
.LBB2_12:
0x44: {  	p0 =	sne.s32 s2, $0x7F0  }
.Ltmp7:
0x45: {  	_ = 	snop;
	(pc) =	sbr.rel @p0 .LBB2_12-.Ltmp7, $4  }
0x46: {  	s6 =	sadd.s32 $0x80, s6  }
0x47: {  	s7 =	sand.u32 $0x70, s2;
	s8 =	sand.u32 $0x3C00, s6  }
0x48: {  	s7 =	sor.u32 s7, s8  }
0x49: {  	s2 =	sadd.s32 $0x10, s2;
	[tilespmem:s7+$0x2280] =	vst v0  }
0x4a: {  	s2 =	simm.s32 $0x10;
	[tilespmem:s0+$0x2300] =	vst v0  }
.LBB2_14:
0x4b: {  	p0 =	sne.s32 s2, $0x7F0  }
.Ltmp8:
0x4c: {  	_ = 	snop;
	(pc) =	sbr.rel @p0 .LBB2_14-.Ltmp8, $4  }
0x4d: {  	s4 =	sadd.s32 $0x80, s4  }
0x4e: {  	s0 =	sand.u32 $0x70, s2;
	s6 =	sand.u32 $0x3C00, s4  }
0x4f: {  	s0 =	sor.u32 s0, s6  }
0x50: {  	s2 =	sadd.s32 $0x10, s2;
	[tilespmem:s0+$0x2300] =	vst v0;
	s0 =	simm.s32 $0x0  }
0x51: {  	s2 =	sand.u32 $0x7, s0  }
0x52: {  	s2 =	sshll.u32 s2, $0x4  }
0x53: {  	s2 =	sadd.s32 $0x0, s2  }
0x54: {  	s4 =	sor.u32 $0x380, s2  }
0x55: {  	s6 =	simm.s32 $0x0;
	s2 =	simm.s32 $0x10;
	[tilespmem:s4+$0x2000] =	vst v0;
	s4 =	simm.s32 $0x1  }
.LBB2_16:
0x56: {  	s7 =	sand.u32 $0x7, s4;
	p0 =	sne.s32 s2, $0x7F0;
	s2 =	sadd.s32 $0x10, s2  }
.Ltmp9:
0x57: {  	s6 =	sadd.s32 $0x80, s6;
	s7 =	sshll.u32 s7, $0x4;
	(pc) =	sbr.rel @p0 .LBB2_16-.Ltmp9, $4  }
0x58: {  	s7 =	sadd.s32 s7, s6  }
0x59: {  	s7 =	sor.u32 $0x380, s7  }
0x5a: {  	[tilespmem:s7+$0x2000] =	vst v0  }
0x5b: {  	s4 =	sadd.s32 $0x1, s4  }
0x5c: {  	s2 =	sand.u32 $0x70, s0;
	s4 =	sand.u32 $0x3C00, s0  }
0x5d: {  	s2 =	sor.u32 s2, s4  }
0x5e: {  	s4 =	simm.s32 $0x10;
	[tilespmem:s2+$0x6000] =	vst v0  }
.LBB2_18:
0x5f: {  	p0 =	sne.s32 s4, $0x7F0  }
.Ltmp10:
0x60: {  	_ = 	snop;
	(pc) =	sbr.rel @p0 .LBB2_18-.Ltmp10, $4  }
0x61: {  	s0 =	sadd.s32 $0x80, s0  }
0x62: {  	s2 =	sand.u32 $0x70, s4;
	s6 =	sand.u32 $0x3C00, s0  }
0x63: {  	s2 =	sor.u32 s2, s6  }
0x64: {  	s4 =	sadd.s32 $0x10, s4;
	[tilespmem:s2+$0x6000] =	vst v0;
	s2 =	simm.s32 $0x0  }
0x65: {  	s0 =	sand.u32 $0x70, s2;
	s4 =	sand.u32 $0x3C00, s2  }
0x66: {  	s0 =	sor.u32 s0, s4  }
0x67: {  	s6 =	simm.s32 $0x0;
	s4 =	simm.s32 $0x10;
	[tilespmem:s0+$0x6080] =	vst v0  }
.LBB2_20:
0x68: {  	p0 =	sne.s32 s4, $0x7F0  }
.Ltmp11:
0x69: {  	_ = 	snop;
	(pc) =	sbr.rel @p0 .LBB2_20-.Ltmp11, $4  }
0x6a: {  	s6 =	sadd.s32 $0x80, s6  }
0x6b: {  	s7 =	sand.u32 $0x70, s4;
	s8 =	sand.u32 $0x3C00, s6  }
0x6c: {  	s7 =	sor.u32 s7, s8  }
0x6d: {  	s4 =	sadd.s32 $0x10, s4;
	[tilespmem:s7+$0x6080] =	vst v0  }
0x6e: {  	s4 =	simm.s32 $0x10;
	[tilespmem:s0+$0x6100] =	vst v0  }
.LBB2_22:
0x6f: {  	p0 =	sne.s32 s4, $0x7F0  }
.Ltmp12:
0x70: {  	_ = 	snop;
	(pc) =	sbr.rel @p0 .LBB2_22-.Ltmp12, $4  }
0x71: {  	s2 =	sadd.s32 $0x80, s2  }
0x72: {  	s0 =	sand.u32 $0x70, s4;
	s6 =	sand.u32 $0x3C00, s2  }
0x73: {  	s0 =	sor.u32 s0, s6  }
0x74: {  	s4 =	sadd.s32 $0x10, s4;
	[tilespmem:s0+$0x6100] =	vst v0;
	s0 =	simm.s32 $0x0  }
0x75: {  	s2 =	sand.u32 $0x70, s0;
	s4 =	sand.u32 $0x3C00, s0  }
0x76: {  	s2 =	sor.u32 s2, s4  }
0x77: {  	s6 =	simm.s32 $0x0;
	s4 =	simm.s32 $0x10;
	[tilespmem:s2+$0x6180] =	vst v0  }
.LBB2_24:
0x78: {  	p0 =	sne.s32 s4, $0x7F0  }
.Ltmp13:
0x79: {  	_ = 	snop;
	(pc) =	sbr.rel @p0 .LBB2_24-.Ltmp13, $4  }
0x7a: {  	s6 =	sadd.s32 $0x80, s6  }
0x7b: {  	s7 =	sand.u32 $0x70, s4;
	s8 =	sand.u32 $0x3C00, s6  }
0x7c: {  	s7 =	sor.u32 s7, s8  }
0x7d: {  	s4 =	sadd.s32 $0x10, s4;
	[tilespmem:s7+$0x6180] =	vst v0  }
0x7e: {  	s4 =	simm.s32 $0x10;
	[tilespmem:s2+$0x6200] =	vst v0  }
.LBB2_26:
0x7f: {  	p0 =	sne.s32 s4, $0x7F0  }
.Ltmp14:
0x80: {  	_ = 	snop;
	(pc) =	sbr.rel @p0 .LBB2_26-.Ltmp14, $4  }
0x81: {  	s0 =	sadd.s32 $0x80, s0  }
0x82: {  	s2 =	sand.u32 $0x70, s4;
	s6 =	sand.u32 $0x3C00, s0  }
0x83: {  	s2 =	sor.u32 s2, s6  }
0x84: {  	s4 =	sadd.s32 $0x10, s4;
	[tilespmem:s2+$0x6200] =	vst v0;
	s2 =	simm.s32 $0x0  }
0x85: {  	s0 =	sand.u32 $0x70, s2;
	s4 =	sand.u32 $0x3C00, s2  }
0x86: {  	s0 =	sor.u32 s0, s4  }
0x87: {  	s6 =	simm.s32 $0x0;
	s4 =	simm.s32 $0x10;
	[tilespmem:s0+$0x6280] =	vst v0  }
.LBB2_28:
0x88: {  	p0 =	sne.s32 s4, $0x7F0  }
.Ltmp15:
0x89: {  	_ = 	snop;
	(pc) =	sbr.rel @p0 .LBB2_28-.Ltmp15, $4  }
0x8a: {  	s6 =	sadd.s32 $0x80, s6  }
0x8b: {  	s7 =	sand.u32 $0x70, s4;
	s8 =	sand.u32 $0x3C00, s6  }
0x8c: {  	s7 =	sor.u32 s7, s8  }
0x8d: {  	s4 =	sadd.s32 $0x10, s4;
	[tilespmem:s7+$0x6280] =	vst v0  }
0x8e: {  	s4 =	simm.s32 $0x10;
	[tilespmem:s0+$0x6300] =	vst v0  }
.LBB2_30:
0x8f: {  	p0 =	sne.s32 s4, $0x7F0  }
.Ltmp16:
0x90: {  	_ = 	snop;
	(pc) =	sbr.rel @p0 .LBB2_30-.Ltmp16, $4  }
0x91: {  	s2 =	sadd.s32 $0x80, s2  }
0x92: {  	s0 =	sand.u32 $0x70, s4;
	s6 =	sand.u32 $0x3C00, s2  }
0x93: {  	s0 =	sor.u32 s0, s6  }
0x94: {  	s4 =	sadd.s32 $0x10, s4;
	[tilespmem:s0+$0x6300] =	vst v0;
	s0 =	simm.s32 $0x0  }
0x95: {  	s2 =	sand.u32 $0x70, s0;
	s4 =	sand.u32 $0x3C00, s0  }
0x96: {  	s2 =	sor.u32 s2, s4  }
0x97: {  	s6 =	simm.s32 $0x0;
	s4 =	simm.s32 $0x10;
	[tilespmem:s2+$0x6380] =	vst v0  }
.LBB2_32:
0x98: {  	p0 =	sne.s32 s4, $0x7F0  }
.Ltmp17:
0x99: {  	_ = 	snop;
	(pc) =	sbr.rel @p0 .LBB2_32-.Ltmp17, $4  }
0x9a: {  	s6 =	sadd.s32 $0x80, s6  }
0x9b: {  	s7 =	sand.u32 $0x70, s4;
	s8 =	sand.u32 $0x3C00, s6  }
0x9c: {  	s7 =	sor.u32 s7, s8  }
0x9d: {  	s4 =	sadd.s32 $0x10, s4;
	[tilespmem:s7+$0x6380] =	vst v0  }
0x9e: {  	s4 =	simm.s32 $0x10;
	[tilespmem:s2+$0xA000] =	vst v0  }
.LBB2_34:
0x9f: {  	p0 =	sne.s32 s4, $0x7F0  }
.Ltmp18:
0xa0: {  	_ = 	snop;
	(pc) =	sbr.rel @p0 .LBB2_34-.Ltmp18, $4  }
0xa1: {  	s0 =	sadd.s32 $0x80, s0  }
0xa2: {  	s2 =	sand.u32 $0x70, s4;
	s6 =	sand.u32 $0x3C00, s0  }
0xa3: {  	s2 =	sor.u32 s2, s6  }
0xa4: {  	s4 =	sadd.s32 $0x10, s4;
	[tilespmem:s2+$0xA000] =	vst v0;
	s2 =	simm.s32 $0x0  }
0xa5: {  	s0 =	sand.u32 $0x70, s2;
	s4 =	sand.u32 $0x3C00, s2  }
0xa6: {  	s0 =	sor.u32 s0, s4  }
0xa7: {  	s6 =	simm.s32 $0x0;
	s4 =	simm.s32 $0x10;
	[tilespmem:s0+$0xA080] =	vst v0  }
.LBB2_36:
0xa8: {  	p0 =	sne.s32 s4, $0x7F0  }
.Ltmp19:
0xa9: {  	_ = 	snop;
	(pc) =	sbr.rel @p0 .LBB2_36-.Ltmp19, $4  }
0xaa: {  	s6 =	sadd.s32 $0x80, s6  }
0xab: {  	s7 =	sand.u32 $0x70, s4;
	s8 =	sand.u32 $0x3C00, s6  }
0xac: {  	s7 =	sor.u32 s7, s8  }
0xad: {  	s4 =	sadd.s32 $0x10, s4;
	[tilespmem:s7+$0xA080] =	vst v0  }
0xae: {  	s4 =	simm.s32 $0x10;
	[tilespmem:s0+$0xA100] =	vst v0  }
.LBB2_38:
0xaf: {  	p0 =	sne.s32 s4, $0x7F0  }
.Ltmp20:
0xb0: {  	_ = 	snop;
	(pc) =	sbr.rel @p0 .LBB2_38-.Ltmp20, $4  }
0xb1: {  	s2 =	sadd.s32 $0x80, s2  }
0xb2: {  	s0 =	sand.u32 $0x70, s4;
	s6 =	sand.u32 $0x3C00, s2  }
0xb3: {  	s0 =	sor.u32 s0, s6  }
0xb4: {  	s4 =	sadd.s32 $0x10, s4;
	[tilespmem:s0+$0xA100] =	vst v0;
	s0 =	simm.s32 $0x0  }
0xb5: {  	s2 =	sand.u32 $0x70, s0;
	s4 =	sand.u32 $0x3C00, s0  }
0xb6: {  	s2 =	sor.u32 s2, s4  }
0xb7: {  	s6 =	simm.s32 $0x0;
	s4 =	simm.s32 $0x10;
	[tilespmem:s2+$0xA180] =	vst v0  }
.LBB2_40:
0xb8: {  	p0 =	sne.s32 s4, $0x7F0  }
.Ltmp21:
0xb9: {  	_ = 	snop;
	(pc) =	sbr.rel @p0 .LBB2_40-.Ltmp21, $4  }
0xba: {  	s6 =	sadd.s32 $0x80, s6  }
0xbb: {  	s7 =	sand.u32 $0x70, s4;
	s8 =	sand.u32 $0x3C00, s6  }
0xbc: {  	s7 =	sor.u32 s7, s8  }
0xbd: {  	s4 =	sadd.s32 $0x10, s4;
	[tilespmem:s7+$0xA180] =	vst v0  }
0xbe: {  	s4 =	simm.s32 $0x10;
	[tilespmem:s2+$0xA200] =	vst v0  }
.LBB2_42:
0xbf: {  	p0 =	sne.s32 s4, $0x7F0  }
.Ltmp22:
0xc0: {  	_ = 	snop;
	(pc) =	sbr.rel @p0 .LBB2_42-.Ltmp22, $4  }
0xc1: {  	s0 =	sadd.s32 $0x80, s0  }
0xc2: {  	s2 =	sand.u32 $0x70, s4;
	s6 =	sand.u32 $0x3C00, s0  }
0xc3: {  	s2 =	sor.u32 s2, s6  }
0xc4: {  	s4 =	sadd.s32 $0x10, s4;
	[tilespmem:s2+$0xA200] =	vst v0;
	s2 =	simm.s32 $0x0  }
0xc5: {  	s0 =	sand.u32 $0x70, s2;
	s4 =	sand.u32 $0x3C00, s2  }
0xc6: {  	s0 =	sor.u32 s0, s4  }
0xc7: {  	s6 =	simm.s32 $0x0;
	s4 =	simm.s32 $0x10;
	[tilespmem:s0+$0xA280] =	vst v0  }
.LBB2_44:
0xc8: {  	p0 =	sne.s32 s4, $0x7F0  }
.Ltmp23:
0xc9: {  	_ = 	snop;
	(pc) =	sbr.rel @p0 .LBB2_44-.Ltmp23, $4  }
0xca: {  	s6 =	sadd.s32 $0x80, s6  }
0xcb: {  	s7 =	sand.u32 $0x70, s4;
	s8 =	sand.u32 $0x3C00, s6  }
0xcc: {  	s7 =	sor.u32 s7, s8  }
0xcd: {  	s4 =	sadd.s32 $0x10, s4;
	[tilespmem:s7+$0xA280] =	vst v0  }
0xce: {  	s4 =	simm.s32 $0x10;
	[tilespmem:s0+$0xA300] =	vst v0  }
.LBB2_46:
0xcf: {  	p0 =	sne.s32 s4, $0x7F0  }
.Ltmp24:
0xd0: {  	_ = 	snop;
	(pc) =	sbr.rel @p0 .LBB2_46-.Ltmp24, $4  }
0xd1: {  	s2 =	sadd.s32 $0x80, s2  }
0xd2: {  	s0 =	sand.u32 $0x70, s4;
	s6 =	sand.u32 $0x3C00, s2  }
0xd3: {  	s0 =	sor.u32 s0, s6  }
0xd4: {  	s4 =	sadd.s32 $0x10, s4;
	[tilespmem:s0+$0xA300] =	vst v0;
	s0 =	simm.s32 $0x0  }
0xd5: {  	s2 =	sand.u32 $0x70, s0;
	s4 =	sand.u32 $0x3C00, s0  }
0xd6: {  	s2 =	sor.u32 s2, s4  }
0xd7: {  	s6 =	simm.s32 $0x0;
	s4 =	simm.s32 $0x10;
	[tilespmem:s2+$0xA380] =	vst v0  }
.LBB2_48:
0xd8: {  	p0 =	sne.s32 s4, $0x7F0  }
.Ltmp25:
0xd9: {  	_ = 	snop;
	(pc) =	sbr.rel @p0 .LBB2_48-.Ltmp25, $4  }
0xda: {  	s6 =	sadd.s32 $0x80, s6  }
0xdb: {  	s7 =	sand.u32 $0x70, s4;
	s8 =	sand.u32 $0x3C00, s6  }
0xdc: {  	s7 =	sor.u32 s7, s8  }
0xdd: {  	s4 =	sadd.s32 $0x10, s4;
	[tilespmem:s7+$0xA380] =	vst v0  }
0xde: {  	s4 =	simm.s32 $0x10;
	[tilespmem:s2+$0xE000] =	vst v0  }
.LBB2_50:
0xdf: {  	p0 =	sne.s32 s4, $0x7F0  }
.Ltmp26:
0xe0: {  	_ = 	snop;
	(pc) =	sbr.rel @p0 .LBB2_50-.Ltmp26, $4  }
0xe1: {  	s0 =	sadd.s32 $0x80, s0  }
0xe2: {  	s2 =	sand.u32 $0x70, s4;
	s6 =	sand.u32 $0x3C00, s0  }
0xe3: {  	s2 =	sor.u32 s2, s6  }
0xe4: {  	s4 =	sadd.s32 $0x10, s4;
	[tilespmem:s2+$0xE000] =	vst v0;
	s2 =	simm.s32 $0x0  }
0xe5: {  	s0 =	sand.u32 $0x70, s2;
	s4 =	sand.u32 $0x3C00, s2  }
0xe6: {  	s0 =	sor.u32 s0, s4  }
0xe7: {  	s6 =	simm.s32 $0x0;
	s4 =	simm.s32 $0x10;
	[tilespmem:s0+$0xE080] =	vst v0  }
.LBB2_52:
0xe8: {  	p0 =	sne.s32 s4, $0x7F0  }
.Ltmp27:
0xe9: {  	_ = 	snop;
	(pc) =	sbr.rel @p0 .LBB2_52-.Ltmp27, $4  }
0xea: {  	s6 =	sadd.s32 $0x80, s6  }
0xeb: {  	s7 =	sand.u32 $0x70, s4;
	s8 =	sand.u32 $0x3C00, s6  }
0xec: {  	s7 =	sor.u32 s7, s8  }
0xed: {  	s4 =	sadd.s32 $0x10, s4;
	[tilespmem:s7+$0xE080] =	vst v0  }
0xee: {  	s4 =	simm.s32 $0x10;
	[tilespmem:s0+$0xE100] =	vst v0  }
.LBB2_54:
0xef: {  	p0 =	sne.s32 s4, $0x7F0  }
.Ltmp28:
0xf0: {  	_ = 	snop;
	(pc) =	sbr.rel @p0 .LBB2_54-.Ltmp28, $4  }
0xf1: {  	s2 =	sadd.s32 $0x80, s2  }
0xf2: {  	s0 =	sand.u32 $0x70, s4;
	s6 =	sand.u32 $0x3C00, s2  }
0xf3: {  	s0 =	sor.u32 s0, s6  }
0xf4: {  	s4 =	sadd.s32 $0x10, s4;
	[tilespmem:s0+$0xE100] =	vst v0;
	s0 =	simm.s32 $0x0  }
0xf5: {  	s2 =	sand.u32 $0x70, s0;
	s4 =	sand.u32 $0x3C00, s0  }
0xf6: {  	s2 =	sor.u32 s2, s4  }
0xf7: {  	s6 =	simm.s32 $0x0;
	s4 =	simm.s32 $0x10;
	[tilespmem:s2+$0xE180] =	vst v0  }
.LBB2_56:
0xf8: {  	p0 =	sne.s32 s4, $0x7F0  }
.Ltmp29:
0xf9: {  	_ = 	snop;
	(pc) =	sbr.rel @p0 .LBB2_56-.Ltmp29, $4  }
0xfa: {  	s6 =	sadd.s32 $0x80, s6  }
0xfb: {  	s7 =	sand.u32 $0x70, s4;
	s8 =	sand.u32 $0x3C00, s6  }
0xfc: {  	s7 =	sor.u32 s7, s8  }
0xfd: {  	s4 =	sadd.s32 $0x10, s4;
	[tilespmem:s7+$0xE180] =	vst v0  }
0xfe: {  	s4 =	simm.s32 $0x10;
	[tilespmem:s2+$0xE200] =	vst v0  }
.LBB2_58:
0xff: {  	p0 =	sne.s32 s4, $0x7F0  }
.Ltmp30:
0x100: {  	_ = 	snop;
	(pc) =	sbr.rel @p0 .LBB2_58-.Ltmp30, $4  }
0x101: {  	s0 =	sadd.s32 $0x80, s0  }
0x102: {  	s2 =	sand.u32 $0x70, s4;
	s6 =	sand.u32 $0x3C00, s0  }
0x103: {  	s2 =	sor.u32 s2, s6  }
0x104: {  	s4 =	sadd.s32 $0x10, s4;
	[tilespmem:s2+$0xE200] =	vst v0;
	s2 =	simm.s32 $0x0  }
0x105: {  	s0 =	sand.u32 $0x70, s2;
	s4 =	sand.u32 $0x3C00, s2  }
0x106: {  	s4 =	sor.u32 s0, s4  }
0x107: {  	s0 =	simm.s32 $0x10;
	[tilespmem:s4+$0xE280] =	vst v0;
	s4 =	simm.s32 $0x0  }
.LBB2_60:
0x108: {  	p0 =	sne.s32 s0, $0x7F0  }
.Ltmp31:
0x109: {  	_ = 	snop;
	(pc) =	sbr.rel @p0 .LBB2_60-.Ltmp31, $4  }
0x10a: {  	s4 =	sadd.s32 $0x80, s4  }
0x10b: {  	s6 =	sand.u32 $0x70, s0;
	s7 =	sand.u32 $0x3C00, s4  }
0x10c: {  	s6 =	sor.u32 s6, s7  }
0x10d: {  	s0 =	sadd.s32 $0x10, s0;
	[tilespmem:s6+$0xE280] =	vst v0  }
0x10e: {  	s0 =	simm.s32 $0x0  }
.LBB2_62:
0x10f: {  	p0 =	sne.s32 s0, $0x7F0  }
.Ltmp32:
0x110: {  	_ = 	snop;
	(pc) =	sbr.rel @p0 .LBB2_62-.Ltmp32, $4  }
0x111: {  	_ = 	snop  }
0x112: {  	s4 =	sand.u32 $0x70, s0;
	s6 =	sand.u32 $0x3C00, s2  }
0x113: {  	s4 =	sor.u32 s4, s6  }
0x114: {  	s2 =	sadd.s32 $0x80, s2;
	s0 =	sadd.s32 $0x10, s0;
	[tilespmem:s4+$0xE300] =	vst v0  }
0x115: {  	s0 =	simm.s32 $0x0  }
0x116: {  	s2 =	sand.u32 $0x70, s0;
	s4 =	sand.u32 $0x3C00, s0  }
0x117: {  	s4 =	sor.u32 s2, s4  }
0x118: {  	s2 =	simm.s32 $0x10;
	[tilespmem:s4+$0xE380] =	vst v0  }
.LBB2_64:
0x119: {  	p0 =	sne.s32 s2, $0x7F0  }
.Ltmp33:
0x11a: {  	_ = 	snop;
	(pc) =	sbr.rel @p0 .LBB2_64-.Ltmp33, $4  }
0x11b: {  	s0 =	sadd.s32 $0x80, s0  }
0x11c: {  	s4 =	sand.u32 $0x70, s2;
	s6 =	sand.u32 $0x3C00, s0  }
0x11d: {  	s4 =	sor.u32 s4, s6  }
0x11e: {  	s2 =	sadd.s32 $0x10, s2;
	[tilespmem:s4+$0xE380] =	vst v0  }
0x11f: {  	s0 =	rddreg [dreg:$0x3];
	s2 =	simm.s32 $0x2000  }
0x120: {  	[spmem:s0] =	stream.linear.scatter [tilespmem:s2], [sflag:$0x5], $0x10000, $0x38;
	[tilespmem:$0x14080] =	vst v63  }
0x121: {  	_ =	swait.ge [sflag:s12], $0x10000  }
0x122: {  	[sflag:s12] =	ssyncset.done $0x0  }
0x123: {  	[sflag:s12] =	ssyncadd.s32 $0xFFFF0000  }
0x124: {  	s2 =	simm.s32 $0x40;
	s0 =	simm.s32 $0x0;
	[bflag:$0x0] =	sbarrier.arrive $0xFFFF  }
.LBB2_66:
0x125: {  	p0 =	sne.s32 s2, $0x1FC0;
	[tilespmem:s0+$0x13000] =	vst v0;
	s0 =	smov.u32 s2;
	s2 =	sadd.s32 $0x40, s2  }
.Ltmp34:
0x126: {  	(pc) =	sbr.rel @p0 .LBB2_66-.Ltmp34, $2  }
0x127: {  	_ =	sdelay $0x2  }
0x128: {  	s0 =	sshra.s32 s0, $0x2  }
0x129: {  	(v2sf) =	vpush v2, $0x0  }
0x12a: {  	(v2sf) =	vpush v2, $0x1  }
0x12b: {  	(v2sf) =	vpush v2, $0x2  }
0x12c: {  	(v2sf) =	vpush v2, $0x3  }
0x12d: {  	(v2sf) =	vpush v2, $0x4  }
0x12e: {  	(v2sf) =	vpush v2, $0x5  }
0x12f: {  	(v2sf) =	vpush v2, $0x6  }
0x130: {  	(v2sf) =	vpush v2, $0x7  }
0x131: {  	(v2sf) =	vpush v2, $0x8  }
0x132: {  	(v2sf) =	vpush v2, $0x9  }
0x133: {  	(v2sf) =	vpush v2, $0xA  }
0x134: {  	(v2sf) =	vpush v2, $0xB;
	_ =	sdelay $0x1  }
0x135: {  	[tilespmem:s0+$0x13000] =	vst v0;
	s8 =	simm.s32 $0x0;
	s30 =	rddreg [dreg:$0x7];
	s31 =	simm.s32 $0x4000  }
0x136: {  	[tilespmem:s8], [sflag:$0x1] =	stream.strided.gather [hbm4b:s30+s14], $0x1000, s31, s14, $0x38;
	[tilespmem:$0x14080] =	vst v63  }
0x137: {  	s2 =	spop (v2sf)  }
0x138: {  	s23 =	spop (v2sf)  }
0x139: {  	[smem:$0x3] =	sst s8;
	s24 =	spop (v2sf)  }
0x13a: {  	[smem:$0x5] =	sst s8;
	s25 =	spop (v2sf)  }
0x13b: {  	[dreg:$0xb] =	wrdreg s2;
	s26 =	spop (v2sf)  }
0x13c: {  	[dreg:$0xc] =	wrdreg s23;
	s28 =	spop (v2sf)  }
0x13d: {  	[dreg:$0xd] =	wrdreg s24;
	s29 =	spop (v2sf)  }
.Ltmp35:
0x13e: {  	s11 =	spop (v2sf);
	(pc) =	sbr.rel .LBB2_68-.Ltmp35, $4  }
0x13f: {  	[dreg:$0xe] =	wrdreg s25;
	s13 =	spop (v2sf)  }
0x140: {  	[dreg:$0xf] =	wrdreg s26;
	s6 =	spop (v2sf)  }
0x141: {  	[dreg:$0x10] =	wrdreg s28;
	s10 =	spop (v2sf)  }
0x142: {  	[dreg:$0x11] =	wrdreg s29;
	s4 =	spop (v2sf)  }
.LBB2_118:
0x143: {  	s8 =	sadd.s32 $0x1, s8  }
0x144: {  	p0 =	sne.s32 s8, $0xC  }
.Ltmp36:
0x145: {  	_ = 	snop;
	(pc) =	sbr.rel @!p0 .LBB2_119-.Ltmp36, $1  }
0x146: {  	_ =	sdelay $0x3  }
.LBB2_68:
0x147: {  	s0 =	sshllo.u32 s8, $0x1  }
0x148: {  	s2 =	rddreg [dreg:$0x6];
	s7 =	sshll.u32 s0, $0x5  }
0x149: {  	s16 =	sadd.s32 s2, s7  }
0x14a: {  	s31 =	sshll.u32 s8, $0x1;
	s15 =	sshll.u32 s16, $0x8  }
0x14b: {  	s23 =	simm.s32 $0x4000;
	s24 =	simm.s32 $0x1000;
	s9 =	sadd.s32 s1, s15  }
0x14c: {  	[tilespmem:s24], [sflag:$0x2] =	stream.strided.gather [hbm4b:s9+s14], $0x1000, s23, s14, $0x38;
	[tilespmem:$0x14080] =	vst v63  }
0x14d: {  	s7 =	sand.u32 $0x6, s31;
	_ =	swait.ge [sflag:s17], $0x1000  }
0x14e: {  	p1 =	sgt.u32 s7, $0x4;
	s23 =	sshll.u32 s8, $0x6;
	[sflag:s17] =	ssyncset.done $0x0  }
0x14f: {  	s9 =	sadd.s32 s2, s23;
	s2 =	stileid.u32;
	[sflag:s17] =	ssyncadd.s32 $0xFFFFF000  }
0x150: {  	s24 =	sshll.u32 s9, $0x8;
	s23 =	sshll.u32 @p1 s2, $0x6;
	s2 =	rddreg [dreg:$0x3]  }
0x151: {  	s24 =	sadd.s32 s3, s24;
	s7 =	sor.u32 @p1 $0x1C04, s23;
	s23 =	sshrl.u32 @p1 s2, $0x3  }
0x152: {  	[hbm:s24], [sflag:s7] =	dma.local @p1 [spmem:s23], $0x2000  }
0x153: {  	s7 =	sld @p1 [smem:$0x5];
	_ =	sdelay $0x2  }
0x154: {  	s23 =	sadd.s32 @p1 $0x1, s7  }
0x155: {  	p0 =	slt.s32 @p1 s23, $0x4  }
0x156: {  	p0 =	por p0, !p1  }
0x157: {  	[smem:$0x5] =	sst @p1 s23;
	s23 =	simm.s32 @!p0 $0x4  }
0x158: {  	_ =	swait.ge @!p0 [sflag:s23], $0x2000  }
0x159: {  	[sflag:s23] =	ssyncset.done @!p0 $0x0  }
0x15a: {  	[sflag:s23] =	ssyncadd.s32 @!p0 $0xFFFFE000  }
0x15b: {  	[smem:$0x5] =	sst @!p0 s7  }
0x15c: {  	s7 =	sld @!p1 [smem:$0x3]  }
0x15d: {  	s25 =	simm.s32 @!p1 $0x2000;
	s23 =	simm.s32 @!p1 $0x0  }
0x15e: {  	[hbm4b:s24+s23] =	stream.linear.scatter @!p1 [tilespmem:s25], [sflag:$0x3], $0x10000, $0x38;
	[tilespmem:$0x14080] =	vst v63  }
0x15f: {  	s23 =	sadd.s32 @!p1 $0x1, s7  }
0x160: {  	p0 =	slt.s32 @!p1 s23, $0x4  }
0x161: {  	p0 =	por p0, p1  }
0x162: {  	[smem:$0x3] =	sst @!p1 s23;
	s23 =	simm.s32 @!p0 $0x3  }
0x163: {  	_ =	swait.ge @!p0 [sflag:s23], $0x10000  }
0x164: {  	[sflag:s23] =	ssyncset.done @!p0 $0x0  }
0x165: {  	s25 =	simm.s32 $0x0;
	[sflag:s23] =	ssyncadd.s32 @!p0 $0xFFFF0000  }
0x166: {  	v2 =	vld [tilespmem:s25+$0x0]  }
0x167: {  	v3 =	vld [tilespmem:s25+$0x10]  }
0x168: {  	v4 =	vld [tilespmem:s25+$0x20]  }
0x169: {  	v5 =	vld [tilespmem:s25+$0x30]  }
0x16a: {  	v6 =	vld [tilespmem:s25+$0x40]  }
0x16b: {  	v7 =	vld [tilespmem:s25+$0x50]  }
0x16c: {  	v2 =	vmax.f32 v2, v3;
	v3 =	vld [tilespmem:s25+$0x60]  }
0x16d: {  	v2 =	vmax.f32 v2, v4;
	v4 =	vld [tilespmem:s25+$0x70]  }
0x16e: {  	v2 =	vmax.f32 v2, v5  }
0x16f: {  	v2 =	vmax.f32 v2, v6  }
0x170: {  	v2 =	vmax.f32 v2, v7  }
0x171: {  	v2 =	vmax.f32 v2, v3  }
0x172: {  	v3 =	vmax.f32 v2, v4  }
0x173: {  	(v2sf) =	vpush v3, $0x2  }
0x174: {  	(v2sf) =	vpush v3, $0x0  }
0x175: {  	(v2sf) =	vpush v3, $0x1  }
0x176: {  	s26 =	simm.s32 $0x80  }
0x177: {  	v2 =	vld [tilespmem:s26+$0x0];
	(v2sf) =	vpush v3, $0x3  }
0x178: {  	s29 =	sshrl.u32 s9, $0xB;
	v4 =	vld [tilespmem:s26+$0x10];
	(v2sf) =	vpush v3, $0x4  }
0x179: {  	s24 =	smov.u32 s4;
	p1 =	seq.s32 s29, $0xA;
	v5 =	vld [tilespmem:s26+$0x20];
	(v2sf) =	vpush v3, $0x5  }
0x17a: {  	s24 =	smov.u32 @p1 s10;
	p1 =	seq.s32 s29, $0x9;
	v6 =	vld [tilespmem:s26+$0x30];
	(v2sf) =	vpush v3, $0x6  }
0x17b: {  	s24 =	smov.u32 @p1 s6;
	p1 =	seq.s32 s29, $0x8;
	v7 =	vld [tilespmem:s26+$0x40];
	(v2sf) =	vpush v3, $0x7  }
0x17c: {  	s24 =	smov.u32 @p1 s13;
	p1 =	seq.s32 s29, $0x7;
	v8 =	vld [tilespmem:s26+$0x50];
	(v2sf) =	vpush v3, $0x8  }
0x17d: {  	s2 =	rddreg [dreg:$0x11];
	s24 =	smov.u32 @p1 s11;
	p1 =	seq.s32 s29, $0x6;
	v2 =	vmax.f32 v2, v4;
	v4 =	vld [tilespmem:s26+$0x60];
	(v2sf) =	vpush v3, $0x9  }
0x17e: {  	s24 =	smov.u32 @p1 s2;
	p1 =	seq.s32 s29, $0x5;
	s2 =	rddreg [dreg:$0x10];
	v2 =	vmax.f32 v2, v5;
	v5 =	vld [tilespmem:s26+$0x70];
	(v2sf) =	vpush v3, $0xA  }
0x17f: {  	s24 =	smov.u32 @p1 s2;
	p1 =	seq.s32 s29, $0x4;
	s2 =	rddreg [dreg:$0xf];
	v2 =	vmax.f32 v2, v6;
	(v2sf) =	vpush v3, $0xB  }
0x180: {  	s24 =	smov.u32 @p1 s2;
	p1 =	seq.s32 s29, $0x3;
	s2 =	rddreg [dreg:$0xe];
	v2 =	vmax.f32 v2, v7;
	(v2sf) =	vpush v3, $0xC  }
0x181: {  	s24 =	smov.u32 @p1 s2;
	v2 =	vmax.f32 v2, v8;
	(v2sf) =	vpush v3, $0xD  }
0x182: {  	p1 =	seq.s32 s29, $0x2;
	s2 =	rddreg [dreg:$0xd];
	v2 =	vmax.f32 v2, v4;
	(v2sf) =	vpush v3, $0xE;
	s30 =	spop (v2sf)  }
0x183: {  	[smem:$0x3] =	sst @!p0 s7;
	s24 =	smov.u32 @p1 s2;
	v2 =	vmax.f32 v2, v5;
	(v2sf) =	vpush v3, $0xF;
	s31 =	spop (v2sf)  }
0x184: {  	p1 =	seq.s32 s29, $0x1;
	s2 =	rddreg [dreg:$0xc];
	(v2sf) =	vpush v2, $0x2;
	s26 =	spop (v2sf)  }
0x185: {  	s24 =	smov.u32 @p1 s2;
	s2 =	rddreg [dreg:$0xb];
	(v2sf) =	vpush v2, $0x0;
	s25 =	smax.f32 s31, s26  }
0x186: {  	p1 =	seq.s32 s29, $0x0;
	s26 =	spop (v2sf);
	(v2sf) =	vpush v2, $0x1;
	s7 =	smax.f32 s25, s30  }
0x187: {  	s25 =	simm.s32 $0x100;
	s29 =	spop (v2sf);
	s7 =	smax.f32 s7, s26  }
0x188: {  	s23 =	simm.s32 $0x600;
	(v2sf) =	vpush v2, $0x3;
	v3 =	vld [tilespmem:s25+$0x0];
	s30 =	spop (v2sf);
	s7 =	smax.f32 s7, s29  }
0x189: {  	s24 =	smov.u32 @p1 s2;
	v4 =	vld [tilespmem:s25+$0x10];
	(v2sf) =	vpush v2, $0x4;
	s31 =	spop (v2sf);
	s7 =	smax.f32 s7, s30  }
0x18a: {  	v5 =	vld [tilespmem:s25+$0x20];
	(v2sf) =	vpush v2, $0x5;
	s28 =	spop (v2sf);
	s26 =	smax.f32 s7, s31;
	s7 =	simm.s32 $0x0  }
.LBB2_69:
0x18b: {  	p0 =	sne.s32 s23, $0x3E00;
	v6 =	vld [tilespmem:s25+$0x30];
	(v2sf) =	vpush v2, $0x6;
	s26 =	smax.f32 s26, s28;
	s28 =	spop (v2sf)  }
0x18c: {  	v7 =	vld [tilespmem:s25+$0x40];
	(v2sf) =	vpush v2, $0x7;
	s26 =	smax.f32 s26, s28;
	s28 =	spop (v2sf)  }
0x18d: {  	v8 =	vld [tilespmem:s25+$0x50];
	(v2sf) =	vpush v2, $0x8;
	s26 =	smax.f32 s26, s28;
	s28 =	spop (v2sf)  }
0x18e: {  	v3 =	vmax.f32 v3, v4;
	v4 =	vld [tilespmem:s25+$0x60];
	(v2sf) =	vpush v2, $0x9;
	s26 =	smax.f32 s26, s28;
	s28 =	spop (v2sf)  }
0x18f: {  	v3 =	vmax.f32 v3, v5;
	v5 =	vld [tilespmem:s25+$0x70];
	(v2sf) =	vpush v2, $0xA;
	s25 =	smax.f32 s26, s28;
	s26 =	spop (v2sf)  }
0x190: {  	v3 =	vmax.f32 v3, v6;
	(v2sf) =	vpush v2, $0xB;
	s25 =	smax.f32 s25, s26;
	s26 =	spop (v2sf)  }
0x191: {  	v3 =	vmax.f32 v3, v7;
	(v2sf) =	vpush v2, $0xC;
	s25 =	smax.f32 s25, s26;
	s26 =	spop (v2sf)  }
0x192: {  	v3 =	vmax.f32 v3, v8;
	(v2sf) =	vpush v2, $0xD;
	s25 =	smax.f32 s25, s26;
	s26 =	spop (v2sf)  }
0x193: {  	v3 =	vmax.f32 v3, v4;
	s28 =	spop (v2sf);
	(v2sf) =	vpush v2, $0xE;
	s25 =	smax.f32 s25, s26  }
0x194: {  	s26 =	spop (v2sf);
	(v2sf) =	vpush v2, $0xF;
	v2 =	vmax.f32 v3, v5;
	p1 =	sle.f32 s25, s24  }
0x195: {  	s25 =	spop (v2sf)  }
0x196: {  	(v2sf) =	vpush v2, $0x2;
	s25 =	smax.f32 s26, s25;
	s26 =	simm.s32 $0x1  }
0x197: {  	(v2sf) =	vpush v2, $0x0;
	s26 =	simm.s32 @!p1 $0x0;
	s28 =	smax.f32 s25, s28  }
.Ltmp37:
0x198: {  	(v2sf) =	vpush v2, $0x1;
	s29 =	spop (v2sf);
	s7 =	sadd.s32 s26, s7;
	(pc) =	sbr.rel @p0 .LBB2_69-.Ltmp37, $4  }
0x199: {  	s25 =	sshra.s32 s23, $0x2;
	s26 =	smax.f32 s28, s29;
	s28 =	spop (v2sf)  }
0x19a: {  	v3 =	vld [tilespmem:s25+$0x0];
	(v2sf) =	vpush v2, $0x3;
	s26 =	smax.f32 s26, s28;
	s28 =	spop (v2sf)  }
0x19b: {  	v4 =	vld [tilespmem:s25+$0x10];
	(v2sf) =	vpush v2, $0x4;
	s26 =	smax.f32 s26, s28;
	s28 =	spop (v2sf)  }
0x19c: {  	s23 =	sadd.s32 $0x200, s23;
	v5 =	vld [tilespmem:s25+$0x20];
	(v2sf) =	vpush v2, $0x5;
	s26 =	smax.f32 s26, s28;
	s28 =	spop (v2sf)  }
0x19d: {  	v6 =	vld [tilespmem:s25+$0x30];
	(v2sf) =	vpush v2, $0x6  }
0x19e: {  	s23 =	spop (v2sf);
	v7 =	vld [tilespmem:s25+$0x40];
	(v2sf) =	vpush v2, $0x7  }
0x19f: {  	v8 =	vld [tilespmem:s25+$0x50];
	s29 =	spop (v2sf);
	(v2sf) =	vpush v2, $0x8  }
0x1a0: {  	v62 =	vld [tilespmem:s25+$0x60];
	s30 =	spop (v2sf);
	v3 =	vmax.f32 v3, v4;
	(v2sf) =	vpush v2, $0x9  }
0x1a1: {  	s26 =	smax.f32 s26, s28;
	v63 =	vld [tilespmem:s25+$0x70];
	s25 =	spop (v2sf);
	v3 =	vmax.f32 v3, v5;
	(v2sf) =	vpush v2, $0xA  }
0x1a2: {  	s23 =	smax.f32 s26, s23;
	s26 =	spop (v2sf);
	v3 =	vmax.f32 v3, v6;
	(v2sf) =	vpush v2, $0xB  }
0x1a3: {  	s23 =	smax.f32 s23, s29;
	s31 =	spop (v2sf);
	v3 =	vmax.f32 v3, v7;
	(v2sf) =	vpush v2, $0xC  }
0x1a4: {  	s23 =	smax.f32 s23, s30;
	s2 =	spop (v2sf);
	v3 =	vmax.f32 v3, v8;
	(v2sf) =	vpush v2, $0xD  }
0x1a5: {  	s23 =	smax.f32 s23, s25;
	s30 =	spop (v2sf);
	v3 =	vmax.f32 v3, v62;
	(v2sf) =	vpush v2, $0xE  }
0x1a6: {  	s23 =	smax.f32 s23, s26;
	s26 =	spop (v2sf);
	v3 =	vmax.f32 v3, v63;
	(v2sf) =	vpush v2, $0xF  }
0x1a7: {  	s23 =	smax.f32 s23, s31;
	s31 =	spop (v2sf);
	(v2sf) =	vpush v3, $0x2  }
0x1a8: {  	s23 =	smax.f32 s23, s2;
	s2 =	spop (v2sf);
	(v2sf) =	vpush v3, $0x0  }
0x1a9: {  	s23 =	smax.f32 s23, s30;
	(v2sf) =	vpush v3, $0x1;
	s25 =	spop (v2sf)  }
0x1aa: {  	p0 =	sle.f32 s23, s24;
	s30 =	spop (v2sf)  }
0x1ab: {  	s28 =	smax.f32 s31, s2;
	(v2sf) =	vpush v3, $0x3;
	s31 =	spop (v2sf)  }
0x1ac: {  	s26 =	smax.f32 s28, s26;
	(v2sf) =	vpush v3, $0x4;
	s2 =	spop (v2sf)  }
0x1ad: {  	s25 =	smax.f32 s26, s25;
	(v2sf) =	vpush v3, $0x5;
	s26 =	spop (v2sf)  }
0x1ae: {  	s23 =	smax.f32 s25, s30;
	(v2sf) =	vpush v3, $0x6;
	s30 =	spop (v2sf)  }
0x1af: {  	s23 =	smax.f32 s23, s31;
	(v2sf) =	vpush v3, $0x7;
	s31 =	spop (v2sf)  }
0x1b0: {  	s23 =	smax.f32 s23, s2;
	(v2sf) =	vpush v3, $0x8;
	s2 =	spop (v2sf)  }
0x1b1: {  	s23 =	smax.f32 s23, s26;
	(v2sf) =	vpush v3, $0x9;
	s26 =	spop (v2sf)  }
0x1b2: {  	s23 =	smax.f32 s23, s30;
	(v2sf) =	vpush v3, $0xA;
	s30 =	spop (v2sf)  }
0x1b3: {  	s23 =	smax.f32 s23, s31;
	(v2sf) =	vpush v3, $0xB;
	s31 =	spop (v2sf)  }
0x1b4: {  	s23 =	smax.f32 s23, s2;
	(v2sf) =	vpush v3, $0xC;
	s2 =	spop (v2sf)  }
0x1b5: {  	s23 =	smax.f32 s23, s26;
	(v2sf) =	vpush v3, $0xD;
	s26 =	spop (v2sf)  }
0x1b6: {  	s23 =	smax.f32 s23, s30;
	s30 =	spop (v2sf);
	(v2sf) =	vpush v3, $0xE  }
0x1b7: {  	s23 =	smax.f32 s23, s31;
	s31 =	spop (v2sf);
	(v2sf) =	vpush v3, $0xF  }
0x1b8: {  	s23 =	smax.f32 s23, s2;
	s2 =	spop (v2sf)  }
0x1b9: {  	s23 =	smax.f32 s23, s26;
	s28 =	smax.f32 s31, s2  }
0x1ba: {  	s29 =	spop (v2sf);
	s25 =	smax.f32 s28, s30  }
0x1bb: {  	s30 =	spop (v2sf);
	s25 =	smax.f32 s25, s29  }
0x1bc: {  	s31 =	spop (v2sf);
	s25 =	smax.f32 s25, s30  }
0x1bd: {  	s2 =	spop (v2sf);
	s25 =	smax.f32 s25, s31  }
0x1be: {  	s28 =	spop (v2sf);
	s25 =	smax.f32 s25, s2  }
0x1bf: {  	s29 =	spop (v2sf);
	s25 =	smax.f32 s25, s28  }
0x1c0: {  	s30 =	spop (v2sf);
	s25 =	smax.f32 s25, s29  }
0x1c1: {  	s31 =	spop (v2sf);
	s25 =	smax.f32 s25, s30  }
0x1c2: {  	s2 =	spop (v2sf);
	s25 =	smax.f32 s25, s31  }
0x1c3: {  	s28 =	spop (v2sf);
	s25 =	smax.f32 s25, s2  }
0x1c4: {  	s29 =	spop (v2sf);
	s25 =	smax.f32 s25, s28  }
0x1c5: {  	s25 =	smax.f32 s25, s29;
	s30 =	spop (v2sf)  }
0x1c6: {  	s25 =	smax.f32 s25, s30;
	s31 =	spop (v2sf)  }
0x1c7: {  	p1 =	sle.f32 s23, s24;
	s23 =	simm.s32 $0x1;
	s25 =	smax.f32 s25, s31  }
0x1c8: {  	s26 =	simm.s32 $0x1;
	s23 =	simm.s32 @!p0 $0x0;
	p0 =	sle.f32 s25, s24  }
0x1c9: {  	s26 =	simm.s32 @!p1 $0x0;
	s7 =	sadd.s32 s23, s7;
	s23 =	simm.s32 $0x1  }
0x1ca: {  	s7 =	sadd.s32 s26, s7;
	s23 =	simm.s32 @!p0 $0x0  }
0x1cb: {  	s7 =	sadd.s32 s23, s7  }
0x1cc: {  	p0 =	slt.s32 s7, $0x1  }
.Ltmp38:
0x1cd: {  	_ = 	snop;
	(pc) =	sbr.rel @!p0 .LBB2_71-.Ltmp38, $2  }
0x1ce: {  	_ =	sdelay $0x2  }
0x1cf: {  	s23 =	simm.s32 $0x0  }
.LBB2_93:
0x1d0: {  	p0 =	seq.s32 s8, $0xB  }
0x1d1: {  	s7 =	rddreg [dreg:$0x8];
	s2 =	sshll.u32 @!p0 s8, $0x11  }
0x1d2: {  	s2 =	sadd.s32 @!p0 s2, s7  }
0x1d3: {  	s28 =	simm.s32 $0x2;
	s9 =	simm.s32 @!p0 $0x4000;
	s2 =	sshrl.u32 @!p0 s2, $0x3  }
0x1d4: {  	s23 =	simm.s32 @!p0 $0x0;
	s7 =	simm.s32 @!p0 $0x400;
	s2 =	sadd.s32 @!p0 s1, s2  }
0x1d5: {  	[tilespmem:s23], [sflag:$0x1] =	stream.strided.gather @!p0 [hbm4b:s2+s7], $0x1000, s9, s7, $0x38;
	[tilespmem:$0x14080] =	vst v63  }
0x1d6: {  	_ =	swait.ge [sflag:s28], $0x1000  }
0x1d7: {  	s0 =	sand.u32 $0x7, s0;
	[sflag:s28] =	ssyncset.done $0x0  }
0x1d8: {  	p1 =	sgt.u32 s0, $0x4;
	s0 =	stileid.u32;
	[sflag:s28] =	ssyncadd.s32 $0xFFFFF000  }
0x1d9: {  	s0 =	sshll.u32 @p1 s0, $0x6;
	s7 =	rddreg [dreg:$0x3]  }
0x1da: {  	s0 =	sor.u32 @p1 $0x1C04, s0;
	s2 =	sadd.s32 s3, s15;
	s7 =	sshrl.u32 @p1 s7, $0x3  }
0x1db: {  	[hbm:s2], [sflag:s0] =	dma.local @p1 [spmem:s7], $0x2000  }
0x1dc: {  	s0 =	sld @p1 [smem:$0x5];
	_ =	sdelay $0x2  }
0x1dd: {  	s7 =	sadd.s32 @p1 $0x1, s0  }
0x1de: {  	p0 =	slt.s32 @p1 s7, $0x4  }
0x1df: {  	p0 =	por p0, !p1  }
0x1e0: {  	[smem:$0x5] =	sst @p1 s7;
	s7 =	simm.s32 @!p0 $0x4  }
0x1e1: {  	_ =	swait.ge @!p0 [sflag:s7], $0x2000  }
0x1e2: {  	[sflag:s7] =	ssyncset.done @!p0 $0x0  }
0x1e3: {  	[sflag:s7] =	ssyncadd.s32 @!p0 $0xFFFFE000  }
0x1e4: {  	[smem:$0x5] =	sst @!p0 s0  }
0x1e5: {  	s7 =	sld @!p1 [smem:$0x3]  }
0x1e6: {  	s9 =	simm.s32 @!p1 $0x2000;
	s0 =	simm.s32 @!p1 $0x0  }
0x1e7: {  	[hbm4b:s2+s0] =	stream.linear.scatter @!p1 [tilespmem:s9], [sflag:$0x3], $0x10000, $0x38;
	[tilespmem:$0x14080] =	vst v63  }
0x1e8: {  	s0 =	sadd.s32 @!p1 $0x1, s7  }
0x1e9: {  	p0 =	slt.s32 @!p1 s0, $0x4  }
0x1ea: {  	p0 =	por p0, p1  }
0x1eb: {  	[smem:$0x3] =	sst @!p1 s0;
	s0 =	simm.s32 @!p0 $0x3  }
0x1ec: {  	_ =	swait.ge @!p0 [sflag:s0], $0x10000  }
0x1ed: {  	[sflag:s0] =	ssyncset.done @!p0 $0x0  }
0x1ee: {  	s29 =	simm.s32 $0x0;
	[sflag:s0] =	ssyncadd.s32 @!p0 $0xFFFF0000  }
0x1ef: {  	v2 =	vld [tilespmem:s29+$0x1000]  }
0x1f0: {  	v3 =	vld [tilespmem:s29+$0x1010]  }
0x1f1: {  	v4 =	vld [tilespmem:s29+$0x1020]  }
0x1f2: {  	v5 =	vld [tilespmem:s29+$0x1030]  }
0x1f3: {  	v6 =	vld [tilespmem:s29+$0x1040]  }
0x1f4: {  	v7 =	vld [tilespmem:s29+$0x1050]  }
0x1f5: {  	v2 =	vmax.f32 v2, v3;
	v3 =	vld [tilespmem:s29+$0x1060]  }
0x1f6: {  	v2 =	vmax.f32 v2, v4;
	v4 =	vld [tilespmem:s29+$0x1070]  }
0x1f7: {  	v2 =	vmax.f32 v2, v5  }
0x1f8: {  	v2 =	vmax.f32 v2, v6  }
0x1f9: {  	v2 =	vmax.f32 v2, v7  }
0x1fa: {  	v2 =	vmax.f32 v2, v3  }
0x1fb: {  	v3 =	vmax.f32 v2, v4  }
0x1fc: {  	(v2sf) =	vpush v3, $0x2  }
0x1fd: {  	(v2sf) =	vpush v3, $0x0  }
0x1fe: {  	(v2sf) =	vpush v3, $0x1  }
0x1ff: {  	s30 =	simm.s32 $0x80  }
0x200: {  	v2 =	vld [tilespmem:s30+$0x1000];
	(v2sf) =	vpush v3, $0x3  }
0x201: {  	s31 =	sshrl.u32 s16, $0xB;
	v4 =	vld [tilespmem:s30+$0x1010];
	(v2sf) =	vpush v3, $0x4  }
0x202: {  	p1 =	seq.s32 s31, $0xA;
	s0 =	smov.u32 s4;
	v5 =	vld [tilespmem:s30+$0x1020];
	(v2sf) =	vpush v3, $0x5  }
0x203: {  	s0 =	smov.u32 @p1 s10;
	p1 =	seq.s32 s31, $0x9;
	v6 =	vld [tilespmem:s30+$0x1030];
	(v2sf) =	vpush v3, $0x6  }
0x204: {  	s0 =	smov.u32 @p1 s6;
	p1 =	seq.s32 s31, $0x8;
	v7 =	vld [tilespmem:s30+$0x1040];
	(v2sf) =	vpush v3, $0x7  }
0x205: {  	v8 =	vld [tilespmem:s30+$0x1050];
	s0 =	smov.u32 @p1 s13;
	p1 =	seq.s32 s31, $0x7;
	(v2sf) =	vpush v3, $0x8  }
0x206: {  	s15 =	rddreg [dreg:$0x11];
	s0 =	smov.u32 @p1 s11;
	p1 =	seq.s32 s31, $0x6;
	v2 =	vmax.f32 v2, v4;
	v4 =	vld [tilespmem:s30+$0x1060];
	(v2sf) =	vpush v3, $0x9  }
0x207: {  	s0 =	smov.u32 @p1 s15;
	p1 =	seq.s32 s31, $0x5;
	s15 =	rddreg [dreg:$0x10];
	v2 =	vmax.f32 v2, v5;
	v5 =	vld [tilespmem:s30+$0x1070];
	(v2sf) =	vpush v3, $0xA  }
0x208: {  	s2 =	rddreg [dreg:$0xf];
	s0 =	smov.u32 @p1 s15;
	p1 =	seq.s32 s31, $0x4;
	v2 =	vmax.f32 v2, v6;
	(v2sf) =	vpush v3, $0xB  }
0x209: {  	s0 =	smov.u32 @p1 s2;
	p1 =	seq.s32 s31, $0x3;
	s2 =	rddreg [dreg:$0xe];
	v2 =	vmax.f32 v2, v7;
	(v2sf) =	vpush v3, $0xC  }
0x20a: {  	s15 =	rddreg [dreg:$0xc];
	s0 =	smov.u32 @p1 s2;
	v2 =	vmax.f32 v2, v8;
	(v2sf) =	vpush v3, $0xD  }
0x20b: {  	p1 =	seq.s32 s31, $0x2;
	s2 =	rddreg [dreg:$0xd];
	v2 =	vmax.f32 v2, v4;
	(v2sf) =	vpush v3, $0xE;
	s23 =	spop (v2sf)  }
0x20c: {  	s0 =	smov.u32 @p1 s2;
	p1 =	seq.s32 s31, $0x1;
	v2 =	vmax.f32 v2, v5;
	(v2sf) =	vpush v3, $0xF;
	s24 =	spop (v2sf)  }
0x20d: {  	[smem:$0x3] =	sst @!p0 s7;
	s0 =	smov.u32 @p1 s15;
	(v2sf) =	vpush v2, $0x2;
	s25 =	spop (v2sf)  }
0x20e: {  	p1 =	seq.s32 s31, $0x0;
	s15 =	rddreg [dreg:$0xb];
	(v2sf) =	vpush v2, $0x0;
	s26 =	smax.f32 s24, s25  }
0x20f: {  	s0 =	smov.u32 @p1 s15;
	s28 =	spop (v2sf);
	(v2sf) =	vpush v2, $0x1;
	s2 =	smax.f32 s26, s23  }
0x210: {  	s15 =	simm.s32 $0x100;
	s29 =	spop (v2sf);
	s2 =	smax.f32 s2, s28  }
0x211: {  	v5 =	vld [tilespmem:s15+$0x1010];
	(v2sf) =	vpush v2, $0x3;
	s30 =	spop (v2sf);
	s2 =	smax.f32 s2, s29  }
0x212: {  	s9 =	simm.s32 $0x600;
	v3 =	vld [tilespmem:s15+$0x1000];
	(v2sf) =	vpush v2, $0x4;
	s31 =	spop (v2sf);
	s2 =	smax.f32 s2, s30  }
0x213: {  	s7 =	simm.s32 $0x0;
	v4 =	vld [tilespmem:s15+$0x1020];
	(v2sf) =	vpush v2, $0x5;
	s24 =	spop (v2sf);
	s23 =	smax.f32 s2, s31  }
.LBB2_94:
0x214: {  	p0 =	sne.s32 s9, $0x3E00;
	v6 =	vld [tilespmem:s15+$0x1030];
	(v2sf) =	vpush v2, $0x6;
	s2 =	smax.f32 s23, s24;
	s23 =	spop (v2sf)  }
0x215: {  	v7 =	vld [tilespmem:s15+$0x1040];
	(v2sf) =	vpush v2, $0x7;
	s2 =	smax.f32 s2, s23;
	s23 =	spop (v2sf)  }
0x216: {  	v8 =	vld [tilespmem:s15+$0x1050];
	(v2sf) =	vpush v2, $0x8;
	s2 =	smax.f32 s2, s23;
	s23 =	spop (v2sf)  }
0x217: {  	v3 =	vmax.f32 v3, v5;
	v5 =	vld [tilespmem:s15+$0x1060];
	(v2sf) =	vpush v2, $0x9;
	s2 =	smax.f32 s2, s23;
	s23 =	spop (v2sf)  }
0x218: {  	v3 =	vmax.f32 v3, v4;
	v4 =	vld [tilespmem:s15+$0x1070];
	(v2sf) =	vpush v2, $0xA;
	s2 =	smax.f32 s2, s23;
	s15 =	spop (v2sf)  }
0x219: {  	v3 =	vmax.f32 v3, v6;
	(v2sf) =	vpush v2, $0xB;
	s2 =	smax.f32 s2, s15;
	s15 =	spop (v2sf)  }
0x21a: {  	v3 =	vmax.f32 v3, v7;
	(v2sf) =	vpush v2, $0xC;
	s2 =	smax.f32 s2, s15;
	s15 =	spop (v2sf)  }
0x21b: {  	v3 =	vmax.f32 v3, v8;
	(v2sf) =	vpush v2, $0xD;
	s2 =	smax.f32 s2, s15;
	s15 =	spop (v2sf)  }
0x21c: {  	v3 =	vmax.f32 v3, v5;
	s23 =	spop (v2sf);
	(v2sf) =	vpush v2, $0xE;
	s2 =	smax.f32 s2, s15  }
0x21d: {  	s15 =	spop (v2sf);
	(v2sf) =	vpush v2, $0xF;
	v2 =	vmax.f32 v3, v4;
	p1 =	sle.f32 s2, s0  }
0x21e: {  	s2 =	spop (v2sf)  }
0x21f: {  	(v2sf) =	vpush v2, $0x2;
	s2 =	smax.f32 s15, s2;
	s15 =	simm.s32 $0x1  }
0x220: {  	(v2sf) =	vpush v2, $0x0;
	s15 =	simm.s32 @!p1 $0x0;
	s2 =	smax.f32 s2, s23  }
.Ltmp39:
0x221: {  	(v2sf) =	vpush v2, $0x1;
	s23 =	spop (v2sf);
	s7 =	sadd.s32 s15, s7;
	(pc) =	sbr.rel @p0 .LBB2_94-.Ltmp39, $4  }
0x222: {  	s15 =	sshra.s32 s9, $0x2;
	s2 =	smax.f32 s2, s23;
	s23 =	spop (v2sf)  }
0x223: {  	v3 =	vld [tilespmem:s15+$0x1000];
	(v2sf) =	vpush v2, $0x3;
	s2 =	smax.f32 s2, s23;
	s23 =	spop (v2sf)  }
0x224: {  	v5 =	vld [tilespmem:s15+$0x1010];
	(v2sf) =	vpush v2, $0x4;
	s2 =	smax.f32 s2, s23;
	s23 =	spop (v2sf)  }
0x225: {  	s9 =	sadd.s32 $0x200, s9;
	v4 =	vld [tilespmem:s15+$0x1020];
	(v2sf) =	vpush v2, $0x5;
	s23 =	smax.f32 s2, s23;
	s24 =	spop (v2sf)  }
0x226: {  	v6 =	vld [tilespmem:s15+$0x1030];
	(v2sf) =	vpush v2, $0x6  }
0x227: {  	s2 =	spop (v2sf);
	v7 =	vld [tilespmem:s15+$0x1040];
	(v2sf) =	vpush v2, $0x7  }
0x228: {  	v8 =	vld [tilespmem:s15+$0x1050];
	s9 =	spop (v2sf);
	(v2sf) =	vpush v2, $0x8  }
0x229: {  	v62 =	vld [tilespmem:s15+$0x1060];
	s25 =	spop (v2sf);
	v3 =	vmax.f32 v3, v5;
	(v2sf) =	vpush v2, $0x9  }
0x22a: {  	s23 =	smax.f32 s23, s24;
	v63 =	vld [tilespmem:s15+$0x1070];
	s24 =	spop (v2sf);
	v3 =	vmax.f32 v3, v4;
	(v2sf) =	vpush v2, $0xA  }
0x22b: {  	s2 =	smax.f32 s23, s2;
	s26 =	spop (v2sf);
	v3 =	vmax.f32 v3, v6;
	(v2sf) =	vpush v2, $0xB  }
0x22c: {  	s2 =	smax.f32 s2, s9;
	s28 =	spop (v2sf);
	v3 =	vmax.f32 v3, v7;
	(v2sf) =	vpush v2, $0xC  }
0x22d: {  	s2 =	smax.f32 s2, s25;
	s29 =	spop (v2sf);
	v3 =	vmax.f32 v3, v8;
	(v2sf) =	vpush v2, $0xD  }
0x22e: {  	s2 =	smax.f32 s2, s24;
	s30 =	spop (v2sf);
	v3 =	vmax.f32 v3, v62;
	(v2sf) =	vpush v2, $0xE  }
0x22f: {  	s2 =	smax.f32 s2, s26;
	s31 =	spop (v2sf);
	v3 =	vmax.f32 v3, v63;
	(v2sf) =	vpush v2, $0xF  }
0x230: {  	s2 =	smax.f32 s2, s28;
	s25 =	spop (v2sf);
	(v2sf) =	vpush v3, $0x2  }
0x231: {  	s2 =	smax.f32 s2, s29;
	s26 =	spop (v2sf);
	(v2sf) =	vpush v3, $0x0  }
0x232: {  	s2 =	smax.f32 s2, s30;
	(v2sf) =	vpush v3, $0x1;
	s28 =	spop (v2sf)  }
0x233: {  	p0 =	sle.f32 s2, s0;
	s29 =	spop (v2sf)  }
0x234: {  	s9 =	smax.f32 s25, s26;
	(v2sf) =	vpush v3, $0x3;
	s30 =	spop (v2sf)  }
0x235: {  	s9 =	smax.f32 s9, s31;
	(v2sf) =	vpush v3, $0x4;
	s31 =	spop (v2sf)  }
0x236: {  	s9 =	smax.f32 s9, s28;
	(v2sf) =	vpush v3, $0x5;
	s25 =	spop (v2sf)  }
0x237: {  	s2 =	smax.f32 s9, s29;
	(v2sf) =	vpush v3, $0x6;
	s26 =	spop (v2sf)  }
0x238: {  	s2 =	smax.f32 s2, s30;
	(v2sf) =	vpush v3, $0x7;
	s28 =	spop (v2sf)  }
0x239: {  	s2 =	smax.f32 s2, s31;
	(v2sf) =	vpush v3, $0x8;
	s29 =	spop (v2sf)  }
0x23a: {  	s2 =	smax.f32 s2, s25;
	(v2sf) =	vpush v3, $0x9;
	s30 =	spop (v2sf)  }
0x23b: {  	s2 =	smax.f32 s2, s26;
	(v2sf) =	vpush v3, $0xA;
	s31 =	spop (v2sf)  }
0x23c: {  	s2 =	smax.f32 s2, s28;
	(v2sf) =	vpush v3, $0xB;
	s25 =	spop (v2sf)  }
0x23d: {  	s2 =	smax.f32 s2, s29;
	(v2sf) =	vpush v3, $0xC;
	s26 =	spop (v2sf)  }
0x23e: {  	s2 =	smax.f32 s2, s30;
	(v2sf) =	vpush v3, $0xD;
	s28 =	spop (v2sf)  }
0x23f: {  	s2 =	smax.f32 s2, s31;
	s29 =	spop (v2sf);
	(v2sf) =	vpush v3, $0xE  }
0x240: {  	s2 =	smax.f32 s2, s25;
	s30 =	spop (v2sf);
	(v2sf) =	vpush v3, $0xF  }
0x241: {  	s2 =	smax.f32 s2, s26;
	s31 =	spop (v2sf)  }
0x242: {  	s2 =	smax.f32 s2, s28;
	s25 =	smax.f32 s30, s31  }
0x243: {  	s26 =	spop (v2sf);
	s9 =	smax.f32 s25, s29  }
0x244: {  	s28 =	spop (v2sf);
	s9 =	smax.f32 s9, s26  }
0x245: {  	s29 =	spop (v2sf);
	s9 =	smax.f32 s9, s28  }
0x246: {  	s30 =	spop (v2sf);
	s9 =	smax.f32 s9, s29  }
0x247: {  	s31 =	spop (v2sf);
	s9 =	smax.f32 s9, s30  }
0x248: {  	s23 =	spop (v2sf);
	s9 =	smax.f32 s9, s31  }
0x249: {  	s24 =	spop (v2sf);
	s9 =	smax.f32 s9, s23  }
0x24a: {  	s25 =	spop (v2sf);
	s9 =	smax.f32 s9, s24  }
0x24b: {  	s26 =	spop (v2sf);
	s9 =	smax.f32 s9, s25  }
0x24c: {  	s28 =	spop (v2sf);
	s9 =	smax.f32 s9, s26  }
0x24d: {  	s29 =	spop (v2sf);
	s9 =	smax.f32 s9, s28  }
0x24e: {  	s9 =	smax.f32 s9, s29;
	s30 =	spop (v2sf)  }
0x24f: {  	s9 =	smax.f32 s9, s30;
	s31 =	spop (v2sf)  }
0x250: {  	p1 =	sle.f32 s2, s0;
	s2 =	simm.s32 $0x1;
	s9 =	smax.f32 s9, s31  }
0x251: {  	s15 =	simm.s32 $0x1;
	s2 =	simm.s32 @!p0 $0x0;
	p0 =	sle.f32 s9, s0  }
0x252: {  	s15 =	simm.s32 @!p1 $0x0;
	s2 =	sadd.s32 s2, s7;
	s7 =	simm.s32 $0x1  }
0x253: {  	s2 =	sadd.s32 s15, s2;
	s7 =	simm.s32 @!p0 $0x0  }
0x254: {  	s2 =	sadd.s32 s7, s2  }
0x255: {  	p0 =	slt.s32 s2, $0x1  }
.Ltmp40:
0x256: {  	_ = 	snop;
	(pc) =	sbr.rel @!p0 .LBB2_96-.Ltmp40, $4  }
.Ltmp41:
0x257: {  	_ = 	snop;
	(pc) =	sbr.rel @p0 .LBB2_118-.Ltmp41, $4  }
0x258: {  	_ = 	snop  }
0x259: {  	_ = 	snop  }
0x25a: {  	s9 =	simm.s32 $0x0  }
0x25b: {  	_ = 	snop  }
.LBB2_91:
0x25c: {  	[tilespmem:s25+$0x13000] =	vst v0  }
.LBB2_92:
0x25d: {  	s23 =	sadd.s32 $0x1, s23  }
0x25e: {  	p0 =	sne.s32 s23, $0x20  }
.Ltmp42:
0x25f: {  	_ = 	snop;
	(pc) =	sbr.rel @!p0 .LBB2_93-.Ltmp42, $1  }
0x260: {  	_ =	sdelay $0x3  }
.LBB2_71:
0x261: {  	s7 =	sshll.u32 s23, $0x7  }
0x262: {  	s7 =	sand.u32 $0x3FFFFF80, s7  }
0x263: {  	v2 =	vld [tilespmem:s7+$0x0]  }
0x264: {  	v3 =	vld [tilespmem:s7+$0x10]  }
0x265: {  	v4 =	vld [tilespmem:s7+$0x20]  }
0x266: {  	v5 =	vld [tilespmem:s7+$0x30]  }
0x267: {  	v6 =	vld [tilespmem:s7+$0x40]  }
0x268: {  	v7 =	vld [tilespmem:s7+$0x50]  }
0x269: {  	v2 =	vmax.f32 v2, v3;
	v3 =	vld [tilespmem:s7+$0x60]  }
0x26a: {  	v63 =	vld [tilespmem:s7+$0x70];
	v2 =	vmax.f32 v2, v4  }
0x26b: {  	v2 =	vmax.f32 v2, v5  }
0x26c: {  	v2 =	vmax.f32 v2, v6  }
0x26d: {  	v2 =	vmax.f32 v2, v7  }
0x26e: {  	v2 =	vmax.f32 v2, v3  }
0x26f: {  	v2 =	vmax.f32 v2, v63  }
0x270: {  	(v2sf) =	vpush v2, $0x0  }
0x271: {  	(v2sf) =	vpush v2, $0x1  }
0x272: {  	(v2sf) =	vpush v2, $0x2  }
0x273: {  	(v2sf) =	vpush v2, $0x3  }
0x274: {  	(v2sf) =	vpush v2, $0x4  }
0x275: {  	(v2sf) =	vpush v2, $0x5  }
0x276: {  	(v2sf) =	vpush v2, $0x6  }
0x277: {  	(v2sf) =	vpush v2, $0x7  }
0x278: {  	(v2sf) =	vpush v2, $0x8  }
0x279: {  	(v2sf) =	vpush v2, $0x9  }
0x27a: {  	(v2sf) =	vpush v2, $0xA  }
0x27b: {  	(v2sf) =	vpush v2, $0xB  }
0x27c: {  	(v2sf) =	vpush v2, $0xC  }
0x27d: {  	(v2sf) =	vpush v2, $0xD  }
0x27e: {  	(v2sf) =	vpush v2, $0xE  }
0x27f: {  	s29 =	spop (v2sf);
	(v2sf) =	vpush v2, $0xF  }
0x280: {  	s25 =	spop (v2sf)  }
0x281: {  	s7 =	smax.f32 s29, s25;
	s30 =	spop (v2sf)  }
0x282: {  	s7 =	smax.f32 s7, s30;
	s31 =	spop (v2sf)  }
0x283: {  	s7 =	smax.f32 s7, s31;
	s2 =	spop (v2sf)  }
0x284: {  	s7 =	smax.f32 s7, s2;
	s26 =	spop (v2sf)  }
0x285: {  	s7 =	smax.f32 s7, s26;
	s28 =	spop (v2sf)  }
0x286: {  	s7 =	smax.f32 s7, s28;
	s29 =	spop (v2sf)  }
0x287: {  	s7 =	smax.f32 s7, s29;
	s30 =	spop (v2sf)  }
0x288: {  	s7 =	smax.f32 s7, s30;
	s31 =	spop (v2sf)  }
0x289: {  	s7 =	smax.f32 s7, s31;
	s2 =	spop (v2sf)  }
0x28a: {  	s7 =	smax.f32 s7, s2;
	s26 =	spop (v2sf)  }
0x28b: {  	s7 =	smax.f32 s7, s26;
	s28 =	spop (v2sf)  }
0x28c: {  	s7 =	smax.f32 s7, s28;
	s29 =	spop (v2sf)  }
0x28d: {  	s7 =	smax.f32 s7, s29;
	s30 =	spop (v2sf)  }
0x28e: {  	s7 =	smax.f32 s7, s30;
	s31 =	spop (v2sf)  }
0x28f: {  	s7 =	smax.f32 s7, s31  }
0x290: {  	p0 =	sle.f32 s7, s24  }
.Ltmp43:
0x291: {  	_ = 	snop;
	(pc) =	sbr.rel @!p0 .LBB2_92-.Ltmp43, $1  }
0x292: {  	_ =	sdelay $0x3  }
0x293: {  	s7 =	sadd.s32 s9, s23  }
0x294: {  	s25 =	sshll.u32 s23, $0x4;
	s7 =	sshll.u32 s7, $0x8  }
0x295: {  	s25 =	sand.u32 $0x70, s25;
	s7 =	sand.u32 $0xFFFD800, s7  }
0x296: {  	s7 =	sor.u32 s25, s7  }
0x297: {  	s25 =	sadd.s32 s1, s7  }
0x298: {  	[tilespmem:s19], [sflag:$0x5] =	stream.strided.gather [hbm4b:s25+s18], $0x800, s14, s18, $0x38;
	[tilespmem:$0x14080] =	vst v63  }
0x299: {  	_ =	swait.ge [sflag:s12], $0x800  }
0x29a: {  	[sflag:s12] =	ssyncset.done $0x0  }
0x29b: {  	[sflag:s12] =	ssyncadd.s32 $0xFFFFF800  }
0x29c: {  	s26 =	simm.s32 $0x10;
	v2 =	vld [tilespmem:$0x13800]  }
0x29d: {  	s25 =	simm.s32 $0x80;
	v3 =	vld [tilespmem:s26+$0x13800]  }
.LBB2_73:
0x29e: {  	p0 =	sne.s32 s25, $0x1FC0  }
.Ltmp44:
0x29f: {  	_ = 	snop;
	(pc) =	sbr.rel @p0 .LBB2_73-.Ltmp44, $3  }
0x2a0: {  	_ =	sdelay $0x1  }
0x2a1: {  	s26 =	sshra.s32 s25, $0x2;
	s25 =	sadd.s32 $0x40, s25;
	v2 =	vmax.f32 v2, v3  }
0x2a2: {  	v3 =	vld [tilespmem:s26+$0x13800]  }
0x2a3: {  	_ =	sdelay $0x3  }
0x2a4: {  	v2 =	vmax.f32 v2, v3  }
0x2a5: {  	(v2sf) =	vpush v2, $0x0  }
0x2a6: {  	(v2sf) =	vpush v2, $0x1  }
0x2a7: {  	(v2sf) =	vpush v2, $0x2  }
0x2a8: {  	(v2sf) =	vpush v2, $0x3  }
0x2a9: {  	(v2sf) =	vpush v2, $0x4  }
0x2aa: {  	(v2sf) =	vpush v2, $0x5  }
0x2ab: {  	(v2sf) =	vpush v2, $0x6  }
0x2ac: {  	(v2sf) =	vpush v2, $0x7  }
0x2ad: {  	(v2sf) =	vpush v2, $0x8  }
0x2ae: {  	(v2sf) =	vpush v2, $0x9  }
0x2af: {  	(v2sf) =	vpush v2, $0xA  }
0x2b0: {  	(v2sf) =	vpush v2, $0xB  }
0x2b1: {  	(v2sf) =	vpush v2, $0xC  }
0x2b2: {  	(v2sf) =	vpush v2, $0xD  }
0x2b3: {  	(v2sf) =	vpush v2, $0xE  }
0x2b4: {  	s25 =	spop (v2sf);
	(v2sf) =	vpush v2, $0xF  }
0x2b5: {  	s26 =	spop (v2sf)  }
0x2b6: {  	s25 =	smax.f32 s25, s26;
	s28 =	spop (v2sf)  }
0x2b7: {  	s25 =	smax.f32 s25, s28;
	s29 =	spop (v2sf)  }
0x2b8: {  	s25 =	smax.f32 s25, s29;
	s30 =	spop (v2sf)  }
0x2b9: {  	s25 =	smax.f32 s25, s30;
	s31 =	spop (v2sf)  }
0x2ba: {  	s25 =	smax.f32 s25, s31;
	s2 =	spop (v2sf)  }
0x2bb: {  	s25 =	smax.f32 s25, s2;
	s28 =	spop (v2sf)  }
0x2bc: {  	s25 =	smax.f32 s25, s28;
	s29 =	spop (v2sf)  }
0x2bd: {  	s25 =	smax.f32 s25, s29;
	s30 =	spop (v2sf)  }
0x2be: {  	s25 =	smax.f32 s25, s30;
	s31 =	spop (v2sf)  }
0x2bf: {  	s25 =	smax.f32 s25, s31;
	s2 =	spop (v2sf)  }
0x2c0: {  	s25 =	smax.f32 s25, s2;
	s28 =	spop (v2sf)  }
0x2c1: {  	s25 =	smax.f32 s25, s28;
	s29 =	spop (v2sf)  }
0x2c2: {  	s25 =	smax.f32 s25, s29;
	s30 =	spop (v2sf)  }
0x2c3: {  	s25 =	smax.f32 s25, s30;
	s31 =	spop (v2sf)  }
0x2c4: {  	s25 =	smax.f32 s25, s31  }
0x2c5: {  	p0 =	sle.f32 s25, s24  }
.Ltmp45:
0x2c6: {  	_ = 	snop;
	(pc) =	sbr.rel @!p0 .LBB2_92-.Ltmp45, $1  }
0x2c7: {  	_ =	sdelay $0x3  }
0x2c8: {  	s25 =	sld [smem:$0x3];
	_ =	sdelay $0x2  }
0x2c9: {  	p0 =	slt.s32 s25, $0x1  }
.Ltmp46:
0x2ca: {  	_ = 	snop;
	(pc) =	sbr.rel @p0 .LBB2_79-.Ltmp46, $1  }
0x2cb: {  	_ =	sdelay $0x3  }
0x2cc: {  	p0 =	sne.s32 s25, $0x1  }
.Ltmp47:
0x2cd: {  	_ = 	snop;
	(pc) =	sbr.rel @!p0 .LBB2_78-.Ltmp47, $3  }
0x2ce: {  	_ =	sdelay $0x1  }
0x2cf: {  	_ =	swait.ge [sflag:s20], $0x10000  }
0x2d0: {  	s25 =	sadd.s32 $0xFFFFFFFF, s25;
	[sflag:s20] =	ssyncset.done $0x0  }
.LBB2_77:
0x2d1: {  	p0 =	sne.s32 s25, $0x1;
	s25 =	sadd.s32 $0xFFFFFFFF, s25;
	[sflag:s20] =	ssyncadd.s32 $0xFFFF0000  }
.Ltmp48:
0x2d2: {  	(pc) =	sbr.rel @p0 .LBB2_77-.Ltmp48, $3  }
0x2d3: {  	_ =	sdelay $0x1  }
0x2d4: {  	_ =	swait.ge [sflag:s20], $0x10000  }
0x2d5: {  	[sflag:s20] =	ssyncset.done $0x0  }
.LBB2_78:
0x2d6: {  	[sflag:s20] =	ssyncadd.s32 $0xFFFF0000  }
.LBB2_79:
0x2d7: {  	[smem:$0x3] =	sst s5  }
0x2d8: {  	s25 =	sld [smem:$0x5];
	_ =	sdelay $0x2  }
0x2d9: {  	p0 =	slt.s32 s25, $0x1  }
.Ltmp49:
0x2da: {  	_ = 	snop;
	(pc) =	sbr.rel @p0 .LBB2_83-.Ltmp49, $1  }
0x2db: {  	_ =	sdelay $0x3  }
0x2dc: {  	p0 =	sne.s32 s25, $0x1  }
.Ltmp50:
0x2dd: {  	_ = 	snop;
	(pc) =	sbr.rel @!p0 .LBB2_82-.Ltmp50, $3  }
0x2de: {  	_ =	sdelay $0x1  }
0x2df: {  	_ =	swait.ge [sflag:s21], $0x2000  }
0x2e0: {  	s25 =	sadd.s32 $0xFFFFFFFF, s25;
	[sflag:s21] =	ssyncset.done $0x0  }
.LBB2_81:
0x2e1: {  	p0 =	sne.s32 s25, $0x1;
	s25 =	sadd.s32 $0xFFFFFFFF, s25;
	[sflag:s21] =	ssyncadd.s32 $0xFFFFE000  }
.Ltmp51:
0x2e2: {  	(pc) =	sbr.rel @p0 .LBB2_81-.Ltmp51, $3  }
0x2e3: {  	_ =	sdelay $0x1  }
0x2e4: {  	_ =	swait.ge [sflag:s21], $0x2000  }
0x2e5: {  	[sflag:s21] =	ssyncset.done $0x0  }
.LBB2_82:
0x2e6: {  	[sflag:s21] =	ssyncadd.s32 $0xFFFFE000  }
.LBB2_83:
.Ltmp52:
0x2e7: {  	s25 =	simm.s32 $0x0;
	(pc) =	sbr.rel .LBB2_84-.Ltmp52, $4  }
0x2e8: {  	[smem:$0x5] =	sst s25  }
0x2e9: {  	[smem:$0x1] =	sst s25  }
0x2ea: {  	[smem:$0x2] =	sst s25  }
0x2eb: {  	[smem:$0x80] =	sst s25  }
.LBB2_88:
0x2ec: {  	s25 =	sadd.s32 $0x1, s25  }
0x2ed: {  	p0 =	sne.s32 s25, $0x800  }
.Ltmp53:
0x2ee: {  	_ = 	snop;
	(pc) =	sbr.rel @!p0 .LBB2_89-.Ltmp53, $1  }
0x2ef: {  	_ =	sdelay $0x3  }
.LBB2_84:
0x2f0: {  	s26 =	sld [smem:$0x2];
	_ =	sdelay $0x2  }
0x2f1: {  	p0 =	sne.s32 s26, $0x0  }
.Ltmp54:
0x2f2: {  	_ = 	snop;
	(pc) =	sbr.rel @p0 .LBB2_88-.Ltmp54, $1  }
0x2f3: {  	_ =	sdelay $0x3  }
0x2f4: {  	s26 =	simm.s32 $0x13810;
	v2 =	vld [tilespmem:$0x13800]  }
0x2f5: {  	v3 =	vld [tilespmem:s26+$0x0];
	_ =	sdelay $0x3  }
0x2f6: {  	s30 =	simm.s32 $0x10;
	s28 =	sld [smem:$0x80]  }
0x2f7: {  	v4 =	vlaneseq.u32;
	s29 =	simm.s32 $0x20;
	s26 =	sld [smem:$0x1];
	v5 =	vor.u32 s30, v1;
	s30 =	simm.s32 $0x13820;
	vm0 =	vgt.f32 v3, v2  }
.LBB2_86:
0x2f8: {  	p0 =	sne.s32 s29, $0x7F0;
	v2 =	vsel vm0, v3, v2;
	v3 =	vld [tilespmem:s30+$0x0];
	v4 =	vsel vm0, v5, v4;
	s31 =	smov.u32 s29;
	s29 =	sadd.s32 $0x10, s29  }
.Ltmp55:
0x2f9: {  	(pc) =	sbr.rel @p0 .LBB2_86-.Ltmp55, $2  }
0x2fa: {  	_ =	sdelay $0x2  }
0x2fb: {  	s30 =	sadd.s32 $0x10, s30;
	v5 =	vor.u32 s31, v1;
	vm0 =	vgt.f32 v3, v2  }
0x2fc: {  	v3 =	vsel vm0, v3, v2  }
0x2fd: {  	v2 =	vsel vm0, v5, v4;
	(v2sf) =	vpush v3, $0x0  }
0x2fe: {  	(v2sf) =	vpush v2, $0x0;
	_ =	sdelay $0x1  }
0x2ff: {  	(v2sf) =	vpush v3, $0x1  }
0x300: {  	(v2sf) =	vpush v2, $0x1;
	_ =	sdelay $0x4  }
0x301: {  	(v2sf) =	vpush v3, $0x2  }
0x302: {  	(v2sf) =	vpush v2, $0x2;
	_ =	sdelay $0x4  }
0x303: {  	s30 =	spop (v2sf);
	(v2sf) =	vpush v3, $0x3  }
0x304: {  	s29 =	spop (v2sf);
	(v2sf) =	vpush v2, $0x3;
	_ =	sdelay $0x1  }
0x305: {  	s31 =	spop (v2sf)  }
0x306: {  	s2 =	spop (v2sf);
	p0 =	seq.f32 s31, s30  }
0x307: {  	p1 =	slt.s32 s2, s29  }
0x308: {  	(v2sf) =	vpush v3, $0x4;
	p2 =	sgt.f32 s31, s30;
	p0 =	por !p0, !p1  }
0x309: {  	p0 =	por !p0, !p0  }
0x30a: {  	p0 =	por p2, p0  }
0x30b: {  	(v2sf) =	vpush v2, $0x4;
	s30 =	smov.u32 @p0 s31;
	s29 =	smov.u32 @p0 s2;
	s2 =	spop (v2sf)  }
0x30c: {  	s31 =	spop (v2sf);
	p1 =	seq.f32 s2, s30  }
0x30d: {  	p2 =	slt.s32 s31, s29  }
0x30e: {  	p3 =	sgt.f32 s2, s30;
	p0 =	por !p1, !p2  }
0x30f: {  	p0 =	por !p0, !p0  }
0x310: {  	(v2sf) =	vpush v3, $0x5;
	p0 =	por p3, p0  }
0x311: {  	s30 =	smov.u32 @p0 s2;
	s2 =	spop (v2sf);
	(v2sf) =	vpush v2, $0x5  }
0x312: {  	s29 =	smov.u32 @p0 s31;
	s31 =	spop (v2sf);
	p4 =	seq.f32 s2, s30  }
0x313: {  	p5 =	slt.s32 s31, s29  }
0x314: {  	p6 =	sgt.f32 s2, s30;
	p0 =	por !p4, !p5  }
0x315: {  	p0 =	por !p0, !p0  }
0x316: {  	(v2sf) =	vpush v3, $0x6;
	p0 =	por p6, p0  }
0x317: {  	s30 =	smov.u32 @p0 s2;
	s2 =	spop (v2sf);
	(v2sf) =	vpush v2, $0x6;
	_ =	sdelay $0x2  }
0x318: {  	s29 =	smov.u32 @p0 s31;
	s31 =	spop (v2sf);
	p1 =	seq.f32 s2, s30  }
0x319: {  	p2 =	slt.s32 s31, s29  }
0x31a: {  	p3 =	sgt.f32 s2, s30;
	(v2sf) =	vpush v3, $0x7;
	p0 =	por !p1, !p2  }
0x31b: {  	p0 =	por !p0, !p0  }
0x31c: {  	p0 =	por p3, p0  }
0x31d: {  	s30 =	smov.u32 @p0 s2;
	s2 =	spop (v2sf);
	(v2sf) =	vpush v2, $0x7  }
0x31e: {  	s29 =	smov.u32 @p0 s31;
	p4 =	seq.f32 s2, s30;
	s31 =	spop (v2sf)  }
0x31f: {  	p5 =	slt.s32 s31, s29  }
0x320: {  	p6 =	sgt.f32 s2, s30;
	p0 =	por !p4, !p5  }
0x321: {  	p0 =	por !p0, !p0  }
0x322: {  	(v2sf) =	vpush v3, $0x8;
	p0 =	por p6, p0  }
0x323: {  	s30 =	smov.u32 @p0 s2;
	s2 =	spop (v2sf);
	(v2sf) =	vpush v2, $0x8  }
0x324: {  	s29 =	smov.u32 @p0 s31;
	s31 =	spop (v2sf);
	p1 =	seq.f32 s2, s30  }
0x325: {  	p2 =	slt.s32 s31, s29  }
0x326: {  	p3 =	sgt.f32 s2, s30;
	p0 =	por !p1, !p2  }
0x327: {  	p0 =	por !p0, !p0  }
0x328: {  	(v2sf) =	vpush v3, $0x9;
	p0 =	por p3, p0  }
0x329: {  	s30 =	smov.u32 @p0 s2;
	s2 =	spop (v2sf);
	(v2sf) =	vpush v2, $0x9;
	_ =	sdelay $0x2  }
0x32a: {  	s29 =	smov.u32 @p0 s31;
	s31 =	spop (v2sf);
	p4 =	seq.f32 s2, s30  }
0x32b: {  	p5 =	slt.s32 s31, s29  }
0x32c: {  	p6 =	sgt.f32 s2, s30;
	(v2sf) =	vpush v3, $0xA;
	p0 =	por !p4, !p5  }
0x32d: {  	p0 =	por !p0, !p0  }
0x32e: {  	p0 =	por p6, p0  }
0x32f: {  	s30 =	smov.u32 @p0 s2;
	s2 =	spop (v2sf);
	(v2sf) =	vpush v2, $0xA  }
0x330: {  	s29 =	smov.u32 @p0 s31;
	p1 =	seq.f32 s2, s30;
	s31 =	spop (v2sf)  }
0x331: {  	p2 =	slt.s32 s31, s29  }
0x332: {  	p3 =	sgt.f32 s2, s30;
	p0 =	por !p1, !p2  }
0x333: {  	p0 =	por !p0, !p0  }
0x334: {  	(v2sf) =	vpush v3, $0xB;
	p0 =	por p3, p0  }
0x335: {  	s30 =	smov.u32 @p0 s2;
	s2 =	spop (v2sf);
	(v2sf) =	vpush v2, $0xB  }
0x336: {  	s29 =	smov.u32 @p0 s31;
	s31 =	spop (v2sf);
	p4 =	seq.f32 s2, s30  }
0x337: {  	p5 =	slt.s32 s31, s29  }
0x338: {  	p6 =	sgt.f32 s2, s30;
	p0 =	por !p4, !p5  }
0x339: {  	p0 =	por !p0, !p0  }
0x33a: {  	(v2sf) =	vpush v3, $0xC;
	p0 =	por p6, p0  }
0x33b: {  	s30 =	smov.u32 @p0 s2;
	s2 =	spop (v2sf);
	(v2sf) =	vpush v2, $0xC;
	_ =	sdelay $0x2  }
0x33c: {  	s29 =	smov.u32 @p0 s31;
	s31 =	spop (v2sf);
	p1 =	seq.f32 s2, s30  }
0x33d: {  	p2 =	slt.s32 s31, s29  }
0x33e: {  	p3 =	sgt.f32 s2, s30;
	(v2sf) =	vpush v3, $0xD;
	p0 =	por !p1, !p2  }
0x33f: {  	p0 =	por !p0, !p0  }
0x340: {  	p0 =	por p3, p0  }
0x341: {  	s30 =	smov.u32 @p0 s2;
	s2 =	spop (v2sf);
	(v2sf) =	vpush v2, $0xD  }
0x342: {  	s29 =	smov.u32 @p0 s31;
	p4 =	seq.f32 s2, s30;
	s31 =	spop (v2sf)  }
0x343: {  	p5 =	slt.s32 s31, s29  }
0x344: {  	p6 =	sgt.f32 s2, s30;
	p0 =	por !p4, !p5  }
0x345: {  	p0 =	por !p0, !p0  }
0x346: {  	(v2sf) =	vpush v3, $0xE;
	p0 =	por p6, p0  }
0x347: {  	s30 =	smov.u32 @p0 s2;
	s2 =	spop (v2sf);
	(v2sf) =	vpush v2, $0xE  }
0x348: {  	s29 =	smov.u32 @p0 s31;
	s31 =	spop (v2sf);
	p1 =	seq.f32 s2, s30  }
0x349: {  	p2 =	slt.s32 s31, s29  }
0x34a: {  	p3 =	sgt.f32 s2, s30;
	p0 =	por !p1, !p2  }
0x34b: {  	p0 =	por !p0, !p0  }
0x34c: {  	(v2sf) =	vpush v3, $0xF;
	p0 =	por p3, p0  }
0x34d: {  	s30 =	smov.u32 @p0 s2;
	s2 =	spop (v2sf);
	(v2sf) =	vpush v2, $0xF;
	_ =	sdelay $0x2  }
0x34e: {  	s29 =	smov.u32 @p0 s31;
	s31 =	spop (v2sf);
	p4 =	seq.f32 s2, s30  }
0x34f: {  	p5 =	slt.s32 s31, s29  }
0x350: {  	p6 =	sgt.f32 s2, s30;
	p0 =	por !p4, !p5  }
0x351: {  	p0 =	por !p0, !p0  }
0x352: {  	p0 =	por p6, p0  }
0x353: {  	s30 =	smov.u32 @p0 s2;
	s2 =	spop (v2sf)  }
0x354: {  	s29 =	smov.u32 @p0 s31;
	p1 =	seq.f32 s2, s30;
	s31 =	spop (v2sf)  }
0x355: {  	p2 =	slt.s32 s31, s29  }
0x356: {  	p3 =	sgt.f32 s2, s30;
	p0 =	por !p1, !p2  }
0x357: {  	p0 =	por !p0, !p0  }
0x358: {  	p0 =	por p3, p0  }
0x359: {  	s30 =	smov.u32 @p0 s2;
	s2 =	spop (v2sf)  }
0x35a: {  	s29 =	smov.u32 @p0 s31;
	s31 =	spop (v2sf);
	p4 =	seq.f32 s2, s30  }
0x35b: {  	p5 =	slt.s32 s31, s29  }
0x35c: {  	p6 =	sgt.f32 s2, s30;
	p0 =	por !p4, !p5  }
0x35d: {  	p0 =	por !p0, !p0  }
0x35e: {  	p1 =	por p6, p0  }
0x35f: {  	s30 =	smov.u32 @p1 s2  }
0x360: {  	s2 =	sadd.f32 s30, s28;
	_ =	sdelay $0x1  }
0x361: {  	p0 =	sle.f32 s2, s24;
	_ =	sdelay $0x1  }
0x362: {  	s28 =	sand.u32 @p0 $0xF, s26  }
0x363: {  	p2 =	slt.s32 @p0 s26, $0x1;
	p3 =	sne.s32 @p0 s28, $0x0  }
0x364: {  	s28 =	sshra.s32 @p0 s26, $0x1F;
	p2 =	por @p0 !p2, !p3  }
0x365: {  	s28 =	sshrl.u32 @p0 s28, $0x1C;
	p2 =	por @p0 !p2, !p2  }
0x366: {  	s30 =	simm.s32 @p0 $0x1;
	s28 =	sadd.s32 @p0 s28, s26;
	p2 =	por !p2, !p0  }
0x367: {  	p1 =	por !p1, !p0;
	s28 =	sshrl.u32 @p0 s28, $0x4;
	s30 =	simm.s32 @p2 $0x0  }
0x368: {  	s31 =	smov.u32 @p1 s29;
	s28 =	ssub.s32 @p0 s28, s30  }
0x369: {  	s29 =	sand.u32 @p0 $0xF, s31;
	s28 =	sshll.u32 @p0 s28, $0x4  }
0x36a: {  	p1 =	slt.s32 @p0 s31, $0x1;
	p2 =	sne.s32 @p0 s29, $0x0;
	v2 =	vld @p0 [tilespmem:s28+$0x13000]  }
0x36b: {  	s29 =	sshra.s32 @p0 s31, $0x1F;
	p1 =	por @p0 !p1, !p2  }
0x36c: {  	s29 =	sshrl.u32 @p0 s29, $0x1C;
	p1 =	por @p0 !p1, !p1;
	s30 =	ssub.s32 @p0 s26, s28  }
0x36d: {  	v4 =	vlaneseq.u32 @p0;
	s29 =	sadd.s32 @p0 s29, s31;
	p1 =	por !p1, !p0;
	v3 =	vmov @p0 s30;
	s30 =	simm.s32 @p0 $0x1  }
0x36e: {  	s29 =	sshrl.u32 @p0 s29, $0x4;
	vm0 =	veq.s32 @p0 v3, v4;
	s30 =	simm.s32 @p1 $0x0  }
0x36f: {  	s29 =	ssub.s32 @p0 s29, s30;
	v2 =	vsel @p0 vm0, s31, v2  }
0x370: {  	[tilespmem:s28+$0x13000] =	vst @p0 v2;
	s28 =	sshll.u32 @p0 s29, $0x4  }
0x371: {  	v2 =	vld @p0 [tilespmem:s28+$0x13800];
	_ =	sdelay $0x1  }
.Ltmp56:
0x372: {  	s29 =	ssub.s32 @p0 s31, s28;
	(pc) =	sbr.rel .LBB2_88-.Ltmp56, $4  }
0x373: {  	s26 =	sadd.s32 @p0 $0x1, s26;
	v3 =	vmov @p0 s29  }
0x374: {  	[smem:$0x1] =	sst @p0 s26;
	p1 =	slt.s32 @p0 s26, $0x800;
	vm0 =	veq.s32 @p0 v3, v4  }
0x375: {  	[smem:$0x80] =	sst @p0 s2;
	p1 =	por !p0, !p1;
	v2 =	vsel @p0 vm0, $0xBF800000, v2  }
0x376: {  	[smem:$0x2] =	sst @p1 s17;
	[tilespmem:s28+$0x13800] =	vst @p0 v2  }
.LBB2_89:
0x377: {  	s2 =	sadd.s32 s3, s7  }
0x378: {  	[hbm4b:s2+s18] =	stream.strided.scatter [tilespmem:s22], [sflag:$0x5], $0x800, s14, s18, $0x38;
	[tilespmem:$0x14080] =	vst v63  }
0x379: {  	_ =	swait.ge [sflag:s12], $0x800  }
0x37a: {  	[sflag:s12] =	ssyncset.done $0x0  }
0x37b: {  	s7 =	simm.s32 $0x40;
	s25 =	simm.s32 $0x0;
	[sflag:s12] =	ssyncadd.s32 $0xFFFFF800  }
.LBB2_90:
0x37c: {  	p0 =	sne.s32 s7, $0x1FC0;
	[tilespmem:s25+$0x13000] =	vst v0;
	s2 =	smov.u32 s7;
	s7 =	sadd.s32 $0x40, s7  }
.Ltmp57:
0x37d: {  	(pc) =	sbr.rel @p0 .LBB2_90-.Ltmp57, $2  }
0x37e: {  	_ =	sdelay $0x2  }
0x37f: {  	s25 =	sshra.s32 s2, $0x2  }
.Ltmp58:
0x380: {  	_ = 	snop;
	(pc) =	sbr.rel .LBB2_91-.Ltmp58, $1  }
0x381: {  	_ =	sdelay $0x3  }
.LBB2_116:
0x382: {  	[tilespmem:s15+$0x13000] =	vst v0  }
.LBB2_117:
0x383: {  	s9 =	sadd.s32 $0x1, s9  }
0x384: {  	p0 =	sne.s32 s9, $0x20  }
.Ltmp59:
0x385: {  	_ = 	snop;
	(pc) =	sbr.rel @!p0 .LBB2_118-.Ltmp59, $1  }
0x386: {  	_ =	sdelay $0x3  }
.LBB2_96:
0x387: {  	s2 =	sshll.u32 s9, $0x7  }
0x388: {  	s2 =	sand.u32 $0x3FFFFF80, s2  }
0x389: {  	v2 =	vld [tilespmem:s2+$0x1000]  }
0x38a: {  	v3 =	vld [tilespmem:s2+$0x1010]  }
0x38b: {  	v4 =	vld [tilespmem:s2+$0x1020]  }
0x38c: {  	v5 =	vld [tilespmem:s2+$0x1030]  }
0x38d: {  	v6 =	vld [tilespmem:s2+$0x1040]  }
0x38e: {  	v7 =	vld [tilespmem:s2+$0x1050]  }
0x38f: {  	v2 =	vmax.f32 v2, v3;
	v3 =	vld [tilespmem:s2+$0x1060]  }
0x390: {  	v63 =	vld [tilespmem:s2+$0x1070];
	v2 =	vmax.f32 v2, v4  }
0x391: {  	v2 =	vmax.f32 v2, v5  }
0x392: {  	v2 =	vmax.f32 v2, v6  }
0x393: {  	v2 =	vmax.f32 v2, v7  }
0x394: {  	v2 =	vmax.f32 v2, v3  }
0x395: {  	v2 =	vmax.f32 v2, v63  }
0x396: {  	(v2sf) =	vpush v2, $0x0  }
0x397: {  	(v2sf) =	vpush v2, $0x1  }
0x398: {  	(v2sf) =	vpush v2, $0x2  }
0x399: {  	(v2sf) =	vpush v2, $0x3  }
0x39a: {  	(v2sf) =	vpush v2, $0x4  }
0x39b: {  	(v2sf) =	vpush v2, $0x5  }
0x39c: {  	(v2sf) =	vpush v2, $0x6  }
0x39d: {  	(v2sf) =	vpush v2, $0x7  }
0x39e: {  	(v2sf) =	vpush v2, $0x8  }
0x39f: {  	(v2sf) =	vpush v2, $0x9  }
0x3a0: {  	(v2sf) =	vpush v2, $0xA  }
0x3a1: {  	(v2sf) =	vpush v2, $0xB  }
0x3a2: {  	(v2sf) =	vpush v2, $0xC  }
0x3a3: {  	(v2sf) =	vpush v2, $0xD  }
0x3a4: {  	(v2sf) =	vpush v2, $0xE  }
0x3a5: {  	s25 =	spop (v2sf);
	(v2sf) =	vpush v2, $0xF  }
0x3a6: {  	s7 =	spop (v2sf)  }
0x3a7: {  	s2 =	smax.f32 s25, s7;
	s26 =	spop (v2sf)  }
0x3a8: {  	s2 =	smax.f32 s2, s26;
	s28 =	spop (v2sf)  }
0x3a9: {  	s2 =	smax.f32 s2, s28;
	s29 =	spop (v2sf)  }
0x3aa: {  	s2 =	smax.f32 s2, s29;
	s30 =	spop (v2sf)  }
0x3ab: {  	s2 =	smax.f32 s2, s30;
	s31 =	spop (v2sf)  }
0x3ac: {  	s2 =	smax.f32 s2, s31;
	s15 =	spop (v2sf)  }
0x3ad: {  	s2 =	smax.f32 s2, s15;
	s23 =	spop (v2sf)  }
0x3ae: {  	s2 =	smax.f32 s2, s23;
	s24 =	spop (v2sf)  }
0x3af: {  	s2 =	smax.f32 s2, s24;
	s25 =	spop (v2sf)  }
0x3b0: {  	s2 =	smax.f32 s2, s25;
	s26 =	spop (v2sf)  }
0x3b1: {  	s2 =	smax.f32 s2, s26;
	s28 =	spop (v2sf)  }
0x3b2: {  	s2 =	smax.f32 s2, s28;
	s29 =	spop (v2sf)  }
0x3b3: {  	s2 =	smax.f32 s2, s29;
	s30 =	spop (v2sf)  }
0x3b4: {  	s2 =	smax.f32 s2, s30;
	s31 =	spop (v2sf)  }
0x3b5: {  	s2 =	smax.f32 s2, s31  }
0x3b6: {  	p0 =	sle.f32 s2, s0  }
.Ltmp60:
0x3b7: {  	_ = 	snop;
	(pc) =	sbr.rel @!p0 .LBB2_117-.Ltmp60, $1  }
0x3b8: {  	_ =	sdelay $0x3  }
0x3b9: {  	s2 =	sadd.s32 s16, s9  }
0x3ba: {  	s7 =	sshll.u32 s9, $0x4;
	s2 =	sshll.u32 s2, $0x8  }
0x3bb: {  	s7 =	sand.u32 $0x70, s7;
	s2 =	sand.u32 $0xFFFF800, s2  }
0x3bc: {  	s7 =	sor.u32 s7, s2  }
0x3bd: {  	s2 =	sadd.s32 s1, s7  }
0x3be: {  	[tilespmem:s19], [sflag:$0x5] =	stream.strided.gather [hbm4b:s2+s18], $0x800, s14, s18, $0x38;
	[tilespmem:$0x14080] =	vst v63  }
0x3bf: {  	_ =	swait.ge [sflag:s12], $0x800  }
0x3c0: {  	[sflag:s12] =	ssyncset.done $0x0  }
0x3c1: {  	[sflag:s12] =	ssyncadd.s32 $0xFFFFF800  }
0x3c2: {  	s31 =	simm.s32 $0x10;
	v2 =	vld [tilespmem:$0x13800]  }
0x3c3: {  	s15 =	simm.s32 $0x80;
	v3 =	vld [tilespmem:s31+$0x13800]  }
.LBB2_98:
0x3c4: {  	p0 =	sne.s32 s15, $0x1FC0  }
.Ltmp61:
0x3c5: {  	_ = 	snop;
	(pc) =	sbr.rel @p0 .LBB2_98-.Ltmp61, $3  }
0x3c6: {  	_ =	sdelay $0x1  }
0x3c7: {  	s2 =	sshra.s32 s15, $0x2;
	s15 =	sadd.s32 $0x40, s15;
	v2 =	vmax.f32 v2, v3  }
0x3c8: {  	v3 =	vld [tilespmem:s2+$0x13800]  }
0x3c9: {  	_ =	sdelay $0x3  }
0x3ca: {  	v2 =	vmax.f32 v2, v3  }
0x3cb: {  	(v2sf) =	vpush v2, $0x0  }
0x3cc: {  	(v2sf) =	vpush v2, $0x1  }
0x3cd: {  	(v2sf) =	vpush v2, $0x2  }
0x3ce: {  	(v2sf) =	vpush v2, $0x3  }
0x3cf: {  	(v2sf) =	vpush v2, $0x4  }
0x3d0: {  	(v2sf) =	vpush v2, $0x5  }
0x3d1: {  	(v2sf) =	vpush v2, $0x6  }
0x3d2: {  	(v2sf) =	vpush v2, $0x7  }
0x3d3: {  	(v2sf) =	vpush v2, $0x8  }
0x3d4: {  	(v2sf) =	vpush v2, $0x9  }
0x3d5: {  	(v2sf) =	vpush v2, $0xA  }
0x3d6: {  	(v2sf) =	vpush v2, $0xB  }
0x3d7: {  	(v2sf) =	vpush v2, $0xC  }
0x3d8: {  	(v2sf) =	vpush v2, $0xD  }
0x3d9: {  	(v2sf) =	vpush v2, $0xE  }
0x3da: {  	s2 =	spop (v2sf);
	(v2sf) =	vpush v2, $0xF  }
0x3db: {  	s15 =	spop (v2sf)  }
0x3dc: {  	s2 =	smax.f32 s2, s15;
	s25 =	spop (v2sf)  }
0x3dd: {  	s2 =	smax.f32 s2, s25;
	s26 =	spop (v2sf)  }
0x3de: {  	s2 =	smax.f32 s2, s26;
	s28 =	spop (v2sf)  }
0x3df: {  	s2 =	smax.f32 s2, s28;
	s29 =	spop (v2sf)  }
0x3e0: {  	s2 =	smax.f32 s2, s29;
	s30 =	spop (v2sf)  }
0x3e1: {  	s2 =	smax.f32 s2, s30;
	s31 =	spop (v2sf)  }
0x3e2: {  	s2 =	smax.f32 s2, s31;
	s23 =	spop (v2sf)  }
0x3e3: {  	s2 =	smax.f32 s2, s23;
	s24 =	spop (v2sf)  }
0x3e4: {  	s2 =	smax.f32 s2, s24;
	s25 =	spop (v2sf)  }
0x3e5: {  	s2 =	smax.f32 s2, s25;
	s26 =	spop (v2sf)  }
0x3e6: {  	s2 =	smax.f32 s2, s26;
	s28 =	spop (v2sf)  }
0x3e7: {  	s2 =	smax.f32 s2, s28;
	s29 =	spop (v2sf)  }
0x3e8: {  	s2 =	smax.f32 s2, s29;
	s30 =	spop (v2sf)  }
0x3e9: {  	s2 =	smax.f32 s2, s30;
	s31 =	spop (v2sf)  }
0x3ea: {  	s2 =	smax.f32 s2, s31  }
0x3eb: {  	p0 =	sle.f32 s2, s0  }
.Ltmp62:
0x3ec: {  	_ = 	snop;
	(pc) =	sbr.rel @!p0 .LBB2_117-.Ltmp62, $1  }
0x3ed: {  	_ =	sdelay $0x3  }
0x3ee: {  	s15 =	sld [smem:$0x3];
	_ =	sdelay $0x2  }
0x3ef: {  	p0 =	slt.s32 s15, $0x1  }
.Ltmp63:
0x3f0: {  	_ = 	snop;
	(pc) =	sbr.rel @p0 .LBB2_104-.Ltmp63, $1  }
0x3f1: {  	_ =	sdelay $0x3  }
0x3f2: {  	p0 =	sne.s32 s15, $0x1  }
.Ltmp64:
0x3f3: {  	_ = 	snop;
	(pc) =	sbr.rel @!p0 .LBB2_103-.Ltmp64, $3  }
0x3f4: {  	_ =	sdelay $0x1  }
0x3f5: {  	_ =	swait.ge [sflag:s20], $0x10000  }
0x3f6: {  	s15 =	sadd.s32 $0xFFFFFFFF, s15;
	[sflag:s20] =	ssyncset.done $0x0  }
.LBB2_102:
0x3f7: {  	p0 =	sne.s32 s15, $0x1;
	s15 =	sadd.s32 $0xFFFFFFFF, s15;
	[sflag:s20] =	ssyncadd.s32 $0xFFFF0000  }
.Ltmp65:
0x3f8: {  	(pc) =	sbr.rel @p0 .LBB2_102-.Ltmp65, $3  }
0x3f9: {  	_ =	sdelay $0x1  }
0x3fa: {  	_ =	swait.ge [sflag:s20], $0x10000  }
0x3fb: {  	[sflag:s20] =	ssyncset.done $0x0  }
.LBB2_103:
0x3fc: {  	[sflag:s20] =	ssyncadd.s32 $0xFFFF0000  }
.LBB2_104:
0x3fd: {  	[smem:$0x3] =	sst s5  }
0x3fe: {  	s15 =	sld [smem:$0x5];
	_ =	sdelay $0x2  }
0x3ff: {  	p0 =	slt.s32 s15, $0x1  }
.Ltmp66:
0x400: {  	_ = 	snop;
	(pc) =	sbr.rel @p0 .LBB2_108-.Ltmp66, $1  }
0x401: {  	_ =	sdelay $0x3  }
0x402: {  	p0 =	sne.s32 s15, $0x1  }
.Ltmp67:
0x403: {  	_ = 	snop;
	(pc) =	sbr.rel @!p0 .LBB2_107-.Ltmp67, $3  }
0x404: {  	_ =	sdelay $0x1  }
0x405: {  	_ =	swait.ge [sflag:s21], $0x2000  }
0x406: {  	s15 =	sadd.s32 $0xFFFFFFFF, s15;
	[sflag:s21] =	ssyncset.done $0x0  }
.LBB2_106:
0x407: {  	p0 =	sne.s32 s15, $0x1;
	s15 =	sadd.s32 $0xFFFFFFFF, s15;
	[sflag:s21] =	ssyncadd.s32 $0xFFFFE000  }
.Ltmp68:
0x408: {  	(pc) =	sbr.rel @p0 .LBB2_106-.Ltmp68, $3  }
0x409: {  	_ =	sdelay $0x1  }
0x40a: {  	_ =	swait.ge [sflag:s21], $0x2000  }
0x40b: {  	[sflag:s21] =	ssyncset.done $0x0  }
.LBB2_107:
0x40c: {  	[sflag:s21] =	ssyncadd.s32 $0xFFFFE000  }
.LBB2_108:
.Ltmp69:
0x40d: {  	s15 =	simm.s32 $0x0;
	(pc) =	sbr.rel .LBB2_109-.Ltmp69, $4  }
0x40e: {  	[smem:$0x5] =	sst s15  }
0x40f: {  	[smem:$0x1] =	sst s15  }
0x410: {  	[smem:$0x2] =	sst s15  }
0x411: {  	[smem:$0x80] =	sst s15  }
.LBB2_113:
0x412: {  	s15 =	sadd.s32 $0x1, s15  }
0x413: {  	p0 =	sne.s32 s15, $0x800  }
.Ltmp70:
0x414: {  	_ = 	snop;
	(pc) =	sbr.rel @!p0 .LBB2_114-.Ltmp70, $1  }
0x415: {  	_ =	sdelay $0x3  }
.LBB2_109:
0x416: {  	s2 =	sld [smem:$0x2];
	_ =	sdelay $0x2  }
0x417: {  	p0 =	sne.s32 s2, $0x0  }
.Ltmp71:
0x418: {  	_ = 	snop;
	(pc) =	sbr.rel @p0 .LBB2_113-.Ltmp71, $1  }
0x419: {  	_ =	sdelay $0x3  }
0x41a: {  	s2 =	simm.s32 $0x13810;
	v2 =	vld [tilespmem:$0x13800]  }
0x41b: {  	v3 =	vld [tilespmem:s2+$0x0];
	_ =	sdelay $0x3  }
0x41c: {  	s23 =	sld [smem:$0x1];
	s31 =	simm.s32 $0x10  }
0x41d: {  	s24 =	sld [smem:$0x80];
	v4 =	vlaneseq.u32;
	s25 =	simm.s32 $0x20;
	s26 =	simm.s32 $0x13820;
	v5 =	vor.u32 s31, v1;
	vm0 =	vgt.f32 v3, v2  }
.LBB2_111:
0x41e: {  	p0 =	sne.s32 s25, $0x7F0;
	v2 =	vsel vm0, v3, v2;
	v3 =	vld [tilespmem:s26+$0x0];
	v4 =	vsel vm0, v5, v4;
	s2 =	smov.u32 s25;
	s25 =	sadd.s32 $0x10, s25  }
.Ltmp72:
0x41f: {  	(pc) =	sbr.rel @p0 .LBB2_111-.Ltmp72, $2  }
0x420: {  	_ =	sdelay $0x2  }
0x421: {  	s26 =	sadd.s32 $0x10, s26;
	v5 =	vor.u32 s2, v1;
	vm0 =	vgt.f32 v3, v2  }
0x422: {  	v3 =	vsel vm0, v3, v2  }
0x423: {  	v2 =	vsel vm0, v5, v4;
	(v2sf) =	vpush v3, $0x0  }
0x424: {  	(v2sf) =	vpush v2, $0x0;
	_ =	sdelay $0x1  }
0x425: {  	(v2sf) =	vpush v3, $0x1  }
0x426: {  	(v2sf) =	vpush v2, $0x1;
	_ =	sdelay $0x4  }
0x427: {  	(v2sf) =	vpush v3, $0x2  }
0x428: {  	(v2sf) =	vpush v2, $0x2;
	_ =	sdelay $0x4  }
0x429: {  	s26 =	spop (v2sf);
	(v2sf) =	vpush v3, $0x3  }
0x42a: {  	s25 =	spop (v2sf);
	(v2sf) =	vpush v2, $0x3;
	_ =	sdelay $0x1  }
0x42b: {  	s2 =	spop (v2sf)  }
0x42c: {  	s28 =	spop (v2sf);
	p0 =	seq.f32 s2, s26  }
0x42d: {  	p1 =	slt.s32 s28, s25  }
0x42e: {  	(v2sf) =	vpush v3, $0x4;
	p2 =	sgt.f32 s2, s26;
	p0 =	por !p0, !p1  }
0x42f: {  	p0 =	por !p0, !p0  }
0x430: {  	p0 =	por p2, p0  }
0x431: {  	(v2sf) =	vpush v2, $0x4;
	s26 =	smov.u32 @p0 s2;
	s2 =	spop (v2sf)  }
0x432: {  	s25 =	smov.u32 @p0 s28;
	s28 =	spop (v2sf);
	p1 =	seq.f32 s2, s26  }
0x433: {  	p2 =	slt.s32 s28, s25  }
0x434: {  	p3 =	sgt.f32 s2, s26;
	p0 =	por !p1, !p2  }
0x435: {  	p0 =	por !p0, !p0  }
0x436: {  	(v2sf) =	vpush v3, $0x5;
	p0 =	por p3, p0  }
0x437: {  	s26 =	smov.u32 @p0 s2;
	s2 =	spop (v2sf);
	(v2sf) =	vpush v2, $0x5  }
0x438: {  	s25 =	smov.u32 @p0 s28;
	s28 =	spop (v2sf);
	p4 =	seq.f32 s2, s26  }
0x439: {  	p5 =	slt.s32 s28, s25  }
0x43a: {  	p6 =	sgt.f32 s2, s26;
	p0 =	por !p4, !p5  }
0x43b: {  	p0 =	por !p0, !p0  }
0x43c: {  	(v2sf) =	vpush v3, $0x6;
	p0 =	por p6, p0  }
0x43d: {  	s26 =	smov.u32 @p0 s2;
	s2 =	spop (v2sf);
	(v2sf) =	vpush v2, $0x6;
	_ =	sdelay $0x2  }
0x43e: {  	s25 =	smov.u32 @p0 s28;
	s28 =	spop (v2sf);
	p1 =	seq.f32 s2, s26  }
0x43f: {  	p2 =	slt.s32 s28, s25  }
0x440: {  	p3 =	sgt.f32 s2, s26;
	(v2sf) =	vpush v3, $0x7;
	p0 =	por !p1, !p2  }
0x441: {  	p0 =	por !p0, !p0  }
0x442: {  	p0 =	por p3, p0  }
0x443: {  	s26 =	smov.u32 @p0 s2;
	s2 =	spop (v2sf);
	(v2sf) =	vpush v2, $0x7  }
0x444: {  	s25 =	smov.u32 @p0 s28;
	p4 =	seq.f32 s2, s26;
	s28 =	spop (v2sf)  }
0x445: {  	p5 =	slt.s32 s28, s25  }
0x446: {  	p6 =	sgt.f32 s2, s26;
	p0 =	por !p4, !p5  }
0x447: {  	p0 =	por !p0, !p0  }
0x448: {  	(v2sf) =	vpush v3, $0x8;
	p0 =	por p6, p0  }
0x449: {  	s26 =	smov.u32 @p0 s2;
	s2 =	spop (v2sf);
	(v2sf) =	vpush v2, $0x8  }
0x44a: {  	s25 =	smov.u32 @p0 s28;
	s28 =	spop (v2sf);
	p1 =	seq.f32 s2, s26  }
0x44b: {  	p2 =	slt.s32 s28, s25  }
0x44c: {  	p3 =	sgt.f32 s2, s26;
	p0 =	por !p1, !p2  }
0x44d: {  	p0 =	por !p0, !p0  }
0x44e: {  	(v2sf) =	vpush v3, $0x9;
	p0 =	por p3, p0  }
0x44f: {  	s26 =	smov.u32 @p0 s2;
	s2 =	spop (v2sf);
	(v2sf) =	vpush v2, $0x9;
	_ =	sdelay $0x2  }
0x450: {  	s25 =	smov.u32 @p0 s28;
	s28 =	spop (v2sf);
	p4 =	seq.f32 s2, s26  }
0x451: {  	p5 =	slt.s32 s28, s25  }
0x452: {  	p6 =	sgt.f32 s2, s26;
	(v2sf) =	vpush v3, $0xA;
	p0 =	por !p4, !p5  }
0x453: {  	p0 =	por !p0, !p0  }
0x454: {  	p0 =	por p6, p0  }
0x455: {  	s26 =	smov.u32 @p0 s2;
	s2 =	spop (v2sf);
	(v2sf) =	vpush v2, $0xA  }
0x456: {  	s25 =	smov.u32 @p0 s28;
	p1 =	seq.f32 s2, s26;
	s28 =	spop (v2sf)  }
0x457: {  	p2 =	slt.s32 s28, s25  }
0x458: {  	p3 =	sgt.f32 s2, s26;
	p0 =	por !p1, !p2  }
0x459: {  	p0 =	por !p0, !p0  }
0x45a: {  	(v2sf) =	vpush v3, $0xB;
	p0 =	por p3, p0  }
0x45b: {  	s26 =	smov.u32 @p0 s2;
	s2 =	spop (v2sf);
	(v2sf) =	vpush v2, $0xB  }
0x45c: {  	s25 =	smov.u32 @p0 s28;
	s28 =	spop (v2sf);
	p4 =	seq.f32 s2, s26  }
0x45d: {  	p5 =	slt.s32 s28, s25  }
0x45e: {  	p6 =	sgt.f32 s2, s26;
	p0 =	por !p4, !p5  }
0x45f: {  	p0 =	por !p0, !p0  }
0x460: {  	(v2sf) =	vpush v3, $0xC;
	p0 =	por p6, p0  }
0x461: {  	s26 =	smov.u32 @p0 s2;
	s2 =	spop (v2sf);
	(v2sf) =	vpush v2, $0xC;
	_ =	sdelay $0x2  }
0x462: {  	s25 =	smov.u32 @p0 s28;
	s28 =	spop (v2sf);
	p1 =	seq.f32 s2, s26  }
0x463: {  	p2 =	slt.s32 s28, s25  }
0x464: {  	p3 =	sgt.f32 s2, s26;
	(v2sf) =	vpush v3, $0xD;
	p0 =	por !p1, !p2  }
0x465: {  	p0 =	por !p0, !p0  }
0x466: {  	p0 =	por p3, p0  }
0x467: {  	s26 =	smov.u32 @p0 s2;
	s2 =	spop (v2sf);
	(v2sf) =	vpush v2, $0xD  }
0x468: {  	s25 =	smov.u32 @p0 s28;
	p4 =	seq.f32 s2, s26;
	s28 =	spop (v2sf)  }
0x469: {  	p5 =	slt.s32 s28, s25  }
0x46a: {  	p6 =	sgt.f32 s2, s26;
	p0 =	por !p4, !p5  }
0x46b: {  	p0 =	por !p0, !p0  }
0x46c: {  	(v2sf) =	vpush v3, $0xE;
	p0 =	por p6, p0  }
0x46d: {  	s26 =	smov.u32 @p0 s2;
	s2 =	spop (v2sf);
	(v2sf) =	vpush v2, $0xE  }
0x46e: {  	s25 =	smov.u32 @p0 s28;
	s28 =	spop (v2sf);
	p1 =	seq.f32 s2, s26  }
0x46f: {  	p2 =	slt.s32 s28, s25  }
0x470: {  	p3 =	sgt.f32 s2, s26;
	p0 =	por !p1, !p2  }
0x471: {  	p0 =	por !p0, !p0  }
0x472: {  	(v2sf) =	vpush v3, $0xF;
	p0 =	por p3, p0  }
0x473: {  	s26 =	smov.u32 @p0 s2;
	s2 =	spop (v2sf);
	(v2sf) =	vpush v2, $0xF;
	_ =	sdelay $0x2  }
0x474: {  	s25 =	smov.u32 @p0 s28;
	s28 =	spop (v2sf);
	p4 =	seq.f32 s2, s26  }
0x475: {  	p5 =	slt.s32 s28, s25  }
0x476: {  	p6 =	sgt.f32 s2, s26;
	p0 =	por !p4, !p5  }
0x477: {  	p0 =	por !p0, !p0  }
0x478: {  	p0 =	por p6, p0  }
0x479: {  	s26 =	smov.u32 @p0 s2;
	s2 =	spop (v2sf)  }
0x47a: {  	s25 =	smov.u32 @p0 s28;
	p1 =	seq.f32 s2, s26;
	s28 =	spop (v2sf)  }
0x47b: {  	p2 =	slt.s32 s28, s25  }
0x47c: {  	p3 =	sgt.f32 s2, s26;
	p0 =	por !p1, !p2  }
0x47d: {  	p0 =	por !p0, !p0  }
0x47e: {  	p0 =	por p3, p0  }
0x47f: {  	s26 =	smov.u32 @p0 s2;
	s2 =	spop (v2sf)  }
0x480: {  	s25 =	smov.u32 @p0 s28;
	s28 =	spop (v2sf);
	p4 =	seq.f32 s2, s26  }
0x481: {  	p5 =	slt.s32 s28, s25  }
0x482: {  	p6 =	sgt.f32 s2, s26;
	p0 =	por !p4, !p5  }
0x483: {  	p0 =	por !p0, !p0  }
0x484: {  	p1 =	por p6, p0  }
0x485: {  	s26 =	smov.u32 @p1 s2  }
0x486: {  	s2 =	sadd.f32 s26, s24;
	_ =	sdelay $0x1  }
0x487: {  	p0 =	sle.f32 s2, s0;
	_ =	sdelay $0x1  }
0x488: {  	s24 =	sand.u32 @p0 $0xF, s23  }
0x489: {  	p2 =	slt.s32 @p0 s23, $0x1;
	p3 =	sne.s32 @p0 s24, $0x0  }
0x48a: {  	s24 =	sshra.s32 @p0 s23, $0x1F;
	p2 =	por @p0 !p2, !p3  }
0x48b: {  	s24 =	sshrl.u32 @p0 s24, $0x1C;
	p2 =	por @p0 !p2, !p2  }
0x48c: {  	s26 =	simm.s32 @p0 $0x1;
	s24 =	sadd.s32 @p0 s24, s23;
	p2 =	por !p2, !p0  }
0x48d: {  	p1 =	por !p1, !p0;
	s24 =	sshrl.u32 @p0 s24, $0x4;
	s26 =	simm.s32 @p2 $0x0  }
0x48e: {  	s28 =	smov.u32 @p1 s25;
	s24 =	ssub.s32 @p0 s24, s26  }
0x48f: {  	s25 =	sand.u32 @p0 $0xF, s28;
	s24 =	sshll.u32 @p0 s24, $0x4  }
0x490: {  	p1 =	slt.s32 @p0 s28, $0x1;
	p2 =	sne.s32 @p0 s25, $0x0;
	v2 =	vld @p0 [tilespmem:s24+$0x13000]  }
0x491: {  	s25 =	sshra.s32 @p0 s28, $0x1F;
	p1 =	por @p0 !p1, !p2  }
0x492: {  	s25 =	sshrl.u32 @p0 s25, $0x1C;
	p1 =	por @p0 !p1, !p1;
	s26 =	ssub.s32 @p0 s23, s24  }
0x493: {  	v4 =	vlaneseq.u32 @p0;
	s25 =	sadd.s32 @p0 s25, s28;
	p1 =	por !p1, !p0;
	v3 =	vmov @p0 s26;
	s26 =	simm.s32 @p0 $0x1  }
0x494: {  	s25 =	sshrl.u32 @p0 s25, $0x4;
	vm0 =	veq.s32 @p0 v3, v4;
	s26 =	simm.s32 @p1 $0x0  }
0x495: {  	s25 =	ssub.s32 @p0 s25, s26;
	v2 =	vsel @p0 vm0, s28, v2  }
0x496: {  	[tilespmem:s24+$0x13000] =	vst @p0 v2;
	s24 =	sshll.u32 @p0 s25, $0x4  }
0x497: {  	v2 =	vld @p0 [tilespmem:s24+$0x13800];
	_ =	sdelay $0x1  }
.Ltmp73:
0x498: {  	s25 =	ssub.s32 @p0 s28, s24;
	(pc) =	sbr.rel .LBB2_113-.Ltmp73, $4  }
0x499: {  	s23 =	sadd.s32 @p0 $0x1, s23;
	v3 =	vmov @p0 s25  }
0x49a: {  	[smem:$0x1] =	sst @p0 s23;
	p1 =	slt.s32 @p0 s23, $0x800;
	vm0 =	veq.s32 @p0 v3, v4  }
0x49b: {  	[smem:$0x80] =	sst @p0 s2;
	p1 =	por !p0, !p1;
	v2 =	vsel @p0 vm0, $0xBF800000, v2  }
0x49c: {  	[smem:$0x2] =	sst @p1 s17;
	[tilespmem:s24+$0x13800] =	vst @p0 v2  }
.LBB2_114:
0x49d: {  	s2 =	sadd.s32 s3, s7  }
0x49e: {  	[hbm4b:s2+s18] =	stream.strided.scatter [tilespmem:s22], [sflag:$0x5], $0x800, s14, s18, $0x38;
	[tilespmem:$0x14080] =	vst v63  }
0x49f: {  	_ =	swait.ge [sflag:s12], $0x800  }
0x4a0: {  	[sflag:s12] =	ssyncset.done $0x0  }
0x4a1: {  	s7 =	simm.s32 $0x40;
	s15 =	simm.s32 $0x0;
	[sflag:s12] =	ssyncadd.s32 $0xFFFFF800  }
.LBB2_115:
0x4a2: {  	p0 =	sne.s32 s7, $0x1FC0;
	[tilespmem:s15+$0x13000] =	vst v0;
	s2 =	smov.u32 s7;
	s7 =	sadd.s32 $0x40, s7  }
.Ltmp74:
0x4a3: {  	(pc) =	sbr.rel @p0 .LBB2_115-.Ltmp74, $2  }
0x4a4: {  	_ =	sdelay $0x2  }
0x4a5: {  	s15 =	sshra.s32 s2, $0x2  }
.Ltmp75:
0x4a6: {  	_ = 	snop;
	(pc) =	sbr.rel .LBB2_116-.Ltmp75, $1  }
0x4a7: {  	_ =	sdelay $0x3  }
.LBB2_119:
0x4a8: {  	s0 =	sld [smem:$0x3];
	_ =	sdelay $0x2  }
0x4a9: {  	p0 =	slt.s32 s0, $0x1  }
.Ltmp76:
0x4aa: {  	_ = 	snop;
	(pc) =	sbr.rel @p0 .LBB2_123-.Ltmp76, $2  }
0x4ab: {  	_ =	sdelay $0x2  }
0x4ac: {  	s2 =	rddreg [dreg:$0xa]  }
0x4ad: {  	p0 =	sne.s32 s0, $0x1  }
.Ltmp77:
0x4ae: {  	_ = 	snop;
	(pc) =	sbr.rel @!p0 .LBB2_122-.Ltmp77, $3  }
0x4af: {  	_ =	sdelay $0x1  }
0x4b0: {  	_ =	swait.ge [sflag:s20], $0x10000  }
0x4b1: {  	s0 =	sadd.s32 $0xFFFFFFFF, s0;
	[sflag:s20] =	ssyncset.done $0x0  }
.LBB2_121:
0x4b2: {  	p0 =	sne.s32 s0, $0x1;
	s0 =	sadd.s32 $0xFFFFFFFF, s0;
	[sflag:s20] =	ssyncadd.s32 $0xFFFF0000  }
.Ltmp78:
0x4b3: {  	(pc) =	sbr.rel @p0 .LBB2_121-.Ltmp78, $3  }
0x4b4: {  	_ =	sdelay $0x1  }
0x4b5: {  	_ =	swait.ge [sflag:s20], $0x10000  }
0x4b6: {  	[sflag:s20] =	ssyncset.done $0x0  }
.LBB2_122:
0x4b7: {  	[sflag:s20] =	ssyncadd.s32 $0xFFFF0000  }
.LBB2_123:
0x4b8: {  	s0 =	sld [smem:$0x5];
	_ =	sdelay $0x2  }
0x4b9: {  	p0 =	slt.s32 s0, $0x1  }
.Ltmp79:
0x4ba: {  	_ = 	snop;
	(pc) =	sbr.rel @p0 .LBB2_127-.Ltmp79, $1  }
0x4bb: {  	_ =	sdelay $0x3  }
0x4bc: {  	p0 =	sne.s32 s0, $0x1  }
.Ltmp80:
0x4bd: {  	_ = 	snop;
	(pc) =	sbr.rel @!p0 .LBB2_126-.Ltmp80, $3  }
0x4be: {  	_ =	sdelay $0x1  }
0x4bf: {  	_ =	swait.ge [sflag:s21], $0x2000  }
0x4c0: {  	s0 =	sadd.s32 $0xFFFFFFFF, s0;
	[sflag:s21] =	ssyncset.done $0x0  }
.LBB2_125:
0x4c1: {  	p0 =	sne.s32 s0, $0x1;
	s0 =	sadd.s32 $0xFFFFFFFF, s0;
	[sflag:s21] =	ssyncadd.s32 $0xFFFFE000  }
.Ltmp81:
0x4c2: {  	(pc) =	sbr.rel @p0 .LBB2_125-.Ltmp81, $3  }
0x4c3: {  	_ =	sdelay $0x1  }
0x4c4: {  	_ =	swait.ge [sflag:s21], $0x2000  }
0x4c5: {  	[sflag:s21] =	ssyncset.done $0x0  }
.Ltmp82:
0x4c6: {  	_ = 	snop;
	(pc) =	sbr.rel .LBB2_126-.Ltmp82, $1  }
0x4c7: {  	_ =	sdelay $0x3  }
.LBB2_128:
0x4c8: {  	_ =	sfence.sel $0x180000  }
0x4c9: {  	[bflag:$0x0] =	sbarrier.arrive $0xFFFF  }
0x4ca: {  	_ =	strace $0x90000047  }
0x4cb: {  	s0 =	stileid.u32;
	[bflag:$0x2] =	sbarrier.arrive $0xFFFF  }
0x4cc: {  	p0 =	sne.s32 s0, $0x0;
	s0 =	rddreg [dreg:$0x4]  }
0x4cd: {  	s0 =	sadd.s32 @!p0 $0x100000, s0  }
0x4ce: {  	[sflag:s0] =	ssyncadd.tile.s32 @!p0 $0x1;
	_ =	shalt  }
.Lfunc_end2:
_tile_overlayer_lowered:
.L_overlay_start_2:
0x4cf: {  	(tag) =	ssettag $0x2  }
0x4d0: {  	s0 =	rddreg [dreg:$0x0];
	s2 =	stileid.u32  }
0x4d1: {  	s1 =	rddreg [dreg:$0x1];
	p0 =	sne.s32 s2, $0x0  }
0x4d2: {  	s3 =	rddreg [dreg:$0x2];
	[bflag:$0x3] =	sbarrier.arrive $0xFFFF;
	s2 =	simm.s32 @!p0 $0x1C05  }
0x4d3: {  	[timem:s3], [sflag:s2] =	dma.local @!p0 [hbm:s0], s1  }
0x4d4: {  	s0 =	simm.s32 @!p0 $0x5  }
0x4d5: {  	_ =	swait.ge @!p0 [sflag:s0], s1  }
0x4d6: {  	s1 =	ssub.s32 @!p0 $0x0, s1;
	[sflag:s0] =	ssyncset.done @!p0 $0x0  }
0x4d7: {  	[sflag:s0] =	ssyncadd.s32 @!p0 s1  }
0x4d8: {  	[bflag:$0x3] =	sbarrier.arrive $0xFFFF  }
0x4d9: {  	_ =	shalt  }

</sc_bundles>
